<compile_context>
chip_gen: v7x
topology: tpu7x:2x2x1
jax: 0.10.2.dev20260603
libtpu: 0.0.44.dev20260713+nightly
codegen_flags: <defaults>
</compile_context>

<pallas_src>
import functools

import jax
import jax.numpy as jnp
from jax import lax
from jax.experimental import pallas as pl
from jax.experimental.pallas import tpu as pltpu
from jax.experimental.pallas import tpu_sc as plsc

_NC = 2
_NS = 16
_L = 16
_HB = 256
_MIN32 = -2147483648


def _monokey(xv):
    b = lax.bitcast_convert_type(xv, jnp.int32)
    sgn = jnp.right_shift(b, 31)
    mag = jnp.bitwise_and(b, jnp.int32(0x7FFFFFFF))
    return jnp.bitwise_xor(mag, sgn) - sgn


def _digit(key, shift):
    u = jnp.bitwise_xor(key, _MIN32)
    sh = jnp.full(key.shape, shift, jnp.int32)
    return jnp.bitwise_and(lax.shift_right_logical(u, sh), jnp.int32(0xFF))


@functools.lru_cache(maxsize=None)
def _build(nrows, ncols, k, interpret=False):
    nv = ncols // _L
    nw = _NC * _NS
    rpw = nrows // nw
    mesh = plsc.VectorSubcoreMesh(
        core_axis_name="c", subcore_axis_name="s",
        num_cores=_NC, num_subcores=_NS)

    def body(x_hbm, out_hbm, xrow, cand, hist, suffix, outv):
        c = lax.axis_index("c")
        s = lax.axis_index("s")
        wid = s * _NC + c
        lane = lax.iota(jnp.int32, _L)
        ones = jnp.ones((_L,), jnp.int32)
        zeros = jnp.zeros((_L,), jnp.int32)

        def clear_hist():
            def clr(i, carry):
                hist[pl.ds(i * _L, _L)] = zeros
                return carry
            lax.fori_loop(0, _L * _HB // _L, clr, 0)

        def hist_pass_x():
            clear_hist()

            def hb(i, carry):
                xv = xrow[pl.ds(i * _L, _L)]
                d = _digit(_monokey(xv), 24)
                plsc.addupdate_scatter(hist, [lane * _HB + d], ones)
                return carry
            lax.fori_loop(0, nv, hb, 0)

        def hist_pass_cand(n, shift):
            clear_hist()
            nvreg = (n + _L - 1) // _L

            def hb(i, carry):
                valid = (i * _L + lane) < n
                key = cand[pl.ds(i * _L, _L)]
                d = _digit(key, shift)
                plsc.addupdate_scatter(hist, [lane * _HB + d], ones,
                                       mask=valid)
                return carry
            lax.fori_loop(0, nvreg, hb, 0)

        def find_bucket(n, kk):
            for step in (8, 4, 2, 1):
                def red(i, carry):
                    a = hist[pl.ds(i * _L, _L)]
                    b2 = hist[pl.ds(step * _HB + i * _L, _L)]
                    hist[pl.ds(i * _L, _L)] = a + b2
                    return carry
                lax.fori_loop(0, step * _HB // _L, red, 0)
            suffix[pl.ds(_HB, _L)] = zeros
            carry = jnp.int32(0)
            bcount = zeros
            for jj in range(_HB // _L):
                t = hist[pl.ds(jj * _L, _L)]
                csum = plsc.cumsum(t)
                excl = (csum - t) + carry
                suf = n - excl
                suffix[pl.ds(jj * _L, _L)] = suf
                carry = carry + jnp.sum(t)
                bcount = bcount + plsc.all_reduce_population_count(suf >= kk)
            above_v = plsc.load_gather(suffix, [bcount])
            at_v = plsc.load_gather(suffix, [bcount - 1])
            above = jnp.max(above_v)
            bsel = jnp.max(bcount) - 1
            return bsel, kk - above, jnp.max(at_v) - above

        def compact_x(b0):
            def cb(i, p):
                xv = xrow[pl.ds(i * _L, _L)]
                key = _monokey(xv)
                m = _digit(key, 24) == b0
                mi = m.astype(jnp.int32)
                r = plsc.cumsum(mi) - mi
                plsc.store_scatter(cand, [p + r], key, mask=m)
                return p + plsc.all_reduce_population_count(m)
            lax.fori_loop(0, nv, cb, zeros)

        def compact_cand(n, b, shift):
            nvreg = (n + _L - 1) // _L

            def cb(i, p):
                valid = (i * _L + lane) < n
                key = cand[pl.ds(i * _L, _L)]
                m = valid & (_digit(key, shift) == b)
                mi = m.astype(jnp.int32)
                r = plsc.cumsum(mi) - mi
                plsc.store_scatter(cand, [p + r], key, mask=m)
                return p + plsc.all_reduce_population_count(m)
            lax.fori_loop(0, nvreg, cb, zeros)

        def final_pass(tkey, kk):
            def fb(i, pe):
                p, eqs = pe
                xv = xrow[pl.ds(i * _L, _L)]
                key = _monokey(xv)
                mgt = key > tkey
                meq = key == tkey
                ceq = plsc.cumsum(meq.astype(jnp.int32))
                m = mgt | (meq & ((eqs + ceq) <= kk))
                mi = m.astype(jnp.int32)
                r = plsc.cumsum(mi) - mi
                plsc.store_scatter(outv, [p + r], xv, mask=m)
                return (p + plsc.all_reduce_population_count(m),
                        eqs + plsc.all_reduce_population_count(meq))
            lax.fori_loop(0, nv, fb, (zeros, zeros))

        def per_row(j, carry):
            row = wid * rpw + j
            pltpu.sync_copy(x_hbm.at[row], xrow)
            hist_pass_x()
            b0, kk, n_cur = find_bucket(jnp.int32(ncols), jnp.int32(k))
            compact_x(b0)
            tu = jnp.left_shift(b0, 24)
            for lvl in (1, 2, 3):
                shift = 24 - 8 * lvl
                hist_pass_cand(n_cur, shift)
                b, kk, n_next = find_bucket(n_cur, kk)
                tu = jnp.bitwise_or(tu, jnp.left_shift(b, shift))
                if lvl < 3:
                    compact_cand(n_cur, b, shift)
                n_cur = n_next
            tkey = jnp.bitwise_xor(tu, _MIN32)
            final_pass(tkey, kk)
            pltpu.sync_copy(outv.at[pl.ds(0, k)], out_hbm.at[row])
            return carry
        lax.fori_loop(0, rpw, per_row, 0)

    return pl.kernel(
        body,
        out_type=jax.ShapeDtypeStruct((nrows, k), jnp.float32),
        mesh=mesh,
        scratch_types=[
            pltpu.VMEM((ncols,), jnp.float32),
            pltpu.VMEM((ncols + _L,), jnp.int32),
            pltpu.VMEM((_L * _HB,), jnp.int32),
            pltpu.VMEM((_HB + _L,), jnp.int32),
            pltpu.VMEM((k + _L,), jnp.float32),
        ],
        compiler_params=pltpu.CompilerParams(needs_layout_passes=False),
        interpret=interpret,
    )


def kernel(x, dim):
    del dim
    nrows, ncols = x.shape
    return _build(nrows, ncols, 1024)(x)

# --- scband reference (transcript-rebuilt; emitter-appended) ---
"""Pipeline reference for scband-k-max-pooling-41429254537637 (READ-ONLY COPY).

The authoritative reference and input builder live on the scoring server;
editing this copy changes nothing except your own understanding.
"""

import jax, jax.numpy as jnp
import numpy as np

K = 1024
DIM = 1  # static axis value always passed by setup_inputs

def setup_inputs(seed: int = 0) -> dict:
    key = jax.random.key(seed)
    x = jax.random.normal(key, (128, 32768), dtype=jnp.float32)
    return {"x": x, "dim": 1}

def reference(x, dim):
    # K_MaxPooling: take top-k along `dim`, sort the selected indices ascending
    # (to preserve original ordering), then gather values at those indices.
    xm = jnp.moveaxis(x, DIM, -1)
    _, idx = jax.lax.top_k(xm, K)
    idx = jnp.sort(idx, axis=-1)
    out = jnp.take_along_axis(xm, idx, axis=-1)
    out = jnp.moveaxis(out, -1, DIM)
    return jnp.where(dim == DIM, out, out)

if __name__ == "__main__":
    import jax
    _d = setup_inputs()
    print(jax.jit(kernel)(*tuple(_d.values())))

</pallas_src>

<mosaic_0001>
#map = affine_map<(d0, d1) -> (0, 0)>
module attributes {stable_mosaic.version = 14 : i64} {
  func.func @body(%arg0: i32, %arg1: i32, %arg2: memref<128x32768xf32, #tpu.memory_space<hbm>>, %arg3: memref<128x1024xf32, #tpu.memory_space<hbm>>, %arg4: memref<32768xf32, #tpu.memory_space<vmem>>, %arg5: memref<32784xi32, #tpu.memory_space<vmem>>, %arg6: memref<4096xi32, #tpu.memory_space<vmem>>, %arg7: memref<272xi32, #tpu.memory_space<vmem>>, %arg8: memref<1040xf32, #tpu.memory_space<vmem>>) attributes {dimension_semantics = [#tpu.dimension_semantics<core_parallel>, #tpu.dimension_semantics<subcore_parallel>], iteration_bounds = array<i64: 2, 16>, scalar_prefetch = 0 : i64, scratch_operands = 5 : i64, tpu.core_type = #tpu.core_type<sc_vector_subcore>, window_params = [{transform_indices = #map}, {transform_indices = #map}]} {
    %mul3A = arith.constant 2 : i32
    %mul3A_0 = arith.muli %arg1, %mul3A : i32
    %add3A = arith.addi %mul3A_0, %arg0 : i32
    %iota3A = tpu.iota {dimensions = array<i32: 0>} : vector<16xi32>
    %broadcast_in_dim3A = arith.constant 1 : i32
    %broadcast_in_dim3A_1 = vector.broadcast %broadcast_in_dim3A : i32 to vector<16xi32>
    %broadcast_in_dim3A_2 = arith.constant 0 : i32
    %broadcast_in_dim3A_3 = vector.broadcast %broadcast_in_dim3A_2 : i32 to vector<16xi32>
    %scan3A = arith.constant 0 : i32
    %scan3A_4 = arith.constant 0 : i32
    %scan3A_5 = arith.constant 4 : i32
    %scan3A_6 = arith.addi %scan3A_4, %scan3A_5 : i32
    %scan3A_7 = arith.constant 1 : i32
    scf.for %scan3A_9 = %scan3A_4 to %scan3A_6 step %scan3A_7  : i32 {
      %mul3A_10 = arith.constant 4 : i32
      %mul3A_11 = arith.muli %add3A, %mul3A_10 : i32
      %add3A_12 = arith.addi %mul3A_11, %scan3A_9 : i32
      "tpu.region"() ({
        %run_scoped3A = tpu.sem_alloc : memref<!tpu.dma_semaphore, #tpu.memory_space<semaphore_mem>>
        %dma_start3A = arith.constant 0 : i32
        %dma_start3A_1861 = tpu.memref_slice %arg2[%add3A_12, %dma_start3A] : memref<128x32768xf32, #tpu.memory_space<hbm>> -> memref<1x32768xf32, #tpu.memory_space<hbm>>
        %dma_start3A_1862 = tpu.memref_squeeze %dma_start3A_1861 : memref<1x32768xf32, #tpu.memory_space<hbm>> -> memref<32768xf32, #tpu.memory_space<hbm>>
        %dma_start3A_1863 = arith.constant 0 : i32
        %dma_start3A_1864 = tpu.memref_slice %arg2[%add3A_12, %dma_start3A_1863] : memref<128x32768xf32, #tpu.memory_space<hbm>> -> memref<1x32768xf32, #tpu.memory_space<hbm>>
        %dma_start3A_1865 = tpu.memref_squeeze %dma_start3A_1864 : memref<1x32768xf32, #tpu.memory_space<hbm>> -> memref<32768xf32, #tpu.memory_space<hbm>>
        tpu.enqueue_dma source(%dma_start3A_1865 : memref<32768xf32, #tpu.memory_space<hbm>>) target(%arg4 : memref<32768xf32, #tpu.memory_space<vmem>>) target_semaphore(%run_scoped3A : memref<!tpu.dma_semaphore, #tpu.memory_space<semaphore_mem>>)
        %dma_wait3A = arith.constant 0 : i32
        %dma_wait3A_1866 = tpu.memref_slice %arg2[%add3A_12, %dma_wait3A] : memref<128x32768xf32, #tpu.memory_space<hbm>> -> memref<1x32768xf32, #tpu.memory_space<hbm>>
        %dma_wait3A_1867 = tpu.memref_squeeze %dma_wait3A_1866 : memref<1x32768xf32, #tpu.memory_space<hbm>> -> memref<32768xf32, #tpu.memory_space<hbm>>
        %dma_wait3A_1868 = arith.constant 0 : i32
        %dma_wait3A_1869 = tpu.memref_slice %arg2[%add3A_12, %dma_wait3A_1868] : memref<128x32768xf32, #tpu.memory_space<hbm>> -> memref<1x32768xf32, #tpu.memory_space<hbm>>
        %dma_wait3A_1870 = tpu.memref_squeeze %dma_wait3A_1869 : memref<1x32768xf32, #tpu.memory_space<hbm>> -> memref<32768xf32, #tpu.memory_space<hbm>>
        tpu.wait_dma2 semaphore(%run_scoped3A : memref<!tpu.dma_semaphore, #tpu.memory_space<semaphore_mem>>) src(%dma_wait3A_1870 : memref<32768xf32, #tpu.memory_space<hbm>>) dst(%arg4 : memref<32768xf32, #tpu.memory_space<vmem>>)
        tpu.yield
      }) : () -> ()
      %scan3A_13 = arith.constant 0 : i32
      %scan3A_14 = arith.constant 0 : i32
      %scan3A_15 = arith.constant 256 : i32
      %scan3A_16 = arith.addi %scan3A_14, %scan3A_15 : i32
      %scan3A_17 = arith.constant 1 : i32
      scf.for %scan3A_1861 = %scan3A_14 to %scan3A_16 step %scan3A_17  : i32 {
        %mul3A_1862 = arith.constant 16 : i32
        %mul3A_1863 = arith.muli %scan3A_1861, %mul3A_1862 : i32
        %swap3A_1864 = arith.index_cast %mul3A_1863 : i32 to index
        %swap3A_1865 = tpu.vector_load %arg6[%swap3A_1864] {strides = array<i32>} : memref<4096xi32, #tpu.memory_space<vmem>>, vector<16xi32>,
        tpu.vector_store %arg6[%swap3A_1864], %broadcast_in_dim3A_3 {strides = array<i32>} : memref<4096xi32, #tpu.memory_space<vmem>>, vector<16xi32>,
      }
      %scan3A_18 = arith.constant 256 : i32
      %scan3A_19 = arith.constant 0 : i32
      %scan3A_20 = arith.constant 0 : i32
      %scan3A_21 = arith.constant 2048 : i32
      %scan3A_22 = arith.addi %scan3A_20, %scan3A_21 : i32
      %scan3A_23 = arith.constant 1 : i32
      scf.for %scan3A_1861 = %scan3A_20 to %scan3A_22 step %scan3A_23  : i32 {
        %mul3A_1862 = arith.constant 16 : i32
        %mul3A_1863 = arith.muli %scan3A_1861, %mul3A_1862 : i32
        %get3A_1864 = arith.index_cast %mul3A_1863 : i32 to index
        %get3A_1865 = tpu.vector_load %arg4[%get3A_1864] {strides = array<i32>} : memref<32768xf32, #tpu.memory_space<vmem>>, vector<16xf32>,
        %bitcast_convert_type3A = tpu.bitcast %get3A_1865 : vector<16xf32> -> vector<16xi32>
        %shift_right_arithmetic3A = arith.constant 31 : i32
        %shift_right_arithmetic3A_1866 = vector.broadcast %shift_right_arithmetic3A : i32 to vector<16xi32>
        %shift_right_arithmetic3A_1867 = arith.shrsi %bitcast_convert_type3A, %shift_right_arithmetic3A_1866 : vector<16xi32>
        %and3A_1868 = arith.constant 2147483647 : i32
        %and3A_1869 = vector.broadcast %and3A_1868 : i32 to vector<16xi32>
        %and3A_1870 = arith.andi %bitcast_convert_type3A, %and3A_1869 : vector<16xi32>
        %xor3A_1871 = arith.xori %and3A_1870, %shift_right_arithmetic3A_1867 : vector<16xi32>
        %sub3A_1872 = arith.subi %xor3A_1871, %shift_right_arithmetic3A_1867 : vector<16xi32>
        %xor3A_1873 = arith.constant -2147483648 : i32
        %xor3A_1874 = vector.broadcast %xor3A_1873 : i32 to vector<16xi32>
        %xor3A_1875 = arith.xori %sub3A_1872, %xor3A_1874 : vector<16xi32>
        %broadcast_in_dim3A_1876 = arith.constant 24 : i32
        %broadcast_in_dim3A_1877 = vector.broadcast %broadcast_in_dim3A_1876 : i32 to vector<16xi32>
        %shift_right_logical3A = arith.shrui %xor3A_1875, %broadcast_in_dim3A_1877 : vector<16xi32>
        %and3A_1878 = arith.constant 255 : i32
        %and3A_1879 = vector.broadcast %and3A_1878 : i32 to vector<16xi32>
        %and3A_1880 = arith.andi %shift_right_logical3A, %and3A_1879 : vector<16xi32>
        %mul3A_1881 = arith.constant 256 : i32
        %mul3A_1882 = vector.broadcast %mul3A_1881 : i32 to vector<16xi32>
        %mul3A_1883 = arith.muli %iota3A, %mul3A_1882 : vector<16xi32>
        %add3A_1884 = arith.addi %mul3A_1883, %and3A_1880 : vector<16xi32>
        tpu.vector_store_idx %arg6[%add3A_1884], %broadcast_in_dim3A_1 {add = true} : memref<4096xi32, #tpu.memory_space<vmem>>[vector<16xi32>], vector<16xi32>,
      }
      %scan3A_24 = arith.constant 2048 : i32
      %scan3A_25 = arith.constant 0 : i32
      %scan3A_26 = arith.constant 0 : i32
      %scan3A_27 = arith.constant 128 : i32
      %scan3A_28 = arith.addi %scan3A_26, %scan3A_27 : i32
      %scan3A_29 = arith.constant 1 : i32
      scf.for %scan3A_1861 = %scan3A_26 to %scan3A_28 step %scan3A_29  : i32 {
        %mul3A_1862 = arith.constant 16 : i32
        %mul3A_1863 = arith.muli %scan3A_1861, %mul3A_1862 : i32
        %get3A_1864 = arith.index_cast %mul3A_1863 : i32 to index
        %get3A_1865 = tpu.vector_load %arg6[%get3A_1864] {strides = array<i32>} : memref<4096xi32, #tpu.memory_space<vmem>>, vector<16xi32>,
        %mul3A_1866 = arith.constant 16 : i32
        %mul3A_1867 = arith.muli %scan3A_1861, %mul3A_1866 : i32
        %add3A_1868 = arith.constant 2048 : i32
        %add3A_1869 = arith.addi %add3A_1868, %mul3A_1867 : i32
        %get3A_1870 = arith.index_cast %add3A_1869 : i32 to index
        %get3A_1871 = tpu.vector_load %arg6[%get3A_1870] {strides = array<i32>} : memref<4096xi32, #tpu.memory_space<vmem>>, vector<16xi32>,
        %add3A_1872 = arith.addi %get3A_1865, %get3A_1871 : vector<16xi32>
        %mul3A_1873 = arith.constant 16 : i32
        %mul3A_1874 = arith.muli %scan3A_1861, %mul3A_1873 : i32
        %swap3A_1875 = arith.index_cast %mul3A_1874 : i32 to index
        %swap3A_1876 = tpu.vector_load %arg6[%swap3A_1875] {strides = array<i32>} : memref<4096xi32, #tpu.memory_space<vmem>>, vector<16xi32>,
        tpu.vector_store %arg6[%swap3A_1875], %add3A_1872 {strides = array<i32>} : memref<4096xi32, #tpu.memory_space<vmem>>, vector<16xi32>,
      }
      %scan3A_30 = arith.constant 128 : i32
      %scan3A_31 = arith.constant 0 : i32
      %scan3A_32 = arith.constant 0 : i32
      %scan3A_33 = arith.constant 64 : i32
      %scan3A_34 = arith.addi %scan3A_32, %scan3A_33 : i32
      %scan3A_35 = arith.constant 1 : i32
      scf.for %scan3A_1861 = %scan3A_32 to %scan3A_34 step %scan3A_35  : i32 {
        %mul3A_1862 = arith.constant 16 : i32
        %mul3A_1863 = arith.muli %scan3A_1861, %mul3A_1862 : i32
        %get3A_1864 = arith.index_cast %mul3A_1863 : i32 to index
        %get3A_1865 = tpu.vector_load %arg6[%get3A_1864] {strides = array<i32>} : memref<4096xi32, #tpu.memory_space<vmem>>, vector<16xi32>,
        %mul3A_1866 = arith.constant 16 : i32
        %mul3A_1867 = arith.muli %scan3A_1861, %mul3A_1866 : i32
        %add3A_1868 = arith.constant 1024 : i32
        %add3A_1869 = arith.addi %add3A_1868, %mul3A_1867 : i32
        %get3A_1870 = arith.index_cast %add3A_1869 : i32 to index
        %get3A_1871 = tpu.vector_load %arg6[%get3A_1870] {strides = array<i32>} : memref<4096xi32, #tpu.memory_space<vmem>>, vector<16xi32>,
        %add3A_1872 = arith.addi %get3A_1865, %get3A_1871 : vector<16xi32>
        %mul3A_1873 = arith.constant 16 : i32
        %mul3A_1874 = arith.muli %scan3A_1861, %mul3A_1873 : i32
        %swap3A_1875 = arith.index_cast %mul3A_1874 : i32 to index
        %swap3A_1876 = tpu.vector_load %arg6[%swap3A_1875] {strides = array<i32>} : memref<4096xi32, #tpu.memory_space<vmem>>, vector<16xi32>,
        tpu.vector_store %arg6[%swap3A_1875], %add3A_1872 {strides = array<i32>} : memref<4096xi32, #tpu.memory_space<vmem>>, vector<16xi32>,
      }
      %scan3A_36 = arith.constant 64 : i32
      %scan3A_37 = arith.constant 0 : i32
      %scan3A_38 = arith.constant 0 : i32
      %scan3A_39 = arith.constant 32 : i32
      %scan3A_40 = arith.addi %scan3A_38, %scan3A_39 : i32
      %scan3A_41 = arith.constant 1 : i32
      scf.for %scan3A_1861 = %scan3A_38 to %scan3A_40 step %scan3A_41  : i32 {
        %mul3A_1862 = arith.constant 16 : i32
        %mul3A_1863 = arith.muli %scan3A_1861, %mul3A_1862 : i32
        %get3A_1864 = arith.index_cast %mul3A_1863 : i32 to index
        %get3A_1865 = tpu.vector_load %arg6[%get3A_1864] {strides = array<i32>} : memref<4096xi32, #tpu.memory_space<vmem>>, vector<16xi32>,
        %mul3A_1866 = arith.constant 16 : i32
        %mul3A_1867 = arith.muli %scan3A_1861, %mul3A_1866 : i32
        %add3A_1868 = arith.constant 512 : i32
        %add3A_1869 = arith.addi %add3A_1868, %mul3A_1867 : i32
        %get3A_1870 = arith.index_cast %add3A_1869 : i32 to index
        %get3A_1871 = tpu.vector_load %arg6[%get3A_1870] {strides = array<i32>} : memref<4096xi32, #tpu.memory_space<vmem>>, vector<16xi32>,
        %add3A_1872 = arith.addi %get3A_1865, %get3A_1871 : vector<16xi32>
        %mul3A_1873 = arith.constant 16 : i32
        %mul3A_1874 = arith.muli %scan3A_1861, %mul3A_1873 : i32
        %swap3A_1875 = arith.index_cast %mul3A_1874 : i32 to index
        %swap3A_1876 = tpu.vector_load %arg6[%swap3A_1875] {strides = array<i32>} : memref<4096xi32, #tpu.memory_space<vmem>>, vector<16xi32>,
        tpu.vector_store %arg6[%swap3A_1875], %add3A_1872 {strides = array<i32>} : memref<4096xi32, #tpu.memory_space<vmem>>, vector<16xi32>,
      }
      %scan3A_42 = arith.constant 32 : i32
      %scan3A_43 = arith.constant 0 : i32
      %scan3A_44 = arith.constant 0 : i32
      %scan3A_45 = arith.constant 16 : i32
      %scan3A_46 = arith.addi %scan3A_44, %scan3A_45 : i32
      %scan3A_47 = arith.constant 1 : i32
      scf.for %scan3A_1861 = %scan3A_44 to %scan3A_46 step %scan3A_47  : i32 {
        %mul3A_1862 = arith.constant 16 : i32
        %mul3A_1863 = arith.muli %scan3A_1861, %mul3A_1862 : i32
        %get3A_1864 = arith.index_cast %mul3A_1863 : i32 to index
        %get3A_1865 = tpu.vector_load %arg6[%get3A_1864] {strides = array<i32>} : memref<4096xi32, #tpu.memory_space<vmem>>, vector<16xi32>,
        %mul3A_1866 = arith.constant 16 : i32
        %mul3A_1867 = arith.muli %scan3A_1861, %mul3A_1866 : i32
        %add3A_1868 = arith.constant 256 : i32
        %add3A_1869 = arith.addi %add3A_1868, %mul3A_1867 : i32
        %get3A_1870 = arith.index_cast %add3A_1869 : i32 to index
        %get3A_1871 = tpu.vector_load %arg6[%get3A_1870] {strides = array<i32>} : memref<4096xi32, #tpu.memory_space<vmem>>, vector<16xi32>,
        %add3A_1872 = arith.addi %get3A_1865, %get3A_1871 : vector<16xi32>
        %mul3A_1873 = arith.constant 16 : i32
        %mul3A_1874 = arith.muli %scan3A_1861, %mul3A_1873 : i32
        %swap3A_1875 = arith.index_cast %mul3A_1874 : i32 to index
        %swap3A_1876 = tpu.vector_load %arg6[%swap3A_1875] {strides = array<i32>} : memref<4096xi32, #tpu.memory_space<vmem>>, vector<16xi32>,
        tpu.vector_store %arg6[%swap3A_1875], %add3A_1872 {strides = array<i32>} : memref<4096xi32, #tpu.memory_space<vmem>>, vector<16xi32>,
      }
      %scan3A_48 = arith.constant 16 : i32
      %swap3A = arith.constant 256 : index
      %swap3A_49 = tpu.vector_load %arg7[%swap3A] {strides = array<i32>} : memref<272xi32, #tpu.memory_space<vmem>>, vector<16xi32>,
      tpu.vector_store %arg7[%swap3A], %broadcast_in_dim3A_3 {strides = array<i32>} : memref<272xi32, #tpu.memory_space<vmem>>, vector<16xi32>,
      %get3A = arith.constant 0 : index
      %get3A_50 = tpu.vector_load %arg6[%get3A] {strides = array<i32>} : memref<4096xi32, #tpu.memory_space<vmem>>, vector<16xi32>,
      %broadcast_in_dim3A_51 = arith.constant true
      %broadcast_in_dim3A_52 = vector.broadcast %broadcast_in_dim3A_51 : i1 to vector<16xi1>
      %masked_cumsum3A = tpu.scan <sum>, %get3A_50 masked %broadcast_in_dim3A_52 : vector<16xi32>, vector<16xi1> -> vector<16xi32>
      %sub3A = arith.subi %masked_cumsum3A, %get3A_50 : vector<16xi32>
      %add3A_53 = arith.constant 0 : i32
      %add3A_54 = vector.broadcast %add3A_53 : i32 to vector<16xi32>
      %add3A_55 = arith.addi %sub3A, %add3A_54 : vector<16xi32>
      %sub3A_56 = arith.constant 32768 : i32
      %sub3A_57 = vector.broadcast %sub3A_56 : i32 to vector<16xi32>
      %sub3A_58 = arith.subi %sub3A_57, %add3A_55 : vector<16xi32>
      %swap3A_59 = arith.constant 0 : index
      %swap3A_60 = tpu.vector_load %arg7[%swap3A_59] {strides = array<i32>} : memref<272xi32, #tpu.memory_space<vmem>>, vector<16xi32>,
      tpu.vector_store %arg7[%swap3A_59], %sub3A_58 {strides = array<i32>} : memref<272xi32, #tpu.memory_space<vmem>>, vector<16xi32>,
      %reduce_sum3A = arith.constant true
      %reduce_sum3A_61 = vector.broadcast %reduce_sum3A : i1 to vector<16xi1>
      %reduce_sum3A_62 = tpu.scan <sum>, %get3A_50 masked %reduce_sum3A_61 : vector<16xi32>, vector<16xi1> -> vector<16xi32>
      %reduce_sum3A_63 = vector.extract %reduce_sum3A_62[15] : i32 from vector<16xi32>
      %add3A_64 = arith.constant 0 : i32
      %add3A_65 = arith.addi %add3A_64, %reduce_sum3A_63 : i32
      %ge3A = arith.constant 1024 : i32
      %ge3A_66 = vector.broadcast %ge3A : i32 to vector<16xi32>
      %ge3A_67 = arith.cmpi sge, %sub3A_58, %ge3A_66 : vector<16xi32>
      %all_reduce_population_count3A = tpu.all_reduce %ge3A_67 {dim = 0 : i64, kind = #tpu.reduction_kind<sum>} : vector<16xi1> -> vector<16xi32>
      %add3A_68 = arith.addi %broadcast_in_dim3A_3, %all_reduce_population_count3A : vector<16xi32>
      %get3A_69 = arith.constant 16 : index
      %get3A_70 = tpu.vector_load %arg6[%get3A_69] {strides = array<i32>} : memref<4096xi32, #tpu.memory_space<vmem>>, vector<16xi32>,
      %broadcast_in_dim3A_71 = arith.constant true
      %broadcast_in_dim3A_72 = vector.broadcast %broadcast_in_dim3A_71 : i1 to vector<16xi1>
      %masked_cumsum3A_73 = tpu.scan <sum>, %get3A_70 masked %broadcast_in_dim3A_72 : vector<16xi32>, vector<16xi1> -> vector<16xi32>
      %sub3A_74 = arith.subi %masked_cumsum3A_73, %get3A_70 : vector<16xi32>
      %add3A_75 = vector.broadcast %add3A_65 : i32 to vector<16xi32>
      %add3A_76 = arith.addi %sub3A_74, %add3A_75 : vector<16xi32>
      %sub3A_77 = arith.constant 32768 : i32
      %sub3A_78 = vector.broadcast %sub3A_77 : i32 to vector<16xi32>
      %sub3A_79 = arith.subi %sub3A_78, %add3A_76 : vector<16xi32>
      %swap3A_80 = arith.constant 16 : index
      %swap3A_81 = tpu.vector_load %arg7[%swap3A_80] {strides = array<i32>} : memref<272xi32, #tpu.memory_space<vmem>>, vector<16xi32>,
      tpu.vector_store %arg7[%swap3A_80], %sub3A_79 {strides = array<i32>} : memref<272xi32, #tpu.memory_space<vmem>>, vector<16xi32>,
      %reduce_sum3A_82 = arith.constant true
      %reduce_sum3A_83 = vector.broadcast %reduce_sum3A_82 : i1 to vector<16xi1>
      %reduce_sum3A_84 = tpu.scan <sum>, %get3A_70 masked %reduce_sum3A_83 : vector<16xi32>, vector<16xi1> -> vector<16xi32>
      %reduce_sum3A_85 = vector.extract %reduce_sum3A_84[15] : i32 from vector<16xi32>
      %add3A_86 = arith.addi %add3A_65, %reduce_sum3A_85 : i32
      %ge3A_87 = arith.constant 1024 : i32
      %ge3A_88 = vector.broadcast %ge3A_87 : i32 to vector<16xi32>
      %ge3A_89 = arith.cmpi sge, %sub3A_79, %ge3A_88 : vector<16xi32>
      %all_reduce_population_count3A_90 = tpu.all_reduce %ge3A_89 {dim = 0 : i64, kind = #tpu.reduction_kind<sum>} : vector<16xi1> -> vector<16xi32>
      %add3A_91 = arith.addi %add3A_68, %all_reduce_population_count3A_90 : vector<16xi32>
      %get3A_92 = arith.constant 32 : index
      %get3A_93 = tpu.vector_load %arg6[%get3A_92] {strides = array<i32>} : memref<4096xi32, #tpu.memory_space<vmem>>, vector<16xi32>,
      %broadcast_in_dim3A_94 = arith.constant true
      %broadcast_in_dim3A_95 = vector.broadcast %broadcast_in_dim3A_94 : i1 to vector<16xi1>
      %masked_cumsum3A_96 = tpu.scan <sum>, %get3A_93 masked %broadcast_in_dim3A_95 : vector<16xi32>, vector<16xi1> -> vector<16xi32>
      %sub3A_97 = arith.subi %masked_cumsum3A_96, %get3A_93 : vector<16xi32>
      %add3A_98 = vector.broadcast %add3A_86 : i32 to vector<16xi32>
      %add3A_99 = arith.addi %sub3A_97, %add3A_98 : vector<16xi32>
      %sub3A_100 = arith.constant 32768 : i32
      %sub3A_101 = vector.broadcast %sub3A_100 : i32 to vector<16xi32>
      %sub3A_102 = arith.subi %sub3A_101, %add3A_99 : vector<16xi32>
      %swap3A_103 = arith.constant 32 : index
      %swap3A_104 = tpu.vector_load %arg7[%swap3A_103] {strides = array<i32>} : memref<272xi32, #tpu.memory_space<vmem>>, vector<16xi32>,
      tpu.vector_store %arg7[%swap3A_103], %sub3A_102 {strides = array<i32>} : memref<272xi32, #tpu.memory_space<vmem>>, vector<16xi32>,
      %reduce_sum3A_105 = arith.constant true
      %reduce_sum3A_106 = vector.broadcast %reduce_sum3A_105 : i1 to vector<16xi1>
      %reduce_sum3A_107 = tpu.scan <sum>, %get3A_93 masked %reduce_sum3A_106 : vector<16xi32>, vector<16xi1> -> vector<16xi32>
      %reduce_sum3A_108 = vector.extract %reduce_sum3A_107[15] : i32 from vector<16xi32>
      %add3A_109 = arith.addi %add3A_86, %reduce_sum3A_108 : i32
      %ge3A_110 = arith.constant 1024 : i32
      %ge3A_111 = vector.broadcast %ge3A_110 : i32 to vector<16xi32>
      %ge3A_112 = arith.cmpi sge, %sub3A_102, %ge3A_111 : vector<16xi32>
      %all_reduce_population_count3A_113 = tpu.all_reduce %ge3A_112 {dim = 0 : i64, kind = #tpu.reduction_kind<sum>} : vector<16xi1> -> vector<16xi32>
      %add3A_114 = arith.addi %add3A_91, %all_reduce_population_count3A_113 : vector<16xi32>
      %get3A_115 = arith.constant 48 : index
      %get3A_116 = tpu.vector_load %arg6[%get3A_115] {strides = array<i32>} : memref<4096xi32, #tpu.memory_space<vmem>>, vector<16xi32>,
      %broadcast_in_dim3A_117 = arith.constant true
      %broadcast_in_dim3A_118 = vector.broadcast %broadcast_in_dim3A_117 : i1 to vector<16xi1>
      %masked_cumsum3A_119 = tpu.scan <sum>, %get3A_116 masked %broadcast_in_dim3A_118 : vector<16xi32>, vector<16xi1> -> vector<16xi32>
      %sub3A_120 = arith.subi %masked_cumsum3A_119, %get3A_116 : vector<16xi32>
      %add3A_121 = vector.broadcast %add3A_109 : i32 to vector<16xi32>
      %add3A_122 = arith.addi %sub3A_120, %add3A_121 : vector<16xi32>
      %sub3A_123 = arith.constant 32768 : i32
      %sub3A_124 = vector.broadcast %sub3A_123 : i32 to vector<16xi32>
      %sub3A_125 = arith.subi %sub3A_124, %add3A_122 : vector<16xi32>
      %swap3A_126 = arith.constant 48 : index
      %swap3A_127 = tpu.vector_load %arg7[%swap3A_126] {strides = array<i32>} : memref<272xi32, #tpu.memory_space<vmem>>, vector<16xi32>,
      tpu.vector_store %arg7[%swap3A_126], %sub3A_125 {strides = array<i32>} : memref<272xi32, #tpu.memory_space<vmem>>, vector<16xi32>,
      %reduce_sum3A_128 = arith.constant true
      %reduce_sum3A_129 = vector.broadcast %reduce_sum3A_128 : i1 to vector<16xi1>
      %reduce_sum3A_130 = tpu.scan <sum>, %get3A_116 masked %reduce_sum3A_129 : vector<16xi32>, vector<16xi1> -> vector<16xi32>
      %reduce_sum3A_131 = vector.extract %reduce_sum3A_130[15] : i32 from vector<16xi32>
      %add3A_132 = arith.addi %add3A_109, %reduce_sum3A_131 : i32
      %ge3A_133 = arith.constant 1024 : i32
      %ge3A_134 = vector.broadcast %ge3A_133 : i32 to vector<16xi32>
      %ge3A_135 = arith.cmpi sge, %sub3A_125, %ge3A_134 : vector<16xi32>
      %all_reduce_population_count3A_136 = tpu.all_reduce %ge3A_135 {dim = 0 : i64, kind = #tpu.reduction_kind<sum>} : vector<16xi1> -> vector<16xi32>
      %add3A_137 = arith.addi %add3A_114, %all_reduce_population_count3A_136 : vector<16xi32>
      %get3A_138 = arith.constant 64 : index
      %get3A_139 = tpu.vector_load %arg6[%get3A_138] {strides = array<i32>} : memref<4096xi32, #tpu.memory_space<vmem>>, vector<16xi32>,
      %broadcast_in_dim3A_140 = arith.constant true
      %broadcast_in_dim3A_141 = vector.broadcast %broadcast_in_dim3A_140 : i1 to vector<16xi1>
      %masked_cumsum3A_142 = tpu.scan <sum>, %get3A_139 masked %broadcast_in_dim3A_141 : vector<16xi32>, vector<16xi1> -> vector<16xi32>
      %sub3A_143 = arith.subi %masked_cumsum3A_142, %get3A_139 : vector<16xi32>
      %add3A_144 = vector.broadcast %add3A_132 : i32 to vector<16xi32>
      %add3A_145 = arith.addi %sub3A_143, %add3A_144 : vector<16xi32>
      %sub3A_146 = arith.constant 32768 : i32
      %sub3A_147 = vector.broadcast %sub3A_146 : i32 to vector<16xi32>
      %sub3A_148 = arith.subi %sub3A_147, %add3A_145 : vector<16xi32>
      %swap3A_149 = arith.constant 64 : index
      %swap3A_150 = tpu.vector_load %arg7[%swap3A_149] {strides = array<i32>} : memref<272xi32, #tpu.memory_space<vmem>>, vector<16xi32>,
      tpu.vector_store %arg7[%swap3A_149], %sub3A_148 {strides = array<i32>} : memref<272xi32, #tpu.memory_space<vmem>>, vector<16xi32>,
      %reduce_sum3A_151 = arith.constant true
      %reduce_sum3A_152 = vector.broadcast %reduce_sum3A_151 : i1 to vector<16xi1>
      %reduce_sum3A_153 = tpu.scan <sum>, %get3A_139 masked %reduce_sum3A_152 : vector<16xi32>, vector<16xi1> -> vector<16xi32>
      %reduce_sum3A_154 = vector.extract %reduce_sum3A_153[15] : i32 from vector<16xi32>
      %add3A_155 = arith.addi %add3A_132, %reduce_sum3A_154 : i32
      %ge3A_156 = arith.constant 1024 : i32
      %ge3A_157 = vector.broadcast %ge3A_156 : i32 to vector<16xi32>
      %ge3A_158 = arith.cmpi sge, %sub3A_148, %ge3A_157 : vector<16xi32>
      %all_reduce_population_count3A_159 = tpu.all_reduce %ge3A_158 {dim = 0 : i64, kind = #tpu.reduction_kind<sum>} : vector<16xi1> -> vector<16xi32>
      %add3A_160 = arith.addi %add3A_137, %all_reduce_population_count3A_159 : vector<16xi32>
      %get3A_161 = arith.constant 80 : index
      %get3A_162 = tpu.vector_load %arg6[%get3A_161] {strides = array<i32>} : memref<4096xi32, #tpu.memory_space<vmem>>, vector<16xi32>,
      %broadcast_in_dim3A_163 = arith.constant true
      %broadcast_in_dim3A_164 = vector.broadcast %broadcast_in_dim3A_163 : i1 to vector<16xi1>
      %masked_cumsum3A_165 = tpu.scan <sum>, %get3A_162 masked %broadcast_in_dim3A_164 : vector<16xi32>, vector<16xi1> -> vector<16xi32>
      %sub3A_166 = arith.subi %masked_cumsum3A_165, %get3A_162 : vector<16xi32>
      %add3A_167 = vector.broadcast %add3A_155 : i32 to vector<16xi32>
      %add3A_168 = arith.addi %sub3A_166, %add3A_167 : vector<16xi32>
      %sub3A_169 = arith.constant 32768 : i32
      %sub3A_170 = vector.broadcast %sub3A_169 : i32 to vector<16xi32>
      %sub3A_171 = arith.subi %sub3A_170, %add3A_168 : vector<16xi32>
      %swap3A_172 = arith.constant 80 : index
      %swap3A_173 = tpu.vector_load %arg7[%swap3A_172] {strides = array<i32>} : memref<272xi32, #tpu.memory_space<vmem>>, vector<16xi32>,
      tpu.vector_store %arg7[%swap3A_172], %sub3A_171 {strides = array<i32>} : memref<272xi32, #tpu.memory_space<vmem>>, vector<16xi32>,
      %reduce_sum3A_174 = arith.constant true
      %reduce_sum3A_175 = vector.broadcast %reduce_sum3A_174 : i1 to vector<16xi1>
      %reduce_sum3A_176 = tpu.scan <sum>, %get3A_162 masked %reduce_sum3A_175 : vector<16xi32>, vector<16xi1> -> vector<16xi32>
      %reduce_sum3A_177 = vector.extract %reduce_sum3A_176[15] : i32 from vector<16xi32>
      %add3A_178 = arith.addi %add3A_155, %reduce_sum3A_177 : i32
      %ge3A_179 = arith.constant 1024 : i32
      %ge3A_180 = vector.broadcast %ge3A_179 : i32 to vector<16xi32>
      %ge3A_181 = arith.cmpi sge, %sub3A_171, %ge3A_180 : vector<16xi32>
      %all_reduce_population_count3A_182 = tpu.all_reduce %ge3A_181 {dim = 0 : i64, kind = #tpu.reduction_kind<sum>} : vector<16xi1> -> vector<16xi32>
      %add3A_183 = arith.addi %add3A_160, %all_reduce_population_count3A_182 : vector<16xi32>
      %get3A_184 = arith.constant 96 : index
      %get3A_185 = tpu.vector_load %arg6[%get3A_184] {strides = array<i32>} : memref<4096xi32, #tpu.memory_space<vmem>>, vector<16xi32>,
      %broadcast_in_dim3A_186 = arith.constant true
      %broadcast_in_dim3A_187 = vector.broadcast %broadcast_in_dim3A_186 : i1 to vector<16xi1>
      %masked_cumsum3A_188 = tpu.scan <sum>, %get3A_185 masked %broadcast_in_dim3A_187 : vector<16xi32>, vector<16xi1> -> vector<16xi32>
      %sub3A_189 = arith.subi %masked_cumsum3A_188, %get3A_185 : vector<16xi32>
      %add3A_190 = vector.broadcast %add3A_178 : i32 to vector<16xi32>
      %add3A_191 = arith.addi %sub3A_189, %add3A_190 : vector<16xi32>
      %sub3A_192 = arith.constant 32768 : i32
      %sub3A_193 = vector.broadcast %sub3A_192 : i32 to vector<16xi32>
      %sub3A_194 = arith.subi %sub3A_193, %add3A_191 : vector<16xi32>
      %swap3A_195 = arith.constant 96 : index
      %swap3A_196 = tpu.vector_load %arg7[%swap3A_195] {strides = array<i32>} : memref<272xi32, #tpu.memory_space<vmem>>, vector<16xi32>,
      tpu.vector_store %arg7[%swap3A_195], %sub3A_194 {strides = array<i32>} : memref<272xi32, #tpu.memory_space<vmem>>, vector<16xi32>,
      %reduce_sum3A_197 = arith.constant true
      %reduce_sum3A_198 = vector.broadcast %reduce_sum3A_197 : i1 to vector<16xi1>
      %reduce_sum3A_199 = tpu.scan <sum>, %get3A_185 masked %reduce_sum3A_198 : vector<16xi32>, vector<16xi1> -> vector<16xi32>
      %reduce_sum3A_200 = vector.extract %reduce_sum3A_199[15] : i32 from vector<16xi32>
      %add3A_201 = arith.addi %add3A_178, %reduce_sum3A_200 : i32
      %ge3A_202 = arith.constant 1024 : i32
      %ge3A_203 = vector.broadcast %ge3A_202 : i32 to vector<16xi32>
      %ge3A_204 = arith.cmpi sge, %sub3A_194, %ge3A_203 : vector<16xi32>
      %all_reduce_population_count3A_205 = tpu.all_reduce %ge3A_204 {dim = 0 : i64, kind = #tpu.reduction_kind<sum>} : vector<16xi1> -> vector<16xi32>
      %add3A_206 = arith.addi %add3A_183, %all_reduce_population_count3A_205 : vector<16xi32>
      %get3A_207 = arith.constant 112 : index
      %get3A_208 = tpu.vector_load %arg6[%get3A_207] {strides = array<i32>} : memref<4096xi32, #tpu.memory_space<vmem>>, vector<16xi32>,
      %broadcast_in_dim3A_209 = arith.constant true
      %broadcast_in_dim3A_210 = vector.broadcast %broadcast_in_dim3A_209 : i1 to vector<16xi1>
      %masked_cumsum3A_211 = tpu.scan <sum>, %get3A_208 masked %broadcast_in_dim3A_210 : vector<16xi32>, vector<16xi1> -> vector<16xi32>
      %sub3A_212 = arith.subi %masked_cumsum3A_211, %get3A_208 : vector<16xi32>
      %add3A_213 = vector.broadcast %add3A_201 : i32 to vector<16xi32>
      %add3A_214 = arith.addi %sub3A_212, %add3A_213 : vector<16xi32>
      %sub3A_215 = arith.constant 32768 : i32
      %sub3A_216 = vector.broadcast %sub3A_215 : i32 to vector<16xi32>
      %sub3A_217 = arith.subi %sub3A_216, %add3A_214 : vector<16xi32>
      %swap3A_218 = arith.constant 112 : index
      %swap3A_219 = tpu.vector_load %arg7[%swap3A_218] {strides = array<i32>} : memref<272xi32, #tpu.memory_space<vmem>>, vector<16xi32>,
      tpu.vector_store %arg7[%swap3A_218], %sub3A_217 {strides = array<i32>} : memref<272xi32, #tpu.memory_space<vmem>>, vector<16xi32>,
      %reduce_sum3A_220 = arith.constant true
      %reduce_sum3A_221 = vector.broadcast %reduce_sum3A_220 : i1 to vector<16xi1>
      %reduce_sum3A_222 = tpu.scan <sum>, %get3A_208 masked %reduce_sum3A_221 : vector<16xi32>, vector<16xi1> -> vector<16xi32>
      %reduce_sum3A_223 = vector.extract %reduce_sum3A_222[15] : i32 from vector<16xi32>
      %add3A_224 = arith.addi %add3A_201, %reduce_sum3A_223 : i32
      %ge3A_225 = arith.constant 1024 : i32
      %ge3A_226 = vector.broadcast %ge3A_225 : i32 to vector<16xi32>
      %ge3A_227 = arith.cmpi sge, %sub3A_217, %ge3A_226 : vector<16xi32>
      %all_reduce_population_count3A_228 = tpu.all_reduce %ge3A_227 {dim = 0 : i64, kind = #tpu.reduction_kind<sum>} : vector<16xi1> -> vector<16xi32>
      %add3A_229 = arith.addi %add3A_206, %all_reduce_population_count3A_228 : vector<16xi32>
      %get3A_230 = arith.constant 128 : index
      %get3A_231 = tpu.vector_load %arg6[%get3A_230] {strides = array<i32>} : memref<4096xi32, #tpu.memory_space<vmem>>, vector<16xi32>,
      %broadcast_in_dim3A_232 = arith.constant true
      %broadcast_in_dim3A_233 = vector.broadcast %broadcast_in_dim3A_232 : i1 to vector<16xi1>
      %masked_cumsum3A_234 = tpu.scan <sum>, %get3A_231 masked %broadcast_in_dim3A_233 : vector<16xi32>, vector<16xi1> -> vector<16xi32>
      %sub3A_235 = arith.subi %masked_cumsum3A_234, %get3A_231 : vector<16xi32>
      %add3A_236 = vector.broadcast %add3A_224 : i32 to vector<16xi32>
      %add3A_237 = arith.addi %sub3A_235, %add3A_236 : vector<16xi32>
      %sub3A_238 = arith.constant 32768 : i32
      %sub3A_239 = vector.broadcast %sub3A_238 : i32 to vector<16xi32>
      %sub3A_240 = arith.subi %sub3A_239, %add3A_237 : vector<16xi32>
      %swap3A_241 = arith.constant 128 : index
      %swap3A_242 = tpu.vector_load %arg7[%swap3A_241] {strides = array<i32>} : memref<272xi32, #tpu.memory_space<vmem>>, vector<16xi32>,
      tpu.vector_store %arg7[%swap3A_241], %sub3A_240 {strides = array<i32>} : memref<272xi32, #tpu.memory_space<vmem>>, vector<16xi32>,
      %reduce_sum3A_243 = arith.constant true
      %reduce_sum3A_244 = vector.broadcast %reduce_sum3A_243 : i1 to vector<16xi1>
      %reduce_sum3A_245 = tpu.scan <sum>, %get3A_231 masked %reduce_sum3A_244 : vector<16xi32>, vector<16xi1> -> vector<16xi32>
      %reduce_sum3A_246 = vector.extract %reduce_sum3A_245[15] : i32 from vector<16xi32>
      %add3A_247 = arith.addi %add3A_224, %reduce_sum3A_246 : i32
      %ge3A_248 = arith.constant 1024 : i32
      %ge3A_249 = vector.broadcast %ge3A_248 : i32 to vector<16xi32>
      %ge3A_250 = arith.cmpi sge, %sub3A_240, %ge3A_249 : vector<16xi32>
      %all_reduce_population_count3A_251 = tpu.all_reduce %ge3A_250 {dim = 0 : i64, kind = #tpu.reduction_kind<sum>} : vector<16xi1> -> vector<16xi32>
      %add3A_252 = arith.addi %add3A_229, %all_reduce_population_count3A_251 : vector<16xi32>
      %get3A_253 = arith.constant 144 : index
      %get3A_254 = tpu.vector_load %arg6[%get3A_253] {strides = array<i32>} : memref<4096xi32, #tpu.memory_space<vmem>>, vector<16xi32>,
      %broadcast_in_dim3A_255 = arith.constant true
      %broadcast_in_dim3A_256 = vector.broadcast %broadcast_in_dim3A_255 : i1 to vector<16xi1>
      %masked_cumsum3A_257 = tpu.scan <sum>, %get3A_254 masked %broadcast_in_dim3A_256 : vector<16xi32>, vector<16xi1> -> vector<16xi32>
      %sub3A_258 = arith.subi %masked_cumsum3A_257, %get3A_254 : vector<16xi32>
      %add3A_259 = vector.broadcast %add3A_247 : i32 to vector<16xi32>
      %add3A_260 = arith.addi %sub3A_258, %add3A_259 : vector<16xi32>
      %sub3A_261 = arith.constant 32768 : i32
      %sub3A_262 = vector.broadcast %sub3A_261 : i32 to vector<16xi32>
      %sub3A_263 = arith.subi %sub3A_262, %add3A_260 : vector<16xi32>
      %swap3A_264 = arith.constant 144 : index
      %swap3A_265 = tpu.vector_load %arg7[%swap3A_264] {strides = array<i32>} : memref<272xi32, #tpu.memory_space<vmem>>, vector<16xi32>,
      tpu.vector_store %arg7[%swap3A_264], %sub3A_263 {strides = array<i32>} : memref<272xi32, #tpu.memory_space<vmem>>, vector<16xi32>,
      %reduce_sum3A_266 = arith.constant true
      %reduce_sum3A_267 = vector.broadcast %reduce_sum3A_266 : i1 to vector<16xi1>
      %reduce_sum3A_268 = tpu.scan <sum>, %get3A_254 masked %reduce_sum3A_267 : vector<16xi32>, vector<16xi1> -> vector<16xi32>
      %reduce_sum3A_269 = vector.extract %reduce_sum3A_268[15] : i32 from vector<16xi32>
      %add3A_270 = arith.addi %add3A_247, %reduce_sum3A_269 : i32
      %ge3A_271 = arith.constant 1024 : i32
      %ge3A_272 = vector.broadcast %ge3A_271 : i32 to vector<16xi32>
      %ge3A_273 = arith.cmpi sge, %sub3A_263, %ge3A_272 : vector<16xi32>
      %all_reduce_population_count3A_274 = tpu.all_reduce %ge3A_273 {dim = 0 : i64, kind = #tpu.reduction_kind<sum>} : vector<16xi1> -> vector<16xi32>
      %add3A_275 = arith.addi %add3A_252, %all_reduce_population_count3A_274 : vector<16xi32>
      %get3A_276 = arith.constant 160 : index
      %get3A_277 = tpu.vector_load %arg6[%get3A_276] {strides = array<i32>} : memref<4096xi32, #tpu.memory_space<vmem>>, vector<16xi32>,
      %broadcast_in_dim3A_278 = arith.constant true
      %broadcast_in_dim3A_279 = vector.broadcast %broadcast_in_dim3A_278 : i1 to vector<16xi1>
      %masked_cumsum3A_280 = tpu.scan <sum>, %get3A_277 masked %broadcast_in_dim3A_279 : vector<16xi32>, vector<16xi1> -> vector<16xi32>
      %sub3A_281 = arith.subi %masked_cumsum3A_280, %get3A_277 : vector<16xi32>
      %add3A_282 = vector.broadcast %add3A_270 : i32 to vector<16xi32>
      %add3A_283 = arith.addi %sub3A_281, %add3A_282 : vector<16xi32>
      %sub3A_284 = arith.constant 32768 : i32
      %sub3A_285 = vector.broadcast %sub3A_284 : i32 to vector<16xi32>
      %sub3A_286 = arith.subi %sub3A_285, %add3A_283 : vector<16xi32>
      %swap3A_287 = arith.constant 160 : index
      %swap3A_288 = tpu.vector_load %arg7[%swap3A_287] {strides = array<i32>} : memref<272xi32, #tpu.memory_space<vmem>>, vector<16xi32>,
      tpu.vector_store %arg7[%swap3A_287], %sub3A_286 {strides = array<i32>} : memref<272xi32, #tpu.memory_space<vmem>>, vector<16xi32>,
      %reduce_sum3A_289 = arith.constant true
      %reduce_sum3A_290 = vector.broadcast %reduce_sum3A_289 : i1 to vector<16xi1>
      %reduce_sum3A_291 = tpu.scan <sum>, %get3A_277 masked %reduce_sum3A_290 : vector<16xi32>, vector<16xi1> -> vector<16xi32>
      %reduce_sum3A_292 = vector.extract %reduce_sum3A_291[15] : i32 from vector<16xi32>
      %add3A_293 = arith.addi %add3A_270, %reduce_sum3A_292 : i32
      %ge3A_294 = arith.constant 1024 : i32
      %ge3A_295 = vector.broadcast %ge3A_294 : i32 to vector<16xi32>
      %ge3A_296 = arith.cmpi sge, %sub3A_286, %ge3A_295 : vector<16xi32>
      %all_reduce_population_count3A_297 = tpu.all_reduce %ge3A_296 {dim = 0 : i64, kind = #tpu.reduction_kind<sum>} : vector<16xi1> -> vector<16xi32>
      %add3A_298 = arith.addi %add3A_275, %all_reduce_population_count3A_297 : vector<16xi32>
      %get3A_299 = arith.constant 176 : index
      %get3A_300 = tpu.vector_load %arg6[%get3A_299] {strides = array<i32>} : memref<4096xi32, #tpu.memory_space<vmem>>, vector<16xi32>,
      %broadcast_in_dim3A_301 = arith.constant true
      %broadcast_in_dim3A_302 = vector.broadcast %broadcast_in_dim3A_301 : i1 to vector<16xi1>
      %masked_cumsum3A_303 = tpu.scan <sum>, %get3A_300 masked %broadcast_in_dim3A_302 : vector<16xi32>, vector<16xi1> -> vector<16xi32>
      %sub3A_304 = arith.subi %masked_cumsum3A_303, %get3A_300 : vector<16xi32>
      %add3A_305 = vector.broadcast %add3A_293 : i32 to vector<16xi32>
      %add3A_306 = arith.addi %sub3A_304, %add3A_305 : vector<16xi32>
      %sub3A_307 = arith.constant 32768 : i32
      %sub3A_308 = vector.broadcast %sub3A_307 : i32 to vector<16xi32>
      %sub3A_309 = arith.subi %sub3A_308, %add3A_306 : vector<16xi32>
      %swap3A_310 = arith.constant 176 : index
      %swap3A_311 = tpu.vector_load %arg7[%swap3A_310] {strides = array<i32>} : memref<272xi32, #tpu.memory_space<vmem>>, vector<16xi32>,
      tpu.vector_store %arg7[%swap3A_310], %sub3A_309 {strides = array<i32>} : memref<272xi32, #tpu.memory_space<vmem>>, vector<16xi32>,
      %reduce_sum3A_312 = arith.constant true
      %reduce_sum3A_313 = vector.broadcast %reduce_sum3A_312 : i1 to vector<16xi1>
      %reduce_sum3A_314 = tpu.scan <sum>, %get3A_300 masked %reduce_sum3A_313 : vector<16xi32>, vector<16xi1> -> vector<16xi32>
      %reduce_sum3A_315 = vector.extract %reduce_sum3A_314[15] : i32 from vector<16xi32>
      %add3A_316 = arith.addi %add3A_293, %reduce_sum3A_315 : i32
      %ge3A_317 = arith.constant 1024 : i32
      %ge3A_318 = vector.broadcast %ge3A_317 : i32 to vector<16xi32>
      %ge3A_319 = arith.cmpi sge, %sub3A_309, %ge3A_318 : vector<16xi32>
      %all_reduce_population_count3A_320 = tpu.all_reduce %ge3A_319 {dim = 0 : i64, kind = #tpu.reduction_kind<sum>} : vector<16xi1> -> vector<16xi32>
      %add3A_321 = arith.addi %add3A_298, %all_reduce_population_count3A_320 : vector<16xi32>
      %get3A_322 = arith.constant 192 : index
      %get3A_323 = tpu.vector_load %arg6[%get3A_322] {strides = array<i32>} : memref<4096xi32, #tpu.memory_space<vmem>>, vector<16xi32>,
      %broadcast_in_dim3A_324 = arith.constant true
      %broadcast_in_dim3A_325 = vector.broadcast %broadcast_in_dim3A_324 : i1 to vector<16xi1>
      %masked_cumsum3A_326 = tpu.scan <sum>, %get3A_323 masked %broadcast_in_dim3A_325 : vector<16xi32>, vector<16xi1> -> vector<16xi32>
      %sub3A_327 = arith.subi %masked_cumsum3A_326, %get3A_323 : vector<16xi32>
      %add3A_328 = vector.broadcast %add3A_316 : i32 to vector<16xi32>
      %add3A_329 = arith.addi %sub3A_327, %add3A_328 : vector<16xi32>
      %sub3A_330 = arith.constant 32768 : i32
      %sub3A_331 = vector.broadcast %sub3A_330 : i32 to vector<16xi32>
      %sub3A_332 = arith.subi %sub3A_331, %add3A_329 : vector<16xi32>
      %swap3A_333 = arith.constant 192 : index
      %swap3A_334 = tpu.vector_load %arg7[%swap3A_333] {strides = array<i32>} : memref<272xi32, #tpu.memory_space<vmem>>, vector<16xi32>,
      tpu.vector_store %arg7[%swap3A_333], %sub3A_332 {strides = array<i32>} : memref<272xi32, #tpu.memory_space<vmem>>, vector<16xi32>,
      %reduce_sum3A_335 = arith.constant true
      %reduce_sum3A_336 = vector.broadcast %reduce_sum3A_335 : i1 to vector<16xi1>
      %reduce_sum3A_337 = tpu.scan <sum>, %get3A_323 masked %reduce_sum3A_336 : vector<16xi32>, vector<16xi1> -> vector<16xi32>
      %reduce_sum3A_338 = vector.extract %reduce_sum3A_337[15] : i32 from vector<16xi32>
      %add3A_339 = arith.addi %add3A_316, %reduce_sum3A_338 : i32
      %ge3A_340 = arith.constant 1024 : i32
      %ge3A_341 = vector.broadcast %ge3A_340 : i32 to vector<16xi32>
      %ge3A_342 = arith.cmpi sge, %sub3A_332, %ge3A_341 : vector<16xi32>
      %all_reduce_population_count3A_343 = tpu.all_reduce %ge3A_342 {dim = 0 : i64, kind = #tpu.reduction_kind<sum>} : vector<16xi1> -> vector<16xi32>
      %add3A_344 = arith.addi %add3A_321, %all_reduce_population_count3A_343 : vector<16xi32>
      %get3A_345 = arith.constant 208 : index
      %get3A_346 = tpu.vector_load %arg6[%get3A_345] {strides = array<i32>} : memref<4096xi32, #tpu.memory_space<vmem>>, vector<16xi32>,
      %broadcast_in_dim3A_347 = arith.constant true
      %broadcast_in_dim3A_348 = vector.broadcast %broadcast_in_dim3A_347 : i1 to vector<16xi1>
      %masked_cumsum3A_349 = tpu.scan <sum>, %get3A_346 masked %broadcast_in_dim3A_348 : vector<16xi32>, vector<16xi1> -> vector<16xi32>
      %sub3A_350 = arith.subi %masked_cumsum3A_349, %get3A_346 : vector<16xi32>
      %add3A_351 = vector.broadcast %add3A_339 : i32 to vector<16xi32>
      %add3A_352 = arith.addi %sub3A_350, %add3A_351 : vector<16xi32>
      %sub3A_353 = arith.constant 32768 : i32
      %sub3A_354 = vector.broadcast %sub3A_353 : i32 to vector<16xi32>
      %sub3A_355 = arith.subi %sub3A_354, %add3A_352 : vector<16xi32>
      %swap3A_356 = arith.constant 208 : index
      %swap3A_357 = tpu.vector_load %arg7[%swap3A_356] {strides = array<i32>} : memref<272xi32, #tpu.memory_space<vmem>>, vector<16xi32>,
      tpu.vector_store %arg7[%swap3A_356], %sub3A_355 {strides = array<i32>} : memref<272xi32, #tpu.memory_space<vmem>>, vector<16xi32>,
      %reduce_sum3A_358 = arith.constant true
      %reduce_sum3A_359 = vector.broadcast %reduce_sum3A_358 : i1 to vector<16xi1>
      %reduce_sum3A_360 = tpu.scan <sum>, %get3A_346 masked %reduce_sum3A_359 : vector<16xi32>, vector<16xi1> -> vector<16xi32>
      %reduce_sum3A_361 = vector.extract %reduce_sum3A_360[15] : i32 from vector<16xi32>
      %add3A_362 = arith.addi %add3A_339, %reduce_sum3A_361 : i32
      %ge3A_363 = arith.constant 1024 : i32
      %ge3A_364 = vector.broadcast %ge3A_363 : i32 to vector<16xi32>
      %ge3A_365 = arith.cmpi sge, %sub3A_355, %ge3A_364 : vector<16xi32>
      %all_reduce_population_count3A_366 = tpu.all_reduce %ge3A_365 {dim = 0 : i64, kind = #tpu.reduction_kind<sum>} : vector<16xi1> -> vector<16xi32>
      %add3A_367 = arith.addi %add3A_344, %all_reduce_population_count3A_366 : vector<16xi32>
      %get3A_368 = arith.constant 224 : index
      %get3A_369 = tpu.vector_load %arg6[%get3A_368] {strides = array<i32>} : memref<4096xi32, #tpu.memory_space<vmem>>, vector<16xi32>,
      %broadcast_in_dim3A_370 = arith.constant true
      %broadcast_in_dim3A_371 = vector.broadcast %broadcast_in_dim3A_370 : i1 to vector<16xi1>
      %masked_cumsum3A_372 = tpu.scan <sum>, %get3A_369 masked %broadcast_in_dim3A_371 : vector<16xi32>, vector<16xi1> -> vector<16xi32>
      %sub3A_373 = arith.subi %masked_cumsum3A_372, %get3A_369 : vector<16xi32>
      %add3A_374 = vector.broadcast %add3A_362 : i32 to vector<16xi32>
      %add3A_375 = arith.addi %sub3A_373, %add3A_374 : vector<16xi32>
      %sub3A_376 = arith.constant 32768 : i32
      %sub3A_377 = vector.broadcast %sub3A_376 : i32 to vector<16xi32>
      %sub3A_378 = arith.subi %sub3A_377, %add3A_375 : vector<16xi32>
      %swap3A_379 = arith.constant 224 : index
      %swap3A_380 = tpu.vector_load %arg7[%swap3A_379] {strides = array<i32>} : memref<272xi32, #tpu.memory_space<vmem>>, vector<16xi32>,
      tpu.vector_store %arg7[%swap3A_379], %sub3A_378 {strides = array<i32>} : memref<272xi32, #tpu.memory_space<vmem>>, vector<16xi32>,
      %reduce_sum3A_381 = arith.constant true
      %reduce_sum3A_382 = vector.broadcast %reduce_sum3A_381 : i1 to vector<16xi1>
      %reduce_sum3A_383 = tpu.scan <sum>, %get3A_369 masked %reduce_sum3A_382 : vector<16xi32>, vector<16xi1> -> vector<16xi32>
      %reduce_sum3A_384 = vector.extract %reduce_sum3A_383[15] : i32 from vector<16xi32>
      %add3A_385 = arith.addi %add3A_362, %reduce_sum3A_384 : i32
      %ge3A_386 = arith.constant 1024 : i32
      %ge3A_387 = vector.broadcast %ge3A_386 : i32 to vector<16xi32>
      %ge3A_388 = arith.cmpi sge, %sub3A_378, %ge3A_387 : vector<16xi32>
      %all_reduce_population_count3A_389 = tpu.all_reduce %ge3A_388 {dim = 0 : i64, kind = #tpu.reduction_kind<sum>} : vector<16xi1> -> vector<16xi32>
      %add3A_390 = arith.addi %add3A_367, %all_reduce_population_count3A_389 : vector<16xi32>
      %get3A_391 = arith.constant 240 : index
      %get3A_392 = tpu.vector_load %arg6[%get3A_391] {strides = array<i32>} : memref<4096xi32, #tpu.memory_space<vmem>>, vector<16xi32>,
      %broadcast_in_dim3A_393 = arith.constant true
      %broadcast_in_dim3A_394 = vector.broadcast %broadcast_in_dim3A_393 : i1 to vector<16xi1>
      %masked_cumsum3A_395 = tpu.scan <sum>, %get3A_392 masked %broadcast_in_dim3A_394 : vector<16xi32>, vector<16xi1> -> vector<16xi32>
      %sub3A_396 = arith.subi %masked_cumsum3A_395, %get3A_392 : vector<16xi32>
      %add3A_397 = vector.broadcast %add3A_385 : i32 to vector<16xi32>
      %add3A_398 = arith.addi %sub3A_396, %add3A_397 : vector<16xi32>
      %sub3A_399 = arith.constant 32768 : i32
      %sub3A_400 = vector.broadcast %sub3A_399 : i32 to vector<16xi32>
      %sub3A_401 = arith.subi %sub3A_400, %add3A_398 : vector<16xi32>
      %swap3A_402 = arith.constant 240 : index
      %swap3A_403 = tpu.vector_load %arg7[%swap3A_402] {strides = array<i32>} : memref<272xi32, #tpu.memory_space<vmem>>, vector<16xi32>,
      tpu.vector_store %arg7[%swap3A_402], %sub3A_401 {strides = array<i32>} : memref<272xi32, #tpu.memory_space<vmem>>, vector<16xi32>,
      %reduce_sum3A_404 = arith.constant true
      %reduce_sum3A_405 = vector.broadcast %reduce_sum3A_404 : i1 to vector<16xi1>
      %reduce_sum3A_406 = tpu.scan <sum>, %get3A_392 masked %reduce_sum3A_405 : vector<16xi32>, vector<16xi1> -> vector<16xi32>
      %reduce_sum3A_407 = vector.extract %reduce_sum3A_406[15] : i32 from vector<16xi32>
      %add3A_408 = arith.addi %add3A_385, %reduce_sum3A_407 : i32
      %ge3A_409 = arith.constant 1024 : i32
      %ge3A_410 = vector.broadcast %ge3A_409 : i32 to vector<16xi32>
      %ge3A_411 = arith.cmpi sge, %sub3A_401, %ge3A_410 : vector<16xi32>
      %all_reduce_population_count3A_412 = tpu.all_reduce %ge3A_411 {dim = 0 : i64, kind = #tpu.reduction_kind<sum>} : vector<16xi1> -> vector<16xi32>
      %add3A_413 = arith.addi %add3A_390, %all_reduce_population_count3A_412 : vector<16xi32>
      %gather3A = tpu.vector_load_idx %arg7[%add3A_413] : memref<272xi32, #tpu.memory_space<vmem>>[vector<16xi32>], vector<16xi32>,
      %sub3A_414 = arith.constant 1 : i32
      %sub3A_415 = vector.broadcast %sub3A_414 : i32 to vector<16xi32>
      %sub3A_416 = arith.subi %add3A_413, %sub3A_415 : vector<16xi32>
      %gather3A_417 = tpu.vector_load_idx %arg7[%sub3A_416] : memref<272xi32, #tpu.memory_space<vmem>>[vector<16xi32>], vector<16xi32>,
      %reduce_max3A = arith.constant true
      %reduce_max3A_418 = vector.broadcast %reduce_max3A : i1 to vector<16xi1>
      %reduce_max3A_419 = arith.constant -2147483648 : i32
      %reduce_max3A_420 = vector.broadcast %reduce_max3A_419 : i32 to vector<16xi32>
      %reduce_max3A_421 = arith.xori %gather3A, %reduce_max3A_420 : vector<16xi32>
      %reduce_max3A_422 = tpu.scan <max>, %reduce_max3A_421 masked %reduce_max3A_418 : vector<16xi32>, vector<16xi1> -> vector<16xi32>
      %reduce_max3A_423 = arith.xori %reduce_max3A_422, %reduce_max3A_420 : vector<16xi32>
      %reduce_max3A_424 = vector.extract %reduce_max3A_423[15] : i32 from vector<16xi32>
      %reduce_max3A_425 = arith.constant true
      %reduce_max3A_426 = vector.broadcast %reduce_max3A_425 : i1 to vector<16xi1>
      %reduce_max3A_427 = arith.constant -2147483648 : i32
      %reduce_max3A_428 = vector.broadcast %reduce_max3A_427 : i32 to vector<16xi32>
      %reduce_max3A_429 = arith.xori %add3A_413, %reduce_max3A_428 : vector<16xi32>
      %reduce_max3A_430 = tpu.scan <max>, %reduce_max3A_429 masked %reduce_max3A_426 : vector<16xi32>, vector<16xi1> -> vector<16xi32>
      %reduce_max3A_431 = arith.xori %reduce_max3A_430, %reduce_max3A_428 : vector<16xi32>
      %reduce_max3A_432 = vector.extract %reduce_max3A_431[15] : i32 from vector<16xi32>
      %sub3A_433 = arith.constant 1 : i32
      %sub3A_434 = arith.subi %reduce_max3A_432, %sub3A_433 : i32
      %sub3A_435 = arith.constant 1024 : i32
      %sub3A_436 = arith.subi %sub3A_435, %reduce_max3A_424 : i32
      %reduce_max3A_437 = arith.constant true
      %reduce_max3A_438 = vector.broadcast %reduce_max3A_437 : i1 to vector<16xi1>
      %reduce_max3A_439 = arith.constant -2147483648 : i32
      %reduce_max3A_440 = vector.broadcast %reduce_max3A_439 : i32 to vector<16xi32>
      %reduce_max3A_441 = arith.xori %gather3A_417, %reduce_max3A_440 : vector<16xi32>
      %reduce_max3A_442 = tpu.scan <max>, %reduce_max3A_441 masked %reduce_max3A_438 : vector<16xi32>, vector<16xi1> -> vector<16xi32>
      %reduce_max3A_443 = arith.xori %reduce_max3A_442, %reduce_max3A_440 : vector<16xi32>
      %reduce_max3A_444 = vector.extract %reduce_max3A_443[15] : i32 from vector<16xi32>
      %sub3A_445 = arith.subi %reduce_max3A_444, %reduce_max3A_424 : i32
      %scan3A_446 = arith.constant 0 : i32
      %scan3A_447 = arith.constant 2048 : i32
      %scan3A_448 = arith.addi %scan3A_446, %scan3A_447 : i32
      %scan3A_449 = arith.constant 1 : i32
      %scan3A_450 = scf.for %scan3A_1861 = %scan3A_446 to %scan3A_448 step %scan3A_449 iter_args(%scan3A_1862 = %broadcast_in_dim3A_3) -> (vector<16xi32>)  : i32 {
        %mul3A_1863 = arith.constant 16 : i32
        %mul3A_1864 = arith.muli %scan3A_1861, %mul3A_1863 : i32
        %get3A_1865 = arith.index_cast %mul3A_1864 : i32 to index
        %get3A_1866 = tpu.vector_load %arg4[%get3A_1865] {strides = array<i32>} : memref<32768xf32, #tpu.memory_space<vmem>>, vector<16xf32>,
        %bitcast_convert_type3A = tpu.bitcast %get3A_1866 : vector<16xf32> -> vector<16xi32>
        %shift_right_arithmetic3A = arith.constant 31 : i32
        %shift_right_arithmetic3A_1867 = vector.broadcast %shift_right_arithmetic3A : i32 to vector<16xi32>
        %shift_right_arithmetic3A_1868 = arith.shrsi %bitcast_convert_type3A, %shift_right_arithmetic3A_1867 : vector<16xi32>
        %and3A_1869 = arith.constant 2147483647 : i32
        %and3A_1870 = vector.broadcast %and3A_1869 : i32 to vector<16xi32>
        %and3A_1871 = arith.andi %bitcast_convert_type3A, %and3A_1870 : vector<16xi32>
        %xor3A_1872 = arith.xori %and3A_1871, %shift_right_arithmetic3A_1868 : vector<16xi32>
        %sub3A_1873 = arith.subi %xor3A_1872, %shift_right_arithmetic3A_1868 : vector<16xi32>
        %xor3A_1874 = arith.constant -2147483648 : i32
        %xor3A_1875 = vector.broadcast %xor3A_1874 : i32 to vector<16xi32>
        %xor3A_1876 = arith.xori %sub3A_1873, %xor3A_1875 : vector<16xi32>
        %broadcast_in_dim3A_1877 = arith.constant 24 : i32
        %broadcast_in_dim3A_1878 = vector.broadcast %broadcast_in_dim3A_1877 : i32 to vector<16xi32>
        %shift_right_logical3A = arith.shrui %xor3A_1876, %broadcast_in_dim3A_1878 : vector<16xi32>
        %and3A_1879 = arith.constant 255 : i32
        %and3A_1880 = vector.broadcast %and3A_1879 : i32 to vector<16xi32>
        %and3A_1881 = arith.andi %shift_right_logical3A, %and3A_1880 : vector<16xi32>
        %eq3A = vector.broadcast %sub3A_434 : i32 to vector<16xi32>
        %eq3A_1882 = arith.cmpi eq, %and3A_1881, %eq3A : vector<16xi32>
        %convert_element_type3A = arith.extui %eq3A_1882 : vector<16xi1> to vector<16xi32>
        %broadcast_in_dim3A_1883 = arith.constant true
        %broadcast_in_dim3A_1884 = vector.broadcast %broadcast_in_dim3A_1883 : i1 to vector<16xi1>
        %masked_cumsum3A_1885 = tpu.scan <sum>, %convert_element_type3A masked %broadcast_in_dim3A_1884 : vector<16xi32>, vector<16xi1> -> vector<16xi32>
        %sub3A_1886 = arith.subi %masked_cumsum3A_1885, %convert_element_type3A : vector<16xi32>
        %add3A_1887 = arith.addi %scan3A_1862, %sub3A_1886 : vector<16xi32>
        tpu.vector_store_idx %arg5[%add3A_1887], %sub3A_1873 masked %eq3A_1882 : memref<32784xi32, #tpu.memory_space<vmem>>[vector<16xi32>], vector<16xi32>, vector<16xi1>
        %all_reduce_population_count3A_1888 = tpu.all_reduce %eq3A_1882 {dim = 0 : i64, kind = #tpu.reduction_kind<sum>} : vector<16xi1> -> vector<16xi32>
        %add3A_1889 = arith.addi %scan3A_1862, %all_reduce_population_count3A_1888 : vector<16xi32>
        scf.yield %add3A_1889 : vector<16xi32>
      }
      %scan3A_451 = arith.constant 2048 : i32
      %shift_left3A = arith.constant 24 : i32
      %shift_left3A_452 = arith.shli %sub3A_434, %shift_left3A : i32
      %scan3A_453 = arith.constant 0 : i32
      %scan3A_454 = arith.constant 0 : i32
      %scan3A_455 = arith.constant 256 : i32
      %scan3A_456 = arith.addi %scan3A_454, %scan3A_455 : i32
      %scan3A_457 = arith.constant 1 : i32
      scf.for %scan3A_1861 = %scan3A_454 to %scan3A_456 step %scan3A_457  : i32 {
        %mul3A_1862 = arith.constant 16 : i32
        %mul3A_1863 = arith.muli %scan3A_1861, %mul3A_1862 : i32
        %swap3A_1864 = arith.index_cast %mul3A_1863 : i32 to index
        %swap3A_1865 = tpu.vector_load %arg6[%swap3A_1864] {strides = array<i32>} : memref<4096xi32, #tpu.memory_space<vmem>>, vector<16xi32>,
        tpu.vector_store %arg6[%swap3A_1864], %broadcast_in_dim3A_3 {strides = array<i32>} : memref<4096xi32, #tpu.memory_space<vmem>>, vector<16xi32>,
      }
      %scan3A_458 = arith.constant 256 : i32
      %add3A_459 = arith.constant 16 : i32
      %add3A_460 = arith.addi %sub3A_445, %add3A_459 : i32
      %sub3A_461 = arith.constant 1 : i32
      %sub3A_462 = arith.subi %add3A_460, %sub3A_461 : i32
      %jit3A = arith.constant 16 : i32
      %div3A = arith.divsi %sub3A_462, %jit3A : i32
      %sign3A = arith.constant 0 : i32
      %sign3A_463 = arith.cmpi sgt, %sub3A_462, %sign3A : i32
      %sign3A_464 = arith.extui %sign3A_463 : i1 to i32
      %sign3A_465 = arith.constant 0 : i32
      %sign3A_466 = arith.cmpi slt, %sub3A_462, %sign3A_465 : i32
      %sign3A_467 = arith.extui %sign3A_466 : i1 to i32
      %sign3A_468 = arith.subi %sign3A_464, %sign3A_467 : i32
      %sign3A_469 = arith.constant 0 : i32
      %sign3A_470 = arith.cmpi sgt, %jit3A, %sign3A_469 : i32
      %sign3A_471 = arith.extui %sign3A_470 : i1 to i32
      %sign3A_472 = arith.constant 0 : i32
      %sign3A_473 = arith.cmpi slt, %jit3A, %sign3A_472 : i32
      %sign3A_474 = arith.extui %sign3A_473 : i1 to i32
      %sign3A_475 = arith.subi %sign3A_471, %sign3A_474 : i32
      %ne3A = arith.cmpi ne, %sign3A_468, %sign3A_475 : i32
      %rem3A = arith.remsi %sub3A_462, %jit3A : i32
      %ne3A_476 = arith.constant 0 : i32
      %ne3A_477 = arith.cmpi ne, %rem3A, %ne3A_476 : i32
      %and3A = arith.andi %ne3A, %ne3A_477 : i1
      %sub3A_478 = arith.constant 1 : i32
      %sub3A_479 = arith.subi %div3A, %sub3A_478 : i32
      %select_n3A = arith.select %and3A, %sub3A_479, %div3A : i32
      %while3A = arith.constant 0 : i32
      %while3A_480 = arith.constant 0 : i32
      %while3A_481 = arith.subi %select_n3A, %while3A_480 : i32
      %while3A_482 = arith.addi %while3A_480, %while3A_481 : i32
      %while3A_483 = arith.constant 1 : i32
      %while3A_484 = arith.divsi %while3A_481, %while3A_483 : i32
      %while3A_485 = arith.muli %while3A_484, %while3A_483 : i32
      %while3A_486 = arith.addi %while3A_480, %while3A_485 : i32
      %while3A_487 = arith.constant 1 : i32
      scf.for %while3A_1861 = %while3A_480 to %while3A_486 step %while3A_487  : i32 {
        %mul3A_1862 = arith.constant 16 : i32
        %mul3A_1863 = arith.muli %while3A_1861, %mul3A_1862 : i32
        %add3A_1864 = vector.broadcast %mul3A_1863 : i32 to vector<16xi32>
        %add3A_1865 = arith.addi %add3A_1864, %iota3A : vector<16xi32>
        %lt3A = vector.broadcast %sub3A_445 : i32 to vector<16xi32>
        %lt3A_1866 = arith.cmpi slt, %add3A_1865, %lt3A : vector<16xi32>
        %mul3A_1867 = arith.constant 16 : i32
        %mul3A_1868 = arith.muli %while3A_1861, %mul3A_1867 : i32
        %get3A_1869 = arith.index_cast %mul3A_1868 : i32 to index
        %get3A_1870 = tpu.vector_load %arg5[%get3A_1869] {strides = array<i32>} : memref<32784xi32, #tpu.memory_space<vmem>>, vector<16xi32>,
        %xor3A_1871 = arith.constant -2147483648 : i32
        %xor3A_1872 = vector.broadcast %xor3A_1871 : i32 to vector<16xi32>
        %xor3A_1873 = arith.xori %get3A_1870, %xor3A_1872 : vector<16xi32>
        %broadcast_in_dim3A_1874 = arith.constant 16 : i32
        %broadcast_in_dim3A_1875 = vector.broadcast %broadcast_in_dim3A_1874 : i32 to vector<16xi32>
        %shift_right_logical3A = arith.shrui %xor3A_1873, %broadcast_in_dim3A_1875 : vector<16xi32>
        %and3A_1876 = arith.constant 255 : i32
        %and3A_1877 = vector.broadcast %and3A_1876 : i32 to vector<16xi32>
        %and3A_1878 = arith.andi %shift_right_logical3A, %and3A_1877 : vector<16xi32>
        %mul3A_1879 = arith.constant 256 : i32
        %mul3A_1880 = vector.broadcast %mul3A_1879 : i32 to vector<16xi32>
        %mul3A_1881 = arith.muli %iota3A, %mul3A_1880 : vector<16xi32>
        %add3A_1882 = arith.addi %mul3A_1881, %and3A_1878 : vector<16xi32>
        tpu.vector_store_idx %arg6[%add3A_1882], %broadcast_in_dim3A_1 masked %lt3A_1866 {add = true} : memref<4096xi32, #tpu.memory_space<vmem>>[vector<16xi32>], vector<16xi32>, vector<16xi1>
      }
      %while3A_488 = arith.constant 1 : i32
      scf.for %while3A_1861 = %while3A_486 to %while3A_482 step %while3A_488  : i32 {
        %mul3A_1862 = arith.constant 16 : i32
        %mul3A_1863 = arith.muli %while3A_1861, %mul3A_1862 : i32
        %add3A_1864 = vector.broadcast %mul3A_1863 : i32 to vector<16xi32>
        %add3A_1865 = arith.addi %add3A_1864, %iota3A : vector<16xi32>
        %lt3A = vector.broadcast %sub3A_445 : i32 to vector<16xi32>
        %lt3A_1866 = arith.cmpi slt, %add3A_1865, %lt3A : vector<16xi32>
        %mul3A_1867 = arith.constant 16 : i32
        %mul3A_1868 = arith.muli %while3A_1861, %mul3A_1867 : i32
        %get3A_1869 = arith.index_cast %mul3A_1868 : i32 to index
        %get3A_1870 = tpu.vector_load %arg5[%get3A_1869] {strides = array<i32>} : memref<32784xi32, #tpu.memory_space<vmem>>, vector<16xi32>,
        %xor3A_1871 = arith.constant -2147483648 : i32
        %xor3A_1872 = vector.broadcast %xor3A_1871 : i32 to vector<16xi32>
        %xor3A_1873 = arith.xori %get3A_1870, %xor3A_1872 : vector<16xi32>
        %broadcast_in_dim3A_1874 = arith.constant 16 : i32
        %broadcast_in_dim3A_1875 = vector.broadcast %broadcast_in_dim3A_1874 : i32 to vector<16xi32>
        %shift_right_logical3A = arith.shrui %xor3A_1873, %broadcast_in_dim3A_1875 : vector<16xi32>
        %and3A_1876 = arith.constant 255 : i32
        %and3A_1877 = vector.broadcast %and3A_1876 : i32 to vector<16xi32>
        %and3A_1878 = arith.andi %shift_right_logical3A, %and3A_1877 : vector<16xi32>
        %mul3A_1879 = arith.constant 256 : i32
        %mul3A_1880 = vector.broadcast %mul3A_1879 : i32 to vector<16xi32>
        %mul3A_1881 = arith.muli %iota3A, %mul3A_1880 : vector<16xi32>
        %add3A_1882 = arith.addi %mul3A_1881, %and3A_1878 : vector<16xi32>
        tpu.vector_store_idx %arg6[%add3A_1882], %broadcast_in_dim3A_1 masked %lt3A_1866 {add = true} : memref<4096xi32, #tpu.memory_space<vmem>>[vector<16xi32>], vector<16xi32>, vector<16xi1>
      }
      %scan3A_489 = arith.constant 0 : i32
      %scan3A_490 = arith.constant 0 : i32
      %scan3A_491 = arith.constant 128 : i32
      %scan3A_492 = arith.addi %scan3A_490, %scan3A_491 : i32
      %scan3A_493 = arith.constant 1 : i32
      scf.for %scan3A_1861 = %scan3A_490 to %scan3A_492 step %scan3A_493  : i32 {
        %mul3A_1862 = arith.constant 16 : i32
        %mul3A_1863 = arith.muli %scan3A_1861, %mul3A_1862 : i32
        %get3A_1864 = arith.index_cast %mul3A_1863 : i32 to index
        %get3A_1865 = tpu.vector_load %arg6[%get3A_1864] {strides = array<i32>} : memref<4096xi32, #tpu.memory_space<vmem>>, vector<16xi32>,
        %mul3A_1866 = arith.constant 16 : i32
        %mul3A_1867 = arith.muli %scan3A_1861, %mul3A_1866 : i32
        %add3A_1868 = arith.constant 2048 : i32
        %add3A_1869 = arith.addi %add3A_1868, %mul3A_1867 : i32
        %get3A_1870 = arith.index_cast %add3A_1869 : i32 to index
        %get3A_1871 = tpu.vector_load %arg6[%get3A_1870] {strides = array<i32>} : memref<4096xi32, #tpu.memory_space<vmem>>, vector<16xi32>,
        %add3A_1872 = arith.addi %get3A_1865, %get3A_1871 : vector<16xi32>
        %mul3A_1873 = arith.constant 16 : i32
        %mul3A_1874 = arith.muli %scan3A_1861, %mul3A_1873 : i32
        %swap3A_1875 = arith.index_cast %mul3A_1874 : i32 to index
        %swap3A_1876 = tpu.vector_load %arg6[%swap3A_1875] {strides = array<i32>} : memref<4096xi32, #tpu.memory_space<vmem>>, vector<16xi32>,
        tpu.vector_store %arg6[%swap3A_1875], %add3A_1872 {strides = array<i32>} : memref<4096xi32, #tpu.memory_space<vmem>>, vector<16xi32>,
      }
      %scan3A_494 = arith.constant 128 : i32
      %scan3A_495 = arith.constant 0 : i32
      %scan3A_496 = arith.constant 0 : i32
      %scan3A_497 = arith.constant 64 : i32
      %scan3A_498 = arith.addi %scan3A_496, %scan3A_497 : i32
      %scan3A_499 = arith.constant 1 : i32
      scf.for %scan3A_1861 = %scan3A_496 to %scan3A_498 step %scan3A_499  : i32 {
        %mul3A_1862 = arith.constant 16 : i32
        %mul3A_1863 = arith.muli %scan3A_1861, %mul3A_1862 : i32
        %get3A_1864 = arith.index_cast %mul3A_1863 : i32 to index
        %get3A_1865 = tpu.vector_load %arg6[%get3A_1864] {strides = array<i32>} : memref<4096xi32, #tpu.memory_space<vmem>>, vector<16xi32>,
        %mul3A_1866 = arith.constant 16 : i32
        %mul3A_1867 = arith.muli %scan3A_1861, %mul3A_1866 : i32
        %add3A_1868 = arith.constant 1024 : i32
        %add3A_1869 = arith.addi %add3A_1868, %mul3A_1867 : i32
        %get3A_1870 = arith.index_cast %add3A_1869 : i32 to index
        %get3A_1871 = tpu.vector_load %arg6[%get3A_1870] {strides = array<i32>} : memref<4096xi32, #tpu.memory_space<vmem>>, vector<16xi32>,
        %add3A_1872 = arith.addi %get3A_1865, %get3A_1871 : vector<16xi32>
        %mul3A_1873 = arith.constant 16 : i32
        %mul3A_1874 = arith.muli %scan3A_1861, %mul3A_1873 : i32
        %swap3A_1875 = arith.index_cast %mul3A_1874 : i32 to index
        %swap3A_1876 = tpu.vector_load %arg6[%swap3A_1875] {strides = array<i32>} : memref<4096xi32, #tpu.memory_space<vmem>>, vector<16xi32>,
        tpu.vector_store %arg6[%swap3A_1875], %add3A_1872 {strides = array<i32>} : memref<4096xi32, #tpu.memory_space<vmem>>, vector<16xi32>,
      }
      %scan3A_500 = arith.constant 64 : i32
      %scan3A_501 = arith.constant 0 : i32
      %scan3A_502 = arith.constant 0 : i32
      %scan3A_503 = arith.constant 32 : i32
      %scan3A_504 = arith.addi %scan3A_502, %scan3A_503 : i32
      %scan3A_505 = arith.constant 1 : i32
      scf.for %scan3A_1861 = %scan3A_502 to %scan3A_504 step %scan3A_505  : i32 {
        %mul3A_1862 = arith.constant 16 : i32
        %mul3A_1863 = arith.muli %scan3A_1861, %mul3A_1862 : i32
        %get3A_1864 = arith.index_cast %mul3A_1863 : i32 to index
        %get3A_1865 = tpu.vector_load %arg6[%get3A_1864] {strides = array<i32>} : memref<4096xi32, #tpu.memory_space<vmem>>, vector<16xi32>,
        %mul3A_1866 = arith.constant 16 : i32
        %mul3A_1867 = arith.muli %scan3A_1861, %mul3A_1866 : i32
        %add3A_1868 = arith.constant 512 : i32
        %add3A_1869 = arith.addi %add3A_1868, %mul3A_1867 : i32
        %get3A_1870 = arith.index_cast %add3A_1869 : i32 to index
        %get3A_1871 = tpu.vector_load %arg6[%get3A_1870] {strides = array<i32>} : memref<4096xi32, #tpu.memory_space<vmem>>, vector<16xi32>,
        %add3A_1872 = arith.addi %get3A_1865, %get3A_1871 : vector<16xi32>
        %mul3A_1873 = arith.constant 16 : i32
        %mul3A_1874 = arith.muli %scan3A_1861, %mul3A_1873 : i32
        %swap3A_1875 = arith.index_cast %mul3A_1874 : i32 to index
        %swap3A_1876 = tpu.vector_load %arg6[%swap3A_1875] {strides = array<i32>} : memref<4096xi32, #tpu.memory_space<vmem>>, vector<16xi32>,
        tpu.vector_store %arg6[%swap3A_1875], %add3A_1872 {strides = array<i32>} : memref<4096xi32, #tpu.memory_space<vmem>>, vector<16xi32>,
      }
      %scan3A_506 = arith.constant 32 : i32
      %scan3A_507 = arith.constant 0 : i32
      %scan3A_508 = arith.constant 0 : i32
      %scan3A_509 = arith.constant 16 : i32
      %scan3A_510 = arith.addi %scan3A_508, %scan3A_509 : i32
      %scan3A_511 = arith.constant 1 : i32
      scf.for %scan3A_1861 = %scan3A_508 to %scan3A_510 step %scan3A_511  : i32 {
        %mul3A_1862 = arith.constant 16 : i32
        %mul3A_1863 = arith.muli %scan3A_1861, %mul3A_1862 : i32
        %get3A_1864 = arith.index_cast %mul3A_1863 : i32 to index
        %get3A_1865 = tpu.vector_load %arg6[%get3A_1864] {strides = array<i32>} : memref<4096xi32, #tpu.memory_space<vmem>>, vector<16xi32>,
        %mul3A_1866 = arith.constant 16 : i32
        %mul3A_1867 = arith.muli %scan3A_1861, %mul3A_1866 : i32
        %add3A_1868 = arith.constant 256 : i32
        %add3A_1869 = arith.addi %add3A_1868, %mul3A_1867 : i32
        %get3A_1870 = arith.index_cast %add3A_1869 : i32 to index
        %get3A_1871 = tpu.vector_load %arg6[%get3A_1870] {strides = array<i32>} : memref<4096xi32, #tpu.memory_space<vmem>>, vector<16xi32>,
        %add3A_1872 = arith.addi %get3A_1865, %get3A_1871 : vector<16xi32>
        %mul3A_1873 = arith.constant 16 : i32
        %mul3A_1874 = arith.muli %scan3A_1861, %mul3A_1873 : i32
        %swap3A_1875 = arith.index_cast %mul3A_1874 : i32 to index
        %swap3A_1876 = tpu.vector_load %arg6[%swap3A_1875] {strides = array<i32>} : memref<4096xi32, #tpu.memory_space<vmem>>, vector<16xi32>,
        tpu.vector_store %arg6[%swap3A_1875], %add3A_1872 {strides = array<i32>} : memref<4096xi32, #tpu.memory_space<vmem>>, vector<16xi32>,
      }
      %scan3A_512 = arith.constant 16 : i32
      %swap3A_513 = arith.constant 256 : index
      %swap3A_514 = tpu.vector_load %arg7[%swap3A_513] {strides = array<i32>} : memref<272xi32, #tpu.memory_space<vmem>>, vector<16xi32>,
      tpu.vector_store %arg7[%swap3A_513], %broadcast_in_dim3A_3 {strides = array<i32>} : memref<272xi32, #tpu.memory_space<vmem>>, vector<16xi32>,
      %get3A_515 = arith.constant 0 : index
      %get3A_516 = tpu.vector_load %arg6[%get3A_515] {strides = array<i32>} : memref<4096xi32, #tpu.memory_space<vmem>>, vector<16xi32>,
      %broadcast_in_dim3A_517 = arith.constant true
      %broadcast_in_dim3A_518 = vector.broadcast %broadcast_in_dim3A_517 : i1 to vector<16xi1>
      %masked_cumsum3A_519 = tpu.scan <sum>, %get3A_516 masked %broadcast_in_dim3A_518 : vector<16xi32>, vector<16xi1> -> vector<16xi32>
      %sub3A_520 = arith.subi %masked_cumsum3A_519, %get3A_516 : vector<16xi32>
      %add3A_521 = arith.constant 0 : i32
      %add3A_522 = vector.broadcast %add3A_521 : i32 to vector<16xi32>
      %add3A_523 = arith.addi %sub3A_520, %add3A_522 : vector<16xi32>
      %sub3A_524 = vector.broadcast %sub3A_445 : i32 to vector<16xi32>
      %sub3A_525 = arith.subi %sub3A_524, %add3A_523 : vector<16xi32>
      %swap3A_526 = arith.constant 0 : index
      %swap3A_527 = tpu.vector_load %arg7[%swap3A_526] {strides = array<i32>} : memref<272xi32, #tpu.memory_space<vmem>>, vector<16xi32>,
      tpu.vector_store %arg7[%swap3A_526], %sub3A_525 {strides = array<i32>} : memref<272xi32, #tpu.memory_space<vmem>>, vector<16xi32>,
      %reduce_sum3A_528 = arith.constant true
      %reduce_sum3A_529 = vector.broadcast %reduce_sum3A_528 : i1 to vector<16xi1>
      %reduce_sum3A_530 = tpu.scan <sum>, %get3A_516 masked %reduce_sum3A_529 : vector<16xi32>, vector<16xi1> -> vector<16xi32>
      %reduce_sum3A_531 = vector.extract %reduce_sum3A_530[15] : i32 from vector<16xi32>
      %add3A_532 = arith.constant 0 : i32
      %add3A_533 = arith.addi %add3A_532, %reduce_sum3A_531 : i32
      %ge3A_534 = vector.broadcast %sub3A_436 : i32 to vector<16xi32>
      %ge3A_535 = arith.cmpi sge, %sub3A_525, %ge3A_534 : vector<16xi32>
      %all_reduce_population_count3A_536 = tpu.all_reduce %ge3A_535 {dim = 0 : i64, kind = #tpu.reduction_kind<sum>} : vector<16xi1> -> vector<16xi32>
      %add3A_537 = arith.addi %broadcast_in_dim3A_3, %all_reduce_population_count3A_536 : vector<16xi32>
      %get3A_538 = arith.constant 16 : index
      %get3A_539 = tpu.vector_load %arg6[%get3A_538] {strides = array<i32>} : memref<4096xi32, #tpu.memory_space<vmem>>, vector<16xi32>,
      %broadcast_in_dim3A_540 = arith.constant true
      %broadcast_in_dim3A_541 = vector.broadcast %broadcast_in_dim3A_540 : i1 to vector<16xi1>
      %masked_cumsum3A_542 = tpu.scan <sum>, %get3A_539 masked %broadcast_in_dim3A_541 : vector<16xi32>, vector<16xi1> -> vector<16xi32>
      %sub3A_543 = arith.subi %masked_cumsum3A_542, %get3A_539 : vector<16xi32>
      %add3A_544 = vector.broadcast %add3A_533 : i32 to vector<16xi32>
      %add3A_545 = arith.addi %sub3A_543, %add3A_544 : vector<16xi32>
      %sub3A_546 = vector.broadcast %sub3A_445 : i32 to vector<16xi32>
      %sub3A_547 = arith.subi %sub3A_546, %add3A_545 : vector<16xi32>
      %swap3A_548 = arith.constant 16 : index
      %swap3A_549 = tpu.vector_load %arg7[%swap3A_548] {strides = array<i32>} : memref<272xi32, #tpu.memory_space<vmem>>, vector<16xi32>,
      tpu.vector_store %arg7[%swap3A_548], %sub3A_547 {strides = array<i32>} : memref<272xi32, #tpu.memory_space<vmem>>, vector<16xi32>,
      %reduce_sum3A_550 = arith.constant true
      %reduce_sum3A_551 = vector.broadcast %reduce_sum3A_550 : i1 to vector<16xi1>
      %reduce_sum3A_552 = tpu.scan <sum>, %get3A_539 masked %reduce_sum3A_551 : vector<16xi32>, vector<16xi1> -> vector<16xi32>
      %reduce_sum3A_553 = vector.extract %reduce_sum3A_552[15] : i32 from vector<16xi32>
      %add3A_554 = arith.addi %add3A_533, %reduce_sum3A_553 : i32
      %ge3A_555 = vector.broadcast %sub3A_436 : i32 to vector<16xi32>
      %ge3A_556 = arith.cmpi sge, %sub3A_547, %ge3A_555 : vector<16xi32>
      %all_reduce_population_count3A_557 = tpu.all_reduce %ge3A_556 {dim = 0 : i64, kind = #tpu.reduction_kind<sum>} : vector<16xi1> -> vector<16xi32>
      %add3A_558 = arith.addi %add3A_537, %all_reduce_population_count3A_557 : vector<16xi32>
      %get3A_559 = arith.constant 32 : index
      %get3A_560 = tpu.vector_load %arg6[%get3A_559] {strides = array<i32>} : memref<4096xi32, #tpu.memory_space<vmem>>, vector<16xi32>,
      %broadcast_in_dim3A_561 = arith.constant true
      %broadcast_in_dim3A_562 = vector.broadcast %broadcast_in_dim3A_561 : i1 to vector<16xi1>
      %masked_cumsum3A_563 = tpu.scan <sum>, %get3A_560 masked %broadcast_in_dim3A_562 : vector<16xi32>, vector<16xi1> -> vector<16xi32>
      %sub3A_564 = arith.subi %masked_cumsum3A_563, %get3A_560 : vector<16xi32>
      %add3A_565 = vector.broadcast %add3A_554 : i32 to vector<16xi32>
      %add3A_566 = arith.addi %sub3A_564, %add3A_565 : vector<16xi32>
      %sub3A_567 = vector.broadcast %sub3A_445 : i32 to vector<16xi32>
      %sub3A_568 = arith.subi %sub3A_567, %add3A_566 : vector<16xi32>
      %swap3A_569 = arith.constant 32 : index
      %swap3A_570 = tpu.vector_load %arg7[%swap3A_569] {strides = array<i32>} : memref<272xi32, #tpu.memory_space<vmem>>, vector<16xi32>,
      tpu.vector_store %arg7[%swap3A_569], %sub3A_568 {strides = array<i32>} : memref<272xi32, #tpu.memory_space<vmem>>, vector<16xi32>,
      %reduce_sum3A_571 = arith.constant true
      %reduce_sum3A_572 = vector.broadcast %reduce_sum3A_571 : i1 to vector<16xi1>
      %reduce_sum3A_573 = tpu.scan <sum>, %get3A_560 masked %reduce_sum3A_572 : vector<16xi32>, vector<16xi1> -> vector<16xi32>
      %reduce_sum3A_574 = vector.extract %reduce_sum3A_573[15] : i32 from vector<16xi32>
      %add3A_575 = arith.addi %add3A_554, %reduce_sum3A_574 : i32
      %ge3A_576 = vector.broadcast %sub3A_436 : i32 to vector<16xi32>
      %ge3A_577 = arith.cmpi sge, %sub3A_568, %ge3A_576 : vector<16xi32>
      %all_reduce_population_count3A_578 = tpu.all_reduce %ge3A_577 {dim = 0 : i64, kind = #tpu.reduction_kind<sum>} : vector<16xi1> -> vector<16xi32>
      %add3A_579 = arith.addi %add3A_558, %all_reduce_population_count3A_578 : vector<16xi32>
      %get3A_580 = arith.constant 48 : index
      %get3A_581 = tpu.vector_load %arg6[%get3A_580] {strides = array<i32>} : memref<4096xi32, #tpu.memory_space<vmem>>, vector<16xi32>,
      %broadcast_in_dim3A_582 = arith.constant true
      %broadcast_in_dim3A_583 = vector.broadcast %broadcast_in_dim3A_582 : i1 to vector<16xi1>
      %masked_cumsum3A_584 = tpu.scan <sum>, %get3A_581 masked %broadcast_in_dim3A_583 : vector<16xi32>, vector<16xi1> -> vector<16xi32>
      %sub3A_585 = arith.subi %masked_cumsum3A_584, %get3A_581 : vector<16xi32>
      %add3A_586 = vector.broadcast %add3A_575 : i32 to vector<16xi32>
      %add3A_587 = arith.addi %sub3A_585, %add3A_586 : vector<16xi32>
      %sub3A_588 = vector.broadcast %sub3A_445 : i32 to vector<16xi32>
      %sub3A_589 = arith.subi %sub3A_588, %add3A_587 : vector<16xi32>
      %swap3A_590 = arith.constant 48 : index
      %swap3A_591 = tpu.vector_load %arg7[%swap3A_590] {strides = array<i32>} : memref<272xi32, #tpu.memory_space<vmem>>, vector<16xi32>,
      tpu.vector_store %arg7[%swap3A_590], %sub3A_589 {strides = array<i32>} : memref<272xi32, #tpu.memory_space<vmem>>, vector<16xi32>,
      %reduce_sum3A_592 = arith.constant true
      %reduce_sum3A_593 = vector.broadcast %reduce_sum3A_592 : i1 to vector<16xi1>
      %reduce_sum3A_594 = tpu.scan <sum>, %get3A_581 masked %reduce_sum3A_593 : vector<16xi32>, vector<16xi1> -> vector<16xi32>
      %reduce_sum3A_595 = vector.extract %reduce_sum3A_594[15] : i32 from vector<16xi32>
      %add3A_596 = arith.addi %add3A_575, %reduce_sum3A_595 : i32
      %ge3A_597 = vector.broadcast %sub3A_436 : i32 to vector<16xi32>
      %ge3A_598 = arith.cmpi sge, %sub3A_589, %ge3A_597 : vector<16xi32>
      %all_reduce_population_count3A_599 = tpu.all_reduce %ge3A_598 {dim = 0 : i64, kind = #tpu.reduction_kind<sum>} : vector<16xi1> -> vector<16xi32>
      %add3A_600 = arith.addi %add3A_579, %all_reduce_population_count3A_599 : vector<16xi32>
      %get3A_601 = arith.constant 64 : index
      %get3A_602 = tpu.vector_load %arg6[%get3A_601] {strides = array<i32>} : memref<4096xi32, #tpu.memory_space<vmem>>, vector<16xi32>,
      %broadcast_in_dim3A_603 = arith.constant true
      %broadcast_in_dim3A_604 = vector.broadcast %broadcast_in_dim3A_603 : i1 to vector<16xi1>
      %masked_cumsum3A_605 = tpu.scan <sum>, %get3A_602 masked %broadcast_in_dim3A_604 : vector<16xi32>, vector<16xi1> -> vector<16xi32>
      %sub3A_606 = arith.subi %masked_cumsum3A_605, %get3A_602 : vector<16xi32>
      %add3A_607 = vector.broadcast %add3A_596 : i32 to vector<16xi32>
      %add3A_608 = arith.addi %sub3A_606, %add3A_607 : vector<16xi32>
      %sub3A_609 = vector.broadcast %sub3A_445 : i32 to vector<16xi32>
      %sub3A_610 = arith.subi %sub3A_609, %add3A_608 : vector<16xi32>
      %swap3A_611 = arith.constant 64 : index
      %swap3A_612 = tpu.vector_load %arg7[%swap3A_611] {strides = array<i32>} : memref<272xi32, #tpu.memory_space<vmem>>, vector<16xi32>,
      tpu.vector_store %arg7[%swap3A_611], %sub3A_610 {strides = array<i32>} : memref<272xi32, #tpu.memory_space<vmem>>, vector<16xi32>,
      %reduce_sum3A_613 = arith.constant true
      %reduce_sum3A_614 = vector.broadcast %reduce_sum3A_613 : i1 to vector<16xi1>
      %reduce_sum3A_615 = tpu.scan <sum>, %get3A_602 masked %reduce_sum3A_614 : vector<16xi32>, vector<16xi1> -> vector<16xi32>
      %reduce_sum3A_616 = vector.extract %reduce_sum3A_615[15] : i32 from vector<16xi32>
      %add3A_617 = arith.addi %add3A_596, %reduce_sum3A_616 : i32
      %ge3A_618 = vector.broadcast %sub3A_436 : i32 to vector<16xi32>
      %ge3A_619 = arith.cmpi sge, %sub3A_610, %ge3A_618 : vector<16xi32>
      %all_reduce_population_count3A_620 = tpu.all_reduce %ge3A_619 {dim = 0 : i64, kind = #tpu.reduction_kind<sum>} : vector<16xi1> -> vector<16xi32>
      %add3A_621 = arith.addi %add3A_600, %all_reduce_population_count3A_620 : vector<16xi32>
      %get3A_622 = arith.constant 80 : index
      %get3A_623 = tpu.vector_load %arg6[%get3A_622] {strides = array<i32>} : memref<4096xi32, #tpu.memory_space<vmem>>, vector<16xi32>,
      %broadcast_in_dim3A_624 = arith.constant true
      %broadcast_in_dim3A_625 = vector.broadcast %broadcast_in_dim3A_624 : i1 to vector<16xi1>
      %masked_cumsum3A_626 = tpu.scan <sum>, %get3A_623 masked %broadcast_in_dim3A_625 : vector<16xi32>, vector<16xi1> -> vector<16xi32>
      %sub3A_627 = arith.subi %masked_cumsum3A_626, %get3A_623 : vector<16xi32>
      %add3A_628 = vector.broadcast %add3A_617 : i32 to vector<16xi32>
      %add3A_629 = arith.addi %sub3A_627, %add3A_628 : vector<16xi32>
      %sub3A_630 = vector.broadcast %sub3A_445 : i32 to vector<16xi32>
      %sub3A_631 = arith.subi %sub3A_630, %add3A_629 : vector<16xi32>
      %swap3A_632 = arith.constant 80 : index
      %swap3A_633 = tpu.vector_load %arg7[%swap3A_632] {strides = array<i32>} : memref<272xi32, #tpu.memory_space<vmem>>, vector<16xi32>,
      tpu.vector_store %arg7[%swap3A_632], %sub3A_631 {strides = array<i32>} : memref<272xi32, #tpu.memory_space<vmem>>, vector<16xi32>,
      %reduce_sum3A_634 = arith.constant true
      %reduce_sum3A_635 = vector.broadcast %reduce_sum3A_634 : i1 to vector<16xi1>
      %reduce_sum3A_636 = tpu.scan <sum>, %get3A_623 masked %reduce_sum3A_635 : vector<16xi32>, vector<16xi1> -> vector<16xi32>
      %reduce_sum3A_637 = vector.extract %reduce_sum3A_636[15] : i32 from vector<16xi32>
      %add3A_638 = arith.addi %add3A_617, %reduce_sum3A_637 : i32
      %ge3A_639 = vector.broadcast %sub3A_436 : i32 to vector<16xi32>
      %ge3A_640 = arith.cmpi sge, %sub3A_631, %ge3A_639 : vector<16xi32>
      %all_reduce_population_count3A_641 = tpu.all_reduce %ge3A_640 {dim = 0 : i64, kind = #tpu.reduction_kind<sum>} : vector<16xi1> -> vector<16xi32>
      %add3A_642 = arith.addi %add3A_621, %all_reduce_population_count3A_641 : vector<16xi32>
      %get3A_643 = arith.constant 96 : index
      %get3A_644 = tpu.vector_load %arg6[%get3A_643] {strides = array<i32>} : memref<4096xi32, #tpu.memory_space<vmem>>, vector<16xi32>,
      %broadcast_in_dim3A_645 = arith.constant true
      %broadcast_in_dim3A_646 = vector.broadcast %broadcast_in_dim3A_645 : i1 to vector<16xi1>
      %masked_cumsum3A_647 = tpu.scan <sum>, %get3A_644 masked %broadcast_in_dim3A_646 : vector<16xi32>, vector<16xi1> -> vector<16xi32>
      %sub3A_648 = arith.subi %masked_cumsum3A_647, %get3A_644 : vector<16xi32>
      %add3A_649 = vector.broadcast %add3A_638 : i32 to vector<16xi32>
      %add3A_650 = arith.addi %sub3A_648, %add3A_649 : vector<16xi32>
      %sub3A_651 = vector.broadcast %sub3A_445 : i32 to vector<16xi32>
      %sub3A_652 = arith.subi %sub3A_651, %add3A_650 : vector<16xi32>
      %swap3A_653 = arith.constant 96 : index
      %swap3A_654 = tpu.vector_load %arg7[%swap3A_653] {strides = array<i32>} : memref<272xi32, #tpu.memory_space<vmem>>, vector<16xi32>,
      tpu.vector_store %arg7[%swap3A_653], %sub3A_652 {strides = array<i32>} : memref<272xi32, #tpu.memory_space<vmem>>, vector<16xi32>,
      %reduce_sum3A_655 = arith.constant true
      %reduce_sum3A_656 = vector.broadcast %reduce_sum3A_655 : i1 to vector<16xi1>
      %reduce_sum3A_657 = tpu.scan <sum>, %get3A_644 masked %reduce_sum3A_656 : vector<16xi32>, vector<16xi1> -> vector<16xi32>
      %reduce_sum3A_658 = vector.extract %reduce_sum3A_657[15] : i32 from vector<16xi32>
      %add3A_659 = arith.addi %add3A_638, %reduce_sum3A_658 : i32
      %ge3A_660 = vector.broadcast %sub3A_436 : i32 to vector<16xi32>
      %ge3A_661 = arith.cmpi sge, %sub3A_652, %ge3A_660 : vector<16xi32>
      %all_reduce_population_count3A_662 = tpu.all_reduce %ge3A_661 {dim = 0 : i64, kind = #tpu.reduction_kind<sum>} : vector<16xi1> -> vector<16xi32>
      %add3A_663 = arith.addi %add3A_642, %all_reduce_population_count3A_662 : vector<16xi32>
      %get3A_664 = arith.constant 112 : index
      %get3A_665 = tpu.vector_load %arg6[%get3A_664] {strides = array<i32>} : memref<4096xi32, #tpu.memory_space<vmem>>, vector<16xi32>,
      %broadcast_in_dim3A_666 = arith.constant true
      %broadcast_in_dim3A_667 = vector.broadcast %broadcast_in_dim3A_666 : i1 to vector<16xi1>
      %masked_cumsum3A_668 = tpu.scan <sum>, %get3A_665 masked %broadcast_in_dim3A_667 : vector<16xi32>, vector<16xi1> -> vector<16xi32>
      %sub3A_669 = arith.subi %masked_cumsum3A_668, %get3A_665 : vector<16xi32>
      %add3A_670 = vector.broadcast %add3A_659 : i32 to vector<16xi32>
      %add3A_671 = arith.addi %sub3A_669, %add3A_670 : vector<16xi32>
      %sub3A_672 = vector.broadcast %sub3A_445 : i32 to vector<16xi32>
      %sub3A_673 = arith.subi %sub3A_672, %add3A_671 : vector<16xi32>
      %swap3A_674 = arith.constant 112 : index
      %swap3A_675 = tpu.vector_load %arg7[%swap3A_674] {strides = array<i32>} : memref<272xi32, #tpu.memory_space<vmem>>, vector<16xi32>,
      tpu.vector_store %arg7[%swap3A_674], %sub3A_673 {strides = array<i32>} : memref<272xi32, #tpu.memory_space<vmem>>, vector<16xi32>,
      %reduce_sum3A_676 = arith.constant true
      %reduce_sum3A_677 = vector.broadcast %reduce_sum3A_676 : i1 to vector<16xi1>
      %reduce_sum3A_678 = tpu.scan <sum>, %get3A_665 masked %reduce_sum3A_677 : vector<16xi32>, vector<16xi1> -> vector<16xi32>
      %reduce_sum3A_679 = vector.extract %reduce_sum3A_678[15] : i32 from vector<16xi32>
      %add3A_680 = arith.addi %add3A_659, %reduce_sum3A_679 : i32
      %ge3A_681 = vector.broadcast %sub3A_436 : i32 to vector<16xi32>
      %ge3A_682 = arith.cmpi sge, %sub3A_673, %ge3A_681 : vector<16xi32>
      %all_reduce_population_count3A_683 = tpu.all_reduce %ge3A_682 {dim = 0 : i64, kind = #tpu.reduction_kind<sum>} : vector<16xi1> -> vector<16xi32>
      %add3A_684 = arith.addi %add3A_663, %all_reduce_population_count3A_683 : vector<16xi32>
      %get3A_685 = arith.constant 128 : index
      %get3A_686 = tpu.vector_load %arg6[%get3A_685] {strides = array<i32>} : memref<4096xi32, #tpu.memory_space<vmem>>, vector<16xi32>,
      %broadcast_in_dim3A_687 = arith.constant true
      %broadcast_in_dim3A_688 = vector.broadcast %broadcast_in_dim3A_687 : i1 to vector<16xi1>
      %masked_cumsum3A_689 = tpu.scan <sum>, %get3A_686 masked %broadcast_in_dim3A_688 : vector<16xi32>, vector<16xi1> -> vector<16xi32>
      %sub3A_690 = arith.subi %masked_cumsum3A_689, %get3A_686 : vector<16xi32>
      %add3A_691 = vector.broadcast %add3A_680 : i32 to vector<16xi32>
      %add3A_692 = arith.addi %sub3A_690, %add3A_691 : vector<16xi32>
      %sub3A_693 = vector.broadcast %sub3A_445 : i32 to vector<16xi32>
      %sub3A_694 = arith.subi %sub3A_693, %add3A_692 : vector<16xi32>
      %swap3A_695 = arith.constant 128 : index
      %swap3A_696 = tpu.vector_load %arg7[%swap3A_695] {strides = array<i32>} : memref<272xi32, #tpu.memory_space<vmem>>, vector<16xi32>,
      tpu.vector_store %arg7[%swap3A_695], %sub3A_694 {strides = array<i32>} : memref<272xi32, #tpu.memory_space<vmem>>, vector<16xi32>,
      %reduce_sum3A_697 = arith.constant true
      %reduce_sum3A_698 = vector.broadcast %reduce_sum3A_697 : i1 to vector<16xi1>
      %reduce_sum3A_699 = tpu.scan <sum>, %get3A_686 masked %reduce_sum3A_698 : vector<16xi32>, vector<16xi1> -> vector<16xi32>
      %reduce_sum3A_700 = vector.extract %reduce_sum3A_699[15] : i32 from vector<16xi32>
      %add3A_701 = arith.addi %add3A_680, %reduce_sum3A_700 : i32
      %ge3A_702 = vector.broadcast %sub3A_436 : i32 to vector<16xi32>
      %ge3A_703 = arith.cmpi sge, %sub3A_694, %ge3A_702 : vector<16xi32>
      %all_reduce_population_count3A_704 = tpu.all_reduce %ge3A_703 {dim = 0 : i64, kind = #tpu.reduction_kind<sum>} : vector<16xi1> -> vector<16xi32>
      %add3A_705 = arith.addi %add3A_684, %all_reduce_population_count3A_704 : vector<16xi32>
      %get3A_706 = arith.constant 144 : index
      %get3A_707 = tpu.vector_load %arg6[%get3A_706] {strides = array<i32>} : memref<4096xi32, #tpu.memory_space<vmem>>, vector<16xi32>,
      %broadcast_in_dim3A_708 = arith.constant true
      %broadcast_in_dim3A_709 = vector.broadcast %broadcast_in_dim3A_708 : i1 to vector<16xi1>
      %masked_cumsum3A_710 = tpu.scan <sum>, %get3A_707 masked %broadcast_in_dim3A_709 : vector<16xi32>, vector<16xi1> -> vector<16xi32>
      %sub3A_711 = arith.subi %masked_cumsum3A_710, %get3A_707 : vector<16xi32>
      %add3A_712 = vector.broadcast %add3A_701 : i32 to vector<16xi32>
      %add3A_713 = arith.addi %sub3A_711, %add3A_712 : vector<16xi32>
      %sub3A_714 = vector.broadcast %sub3A_445 : i32 to vector<16xi32>
      %sub3A_715 = arith.subi %sub3A_714, %add3A_713 : vector<16xi32>
      %swap3A_716 = arith.constant 144 : index
      %swap3A_717 = tpu.vector_load %arg7[%swap3A_716] {strides = array<i32>} : memref<272xi32, #tpu.memory_space<vmem>>, vector<16xi32>,
      tpu.vector_store %arg7[%swap3A_716], %sub3A_715 {strides = array<i32>} : memref<272xi32, #tpu.memory_space<vmem>>, vector<16xi32>,
      %reduce_sum3A_718 = arith.constant true
      %reduce_sum3A_719 = vector.broadcast %reduce_sum3A_718 : i1 to vector<16xi1>
      %reduce_sum3A_720 = tpu.scan <sum>, %get3A_707 masked %reduce_sum3A_719 : vector<16xi32>, vector<16xi1> -> vector<16xi32>
      %reduce_sum3A_721 = vector.extract %reduce_sum3A_720[15] : i32 from vector<16xi32>
      %add3A_722 = arith.addi %add3A_701, %reduce_sum3A_721 : i32
      %ge3A_723 = vector.broadcast %sub3A_436 : i32 to vector<16xi32>
      %ge3A_724 = arith.cmpi sge, %sub3A_715, %ge3A_723 : vector<16xi32>
      %all_reduce_population_count3A_725 = tpu.all_reduce %ge3A_724 {dim = 0 : i64, kind = #tpu.reduction_kind<sum>} : vector<16xi1> -> vector<16xi32>
      %add3A_726 = arith.addi %add3A_705, %all_reduce_population_count3A_725 : vector<16xi32>
      %get3A_727 = arith.constant 160 : index
      %get3A_728 = tpu.vector_load %arg6[%get3A_727] {strides = array<i32>} : memref<4096xi32, #tpu.memory_space<vmem>>, vector<16xi32>,
      %broadcast_in_dim3A_729 = arith.constant true
      %broadcast_in_dim3A_730 = vector.broadcast %broadcast_in_dim3A_729 : i1 to vector<16xi1>
      %masked_cumsum3A_731 = tpu.scan <sum>, %get3A_728 masked %broadcast_in_dim3A_730 : vector<16xi32>, vector<16xi1> -> vector<16xi32>
      %sub3A_732 = arith.subi %masked_cumsum3A_731, %get3A_728 : vector<16xi32>
      %add3A_733 = vector.broadcast %add3A_722 : i32 to vector<16xi32>
      %add3A_734 = arith.addi %sub3A_732, %add3A_733 : vector<16xi32>
      %sub3A_735 = vector.broadcast %sub3A_445 : i32 to vector<16xi32>
      %sub3A_736 = arith.subi %sub3A_735, %add3A_734 : vector<16xi32>
      %swap3A_737 = arith.constant 160 : index
      %swap3A_738 = tpu.vector_load %arg7[%swap3A_737] {strides = array<i32>} : memref<272xi32, #tpu.memory_space<vmem>>, vector<16xi32>,
      tpu.vector_store %arg7[%swap3A_737], %sub3A_736 {strides = array<i32>} : memref<272xi32, #tpu.memory_space<vmem>>, vector<16xi32>,
      %reduce_sum3A_739 = arith.constant true
      %reduce_sum3A_740 = vector.broadcast %reduce_sum3A_739 : i1 to vector<16xi1>
      %reduce_sum3A_741 = tpu.scan <sum>, %get3A_728 masked %reduce_sum3A_740 : vector<16xi32>, vector<16xi1> -> vector<16xi32>
      %reduce_sum3A_742 = vector.extract %reduce_sum3A_741[15] : i32 from vector<16xi32>
      %add3A_743 = arith.addi %add3A_722, %reduce_sum3A_742 : i32
      %ge3A_744 = vector.broadcast %sub3A_436 : i32 to vector<16xi32>
      %ge3A_745 = arith.cmpi sge, %sub3A_736, %ge3A_744 : vector<16xi32>
      %all_reduce_population_count3A_746 = tpu.all_reduce %ge3A_745 {dim = 0 : i64, kind = #tpu.reduction_kind<sum>} : vector<16xi1> -> vector<16xi32>
      %add3A_747 = arith.addi %add3A_726, %all_reduce_population_count3A_746 : vector<16xi32>
      %get3A_748 = arith.constant 176 : index
      %get3A_749 = tpu.vector_load %arg6[%get3A_748] {strides = array<i32>} : memref<4096xi32, #tpu.memory_space<vmem>>, vector<16xi32>,
      %broadcast_in_dim3A_750 = arith.constant true
      %broadcast_in_dim3A_751 = vector.broadcast %broadcast_in_dim3A_750 : i1 to vector<16xi1>
      %masked_cumsum3A_752 = tpu.scan <sum>, %get3A_749 masked %broadcast_in_dim3A_751 : vector<16xi32>, vector<16xi1> -> vector<16xi32>
      %sub3A_753 = arith.subi %masked_cumsum3A_752, %get3A_749 : vector<16xi32>
      %add3A_754 = vector.broadcast %add3A_743 : i32 to vector<16xi32>
      %add3A_755 = arith.addi %sub3A_753, %add3A_754 : vector<16xi32>
      %sub3A_756 = vector.broadcast %sub3A_445 : i32 to vector<16xi32>
      %sub3A_757 = arith.subi %sub3A_756, %add3A_755 : vector<16xi32>
      %swap3A_758 = arith.constant 176 : index
      %swap3A_759 = tpu.vector_load %arg7[%swap3A_758] {strides = array<i32>} : memref<272xi32, #tpu.memory_space<vmem>>, vector<16xi32>,
      tpu.vector_store %arg7[%swap3A_758], %sub3A_757 {strides = array<i32>} : memref<272xi32, #tpu.memory_space<vmem>>, vector<16xi32>,
      %reduce_sum3A_760 = arith.constant true
      %reduce_sum3A_761 = vector.broadcast %reduce_sum3A_760 : i1 to vector<16xi1>
      %reduce_sum3A_762 = tpu.scan <sum>, %get3A_749 masked %reduce_sum3A_761 : vector<16xi32>, vector<16xi1> -> vector<16xi32>
      %reduce_sum3A_763 = vector.extract %reduce_sum3A_762[15] : i32 from vector<16xi32>
      %add3A_764 = arith.addi %add3A_743, %reduce_sum3A_763 : i32
      %ge3A_765 = vector.broadcast %sub3A_436 : i32 to vector<16xi32>
      %ge3A_766 = arith.cmpi sge, %sub3A_757, %ge3A_765 : vector<16xi32>
      %all_reduce_population_count3A_767 = tpu.all_reduce %ge3A_766 {dim = 0 : i64, kind = #tpu.reduction_kind<sum>} : vector<16xi1> -> vector<16xi32>
      %add3A_768 = arith.addi %add3A_747, %all_reduce_population_count3A_767 : vector<16xi32>
      %get3A_769 = arith.constant 192 : index
      %get3A_770 = tpu.vector_load %arg6[%get3A_769] {strides = array<i32>} : memref<4096xi32, #tpu.memory_space<vmem>>, vector<16xi32>,
      %broadcast_in_dim3A_771 = arith.constant true
      %broadcast_in_dim3A_772 = vector.broadcast %broadcast_in_dim3A_771 : i1 to vector<16xi1>
      %masked_cumsum3A_773 = tpu.scan <sum>, %get3A_770 masked %broadcast_in_dim3A_772 : vector<16xi32>, vector<16xi1> -> vector<16xi32>
      %sub3A_774 = arith.subi %masked_cumsum3A_773, %get3A_770 : vector<16xi32>
      %add3A_775 = vector.broadcast %add3A_764 : i32 to vector<16xi32>
      %add3A_776 = arith.addi %sub3A_774, %add3A_775 : vector<16xi32>
      %sub3A_777 = vector.broadcast %sub3A_445 : i32 to vector<16xi32>
      %sub3A_778 = arith.subi %sub3A_777, %add3A_776 : vector<16xi32>
      %swap3A_779 = arith.constant 192 : index
      %swap3A_780 = tpu.vector_load %arg7[%swap3A_779] {strides = array<i32>} : memref<272xi32, #tpu.memory_space<vmem>>, vector<16xi32>,
      tpu.vector_store %arg7[%swap3A_779], %sub3A_778 {strides = array<i32>} : memref<272xi32, #tpu.memory_space<vmem>>, vector<16xi32>,
      %reduce_sum3A_781 = arith.constant true
      %reduce_sum3A_782 = vector.broadcast %reduce_sum3A_781 : i1 to vector<16xi1>
      %reduce_sum3A_783 = tpu.scan <sum>, %get3A_770 masked %reduce_sum3A_782 : vector<16xi32>, vector<16xi1> -> vector<16xi32>
      %reduce_sum3A_784 = vector.extract %reduce_sum3A_783[15] : i32 from vector<16xi32>
      %add3A_785 = arith.addi %add3A_764, %reduce_sum3A_784 : i32
      %ge3A_786 = vector.broadcast %sub3A_436 : i32 to vector<16xi32>
      %ge3A_787 = arith.cmpi sge, %sub3A_778, %ge3A_786 : vector<16xi32>
      %all_reduce_population_count3A_788 = tpu.all_reduce %ge3A_787 {dim = 0 : i64, kind = #tpu.reduction_kind<sum>} : vector<16xi1> -> vector<16xi32>
      %add3A_789 = arith.addi %add3A_768, %all_reduce_population_count3A_788 : vector<16xi32>
      %get3A_790 = arith.constant 208 : index
      %get3A_791 = tpu.vector_load %arg6[%get3A_790] {strides = array<i32>} : memref<4096xi32, #tpu.memory_space<vmem>>, vector<16xi32>,
      %broadcast_in_dim3A_792 = arith.constant true
      %broadcast_in_dim3A_793 = vector.broadcast %broadcast_in_dim3A_792 : i1 to vector<16xi1>
      %masked_cumsum3A_794 = tpu.scan <sum>, %get3A_791 masked %broadcast_in_dim3A_793 : vector<16xi32>, vector<16xi1> -> vector<16xi32>
      %sub3A_795 = arith.subi %masked_cumsum3A_794, %get3A_791 : vector<16xi32>
      %add3A_796 = vector.broadcast %add3A_785 : i32 to vector<16xi32>
      %add3A_797 = arith.addi %sub3A_795, %add3A_796 : vector<16xi32>
      %sub3A_798 = vector.broadcast %sub3A_445 : i32 to vector<16xi32>
      %sub3A_799 = arith.subi %sub3A_798, %add3A_797 : vector<16xi32>
      %swap3A_800 = arith.constant 208 : index
      %swap3A_801 = tpu.vector_load %arg7[%swap3A_800] {strides = array<i32>} : memref<272xi32, #tpu.memory_space<vmem>>, vector<16xi32>,
      tpu.vector_store %arg7[%swap3A_800], %sub3A_799 {strides = array<i32>} : memref<272xi32, #tpu.memory_space<vmem>>, vector<16xi32>,
      %reduce_sum3A_802 = arith.constant true
      %reduce_sum3A_803 = vector.broadcast %reduce_sum3A_802 : i1 to vector<16xi1>
      %reduce_sum3A_804 = tpu.scan <sum>, %get3A_791 masked %reduce_sum3A_803 : vector<16xi32>, vector<16xi1> -> vector<16xi32>
      %reduce_sum3A_805 = vector.extract %reduce_sum3A_804[15] : i32 from vector<16xi32>
      %add3A_806 = arith.addi %add3A_785, %reduce_sum3A_805 : i32
      %ge3A_807 = vector.broadcast %sub3A_436 : i32 to vector<16xi32>
      %ge3A_808 = arith.cmpi sge, %sub3A_799, %ge3A_807 : vector<16xi32>
      %all_reduce_population_count3A_809 = tpu.all_reduce %ge3A_808 {dim = 0 : i64, kind = #tpu.reduction_kind<sum>} : vector<16xi1> -> vector<16xi32>
      %add3A_810 = arith.addi %add3A_789, %all_reduce_population_count3A_809 : vector<16xi32>
      %get3A_811 = arith.constant 224 : index
      %get3A_812 = tpu.vector_load %arg6[%get3A_811] {strides = array<i32>} : memref<4096xi32, #tpu.memory_space<vmem>>, vector<16xi32>,
      %broadcast_in_dim3A_813 = arith.constant true
      %broadcast_in_dim3A_814 = vector.broadcast %broadcast_in_dim3A_813 : i1 to vector<16xi1>
      %masked_cumsum3A_815 = tpu.scan <sum>, %get3A_812 masked %broadcast_in_dim3A_814 : vector<16xi32>, vector<16xi1> -> vector<16xi32>
      %sub3A_816 = arith.subi %masked_cumsum3A_815, %get3A_812 : vector<16xi32>
      %add3A_817 = vector.broadcast %add3A_806 : i32 to vector<16xi32>
      %add3A_818 = arith.addi %sub3A_816, %add3A_817 : vector<16xi32>
      %sub3A_819 = vector.broadcast %sub3A_445 : i32 to vector<16xi32>
      %sub3A_820 = arith.subi %sub3A_819, %add3A_818 : vector<16xi32>
      %swap3A_821 = arith.constant 224 : index
      %swap3A_822 = tpu.vector_load %arg7[%swap3A_821] {strides = array<i32>} : memref<272xi32, #tpu.memory_space<vmem>>, vector<16xi32>,
      tpu.vector_store %arg7[%swap3A_821], %sub3A_820 {strides = array<i32>} : memref<272xi32, #tpu.memory_space<vmem>>, vector<16xi32>,
      %reduce_sum3A_823 = arith.constant true
      %reduce_sum3A_824 = vector.broadcast %reduce_sum3A_823 : i1 to vector<16xi1>
      %reduce_sum3A_825 = tpu.scan <sum>, %get3A_812 masked %reduce_sum3A_824 : vector<16xi32>, vector<16xi1> -> vector<16xi32>
      %reduce_sum3A_826 = vector.extract %reduce_sum3A_825[15] : i32 from vector<16xi32>
      %add3A_827 = arith.addi %add3A_806, %reduce_sum3A_826 : i32
      %ge3A_828 = vector.broadcast %sub3A_436 : i32 to vector<16xi32>
      %ge3A_829 = arith.cmpi sge, %sub3A_820, %ge3A_828 : vector<16xi32>
      %all_reduce_population_count3A_830 = tpu.all_reduce %ge3A_829 {dim = 0 : i64, kind = #tpu.reduction_kind<sum>} : vector<16xi1> -> vector<16xi32>
      %add3A_831 = arith.addi %add3A_810, %all_reduce_population_count3A_830 : vector<16xi32>
      %get3A_832 = arith.constant 240 : index
      %get3A_833 = tpu.vector_load %arg6[%get3A_832] {strides = array<i32>} : memref<4096xi32, #tpu.memory_space<vmem>>, vector<16xi32>,
      %broadcast_in_dim3A_834 = arith.constant true
      %broadcast_in_dim3A_835 = vector.broadcast %broadcast_in_dim3A_834 : i1 to vector<16xi1>
      %masked_cumsum3A_836 = tpu.scan <sum>, %get3A_833 masked %broadcast_in_dim3A_835 : vector<16xi32>, vector<16xi1> -> vector<16xi32>
      %sub3A_837 = arith.subi %masked_cumsum3A_836, %get3A_833 : vector<16xi32>
      %add3A_838 = vector.broadcast %add3A_827 : i32 to vector<16xi32>
      %add3A_839 = arith.addi %sub3A_837, %add3A_838 : vector<16xi32>
      %sub3A_840 = vector.broadcast %sub3A_445 : i32 to vector<16xi32>
      %sub3A_841 = arith.subi %sub3A_840, %add3A_839 : vector<16xi32>
      %swap3A_842 = arith.constant 240 : index
      %swap3A_843 = tpu.vector_load %arg7[%swap3A_842] {strides = array<i32>} : memref<272xi32, #tpu.memory_space<vmem>>, vector<16xi32>,
      tpu.vector_store %arg7[%swap3A_842], %sub3A_841 {strides = array<i32>} : memref<272xi32, #tpu.memory_space<vmem>>, vector<16xi32>,
      %reduce_sum3A_844 = arith.constant true
      %reduce_sum3A_845 = vector.broadcast %reduce_sum3A_844 : i1 to vector<16xi1>
      %reduce_sum3A_846 = tpu.scan <sum>, %get3A_833 masked %reduce_sum3A_845 : vector<16xi32>, vector<16xi1> -> vector<16xi32>
      %reduce_sum3A_847 = vector.extract %reduce_sum3A_846[15] : i32 from vector<16xi32>
      %add3A_848 = arith.addi %add3A_827, %reduce_sum3A_847 : i32
      %ge3A_849 = vector.broadcast %sub3A_436 : i32 to vector<16xi32>
      %ge3A_850 = arith.cmpi sge, %sub3A_841, %ge3A_849 : vector<16xi32>
      %all_reduce_population_count3A_851 = tpu.all_reduce %ge3A_850 {dim = 0 : i64, kind = #tpu.reduction_kind<sum>} : vector<16xi1> -> vector<16xi32>
      %add3A_852 = arith.addi %add3A_831, %all_reduce_population_count3A_851 : vector<16xi32>
      %gather3A_853 = tpu.vector_load_idx %arg7[%add3A_852] : memref<272xi32, #tpu.memory_space<vmem>>[vector<16xi32>], vector<16xi32>,
      %sub3A_854 = arith.constant 1 : i32
      %sub3A_855 = vector.broadcast %sub3A_854 : i32 to vector<16xi32>
      %sub3A_856 = arith.subi %add3A_852, %sub3A_855 : vector<16xi32>
      %gather3A_857 = tpu.vector_load_idx %arg7[%sub3A_856] : memref<272xi32, #tpu.memory_space<vmem>>[vector<16xi32>], vector<16xi32>,
      %reduce_max3A_858 = arith.constant true
      %reduce_max3A_859 = vector.broadcast %reduce_max3A_858 : i1 to vector<16xi1>
      %reduce_max3A_860 = arith.constant -2147483648 : i32
      %reduce_max3A_861 = vector.broadcast %reduce_max3A_860 : i32 to vector<16xi32>
      %reduce_max3A_862 = arith.xori %gather3A_853, %reduce_max3A_861 : vector<16xi32>
      %reduce_max3A_863 = tpu.scan <max>, %reduce_max3A_862 masked %reduce_max3A_859 : vector<16xi32>, vector<16xi1> -> vector<16xi32>
      %reduce_max3A_864 = arith.xori %reduce_max3A_863, %reduce_max3A_861 : vector<16xi32>
      %reduce_max3A_865 = vector.extract %reduce_max3A_864[15] : i32 from vector<16xi32>
      %reduce_max3A_866 = arith.constant true
      %reduce_max3A_867 = vector.broadcast %reduce_max3A_866 : i1 to vector<16xi1>
      %reduce_max3A_868 = arith.constant -2147483648 : i32
      %reduce_max3A_869 = vector.broadcast %reduce_max3A_868 : i32 to vector<16xi32>
      %reduce_max3A_870 = arith.xori %add3A_852, %reduce_max3A_869 : vector<16xi32>
      %reduce_max3A_871 = tpu.scan <max>, %reduce_max3A_870 masked %reduce_max3A_867 : vector<16xi32>, vector<16xi1> -> vector<16xi32>
      %reduce_max3A_872 = arith.xori %reduce_max3A_871, %reduce_max3A_869 : vector<16xi32>
      %reduce_max3A_873 = vector.extract %reduce_max3A_872[15] : i32 from vector<16xi32>
      %sub3A_874 = arith.constant 1 : i32
      %sub3A_875 = arith.subi %reduce_max3A_873, %sub3A_874 : i32
      %sub3A_876 = arith.subi %sub3A_436, %reduce_max3A_865 : i32
      %reduce_max3A_877 = arith.constant true
      %reduce_max3A_878 = vector.broadcast %reduce_max3A_877 : i1 to vector<16xi1>
      %reduce_max3A_879 = arith.constant -2147483648 : i32
      %reduce_max3A_880 = vector.broadcast %reduce_max3A_879 : i32 to vector<16xi32>
      %reduce_max3A_881 = arith.xori %gather3A_857, %reduce_max3A_880 : vector<16xi32>
      %reduce_max3A_882 = tpu.scan <max>, %reduce_max3A_881 masked %reduce_max3A_878 : vector<16xi32>, vector<16xi1> -> vector<16xi32>
      %reduce_max3A_883 = arith.xori %reduce_max3A_882, %reduce_max3A_880 : vector<16xi32>
      %reduce_max3A_884 = vector.extract %reduce_max3A_883[15] : i32 from vector<16xi32>
      %sub3A_885 = arith.subi %reduce_max3A_884, %reduce_max3A_865 : i32
      %shift_left3A_886 = arith.constant 16 : i32
      %shift_left3A_887 = arith.shli %sub3A_875, %shift_left3A_886 : i32
      %or3A = arith.ori %shift_left3A_452, %shift_left3A_887 : i32
      %add3A_888 = arith.constant 16 : i32
      %add3A_889 = arith.addi %sub3A_445, %add3A_888 : i32
      %sub3A_890 = arith.constant 1 : i32
      %sub3A_891 = arith.subi %add3A_889, %sub3A_890 : i32
      %jit3A_892 = arith.constant 16 : i32
      %div3A_893 = arith.divsi %sub3A_891, %jit3A_892 : i32
      %sign3A_894 = arith.constant 0 : i32
      %sign3A_895 = arith.cmpi sgt, %sub3A_891, %sign3A_894 : i32
      %sign3A_896 = arith.extui %sign3A_895 : i1 to i32
      %sign3A_897 = arith.constant 0 : i32
      %sign3A_898 = arith.cmpi slt, %sub3A_891, %sign3A_897 : i32
      %sign3A_899 = arith.extui %sign3A_898 : i1 to i32
      %sign3A_900 = arith.subi %sign3A_896, %sign3A_899 : i32
      %sign3A_901 = arith.constant 0 : i32
      %sign3A_902 = arith.cmpi sgt, %jit3A_892, %sign3A_901 : i32
      %sign3A_903 = arith.extui %sign3A_902 : i1 to i32
      %sign3A_904 = arith.constant 0 : i32
      %sign3A_905 = arith.cmpi slt, %jit3A_892, %sign3A_904 : i32
      %sign3A_906 = arith.extui %sign3A_905 : i1 to i32
      %sign3A_907 = arith.subi %sign3A_903, %sign3A_906 : i32
      %ne3A_908 = arith.cmpi ne, %sign3A_900, %sign3A_907 : i32
      %rem3A_909 = arith.remsi %sub3A_891, %jit3A_892 : i32
      %ne3A_910 = arith.constant 0 : i32
      %ne3A_911 = arith.cmpi ne, %rem3A_909, %ne3A_910 : i32
      %and3A_912 = arith.andi %ne3A_908, %ne3A_911 : i1
      %sub3A_913 = arith.constant 1 : i32
      %sub3A_914 = arith.subi %div3A_893, %sub3A_913 : i32
      %select_n3A_915 = arith.select %and3A_912, %sub3A_914, %div3A_893 : i32
      %while3A_916 = arith.constant 0 : i32
      %while3A_917 = arith.subi %select_n3A_915, %while3A_916 : i32
      %while3A_918 = arith.addi %while3A_916, %while3A_917 : i32
      %while3A_919 = arith.constant 1 : i32
      %while3A_920 = arith.divsi %while3A_917, %while3A_919 : i32
      %while3A_921 = arith.muli %while3A_920, %while3A_919 : i32
      %while3A_922 = arith.addi %while3A_916, %while3A_921 : i32
      %while3A_923 = arith.constant 1 : i32
      %while3A_924 = scf.for %while3A_1861 = %while3A_916 to %while3A_922 step %while3A_923 iter_args(%while3A_1862 = %broadcast_in_dim3A_3) -> (vector<16xi32>)  : i32 {
        %mul3A_1863 = arith.constant 16 : i32
        %mul3A_1864 = arith.muli %while3A_1861, %mul3A_1863 : i32
        %add3A_1865 = vector.broadcast %mul3A_1864 : i32 to vector<16xi32>
        %add3A_1866 = arith.addi %add3A_1865, %iota3A : vector<16xi32>
        %lt3A = vector.broadcast %sub3A_445 : i32 to vector<16xi32>
        %lt3A_1867 = arith.cmpi slt, %add3A_1866, %lt3A : vector<16xi32>
        %mul3A_1868 = arith.constant 16 : i32
        %mul3A_1869 = arith.muli %while3A_1861, %mul3A_1868 : i32
        %get3A_1870 = arith.index_cast %mul3A_1869 : i32 to index
        %get3A_1871 = tpu.vector_load %arg5[%get3A_1870] {strides = array<i32>} : memref<32784xi32, #tpu.memory_space<vmem>>, vector<16xi32>,
        %xor3A_1872 = arith.constant -2147483648 : i32
        %xor3A_1873 = vector.broadcast %xor3A_1872 : i32 to vector<16xi32>
        %xor3A_1874 = arith.xori %get3A_1871, %xor3A_1873 : vector<16xi32>
        %broadcast_in_dim3A_1875 = arith.constant 16 : i32
        %broadcast_in_dim3A_1876 = vector.broadcast %broadcast_in_dim3A_1875 : i32 to vector<16xi32>
        %shift_right_logical3A = arith.shrui %xor3A_1874, %broadcast_in_dim3A_1876 : vector<16xi32>
        %and3A_1877 = arith.constant 255 : i32
        %and3A_1878 = vector.broadcast %and3A_1877 : i32 to vector<16xi32>
        %and3A_1879 = arith.andi %shift_right_logical3A, %and3A_1878 : vector<16xi32>
        %eq3A = vector.broadcast %sub3A_875 : i32 to vector<16xi32>
        %eq3A_1880 = arith.cmpi eq, %and3A_1879, %eq3A : vector<16xi32>
        %and3A_1881 = arith.andi %lt3A_1867, %eq3A_1880 : vector<16xi1>
        %convert_element_type3A = arith.extui %and3A_1881 : vector<16xi1> to vector<16xi32>
        %broadcast_in_dim3A_1882 = arith.constant true
        %broadcast_in_dim3A_1883 = vector.broadcast %broadcast_in_dim3A_1882 : i1 to vector<16xi1>
        %masked_cumsum3A_1884 = tpu.scan <sum>, %convert_element_type3A masked %broadcast_in_dim3A_1883 : vector<16xi32>, vector<16xi1> -> vector<16xi32>
        %sub3A_1885 = arith.subi %masked_cumsum3A_1884, %convert_element_type3A : vector<16xi32>
        %add3A_1886 = arith.addi %while3A_1862, %sub3A_1885 : vector<16xi32>
        tpu.vector_store_idx %arg5[%add3A_1886], %get3A_1871 masked %and3A_1881 : memref<32784xi32, #tpu.memory_space<vmem>>[vector<16xi32>], vector<16xi32>, vector<16xi1>
        %all_reduce_population_count3A_1887 = tpu.all_reduce %and3A_1881 {dim = 0 : i64, kind = #tpu.reduction_kind<sum>} : vector<16xi1> -> vector<16xi32>
        %add3A_1888 = arith.addi %while3A_1862, %all_reduce_population_count3A_1887 : vector<16xi32>
        scf.yield %add3A_1888 : vector<16xi32>
      }
      %while3A_925 = arith.constant 1 : i32
      %while3A_926 = scf.for %while3A_1861 = %while3A_922 to %while3A_918 step %while3A_925 iter_args(%while3A_1862 = %while3A_924) -> (vector<16xi32>)  : i32 {
        %mul3A_1863 = arith.constant 16 : i32
        %mul3A_1864 = arith.muli %while3A_1861, %mul3A_1863 : i32
        %add3A_1865 = vector.broadcast %mul3A_1864 : i32 to vector<16xi32>
        %add3A_1866 = arith.addi %add3A_1865, %iota3A : vector<16xi32>
        %lt3A = vector.broadcast %sub3A_445 : i32 to vector<16xi32>
        %lt3A_1867 = arith.cmpi slt, %add3A_1866, %lt3A : vector<16xi32>
        %mul3A_1868 = arith.constant 16 : i32
        %mul3A_1869 = arith.muli %while3A_1861, %mul3A_1868 : i32
        %get3A_1870 = arith.index_cast %mul3A_1869 : i32 to index
        %get3A_1871 = tpu.vector_load %arg5[%get3A_1870] {strides = array<i32>} : memref<32784xi32, #tpu.memory_space<vmem>>, vector<16xi32>,
        %xor3A_1872 = arith.constant -2147483648 : i32
        %xor3A_1873 = vector.broadcast %xor3A_1872 : i32 to vector<16xi32>
        %xor3A_1874 = arith.xori %get3A_1871, %xor3A_1873 : vector<16xi32>
        %broadcast_in_dim3A_1875 = arith.constant 16 : i32
        %broadcast_in_dim3A_1876 = vector.broadcast %broadcast_in_dim3A_1875 : i32 to vector<16xi32>
        %shift_right_logical3A = arith.shrui %xor3A_1874, %broadcast_in_dim3A_1876 : vector<16xi32>
        %and3A_1877 = arith.constant 255 : i32
        %and3A_1878 = vector.broadcast %and3A_1877 : i32 to vector<16xi32>
        %and3A_1879 = arith.andi %shift_right_logical3A, %and3A_1878 : vector<16xi32>
        %eq3A = vector.broadcast %sub3A_875 : i32 to vector<16xi32>
        %eq3A_1880 = arith.cmpi eq, %and3A_1879, %eq3A : vector<16xi32>
        %and3A_1881 = arith.andi %lt3A_1867, %eq3A_1880 : vector<16xi1>
        %convert_element_type3A = arith.extui %and3A_1881 : vector<16xi1> to vector<16xi32>
        %broadcast_in_dim3A_1882 = arith.constant true
        %broadcast_in_dim3A_1883 = vector.broadcast %broadcast_in_dim3A_1882 : i1 to vector<16xi1>
        %masked_cumsum3A_1884 = tpu.scan <sum>, %convert_element_type3A masked %broadcast_in_dim3A_1883 : vector<16xi32>, vector<16xi1> -> vector<16xi32>
        %sub3A_1885 = arith.subi %masked_cumsum3A_1884, %convert_element_type3A : vector<16xi32>
        %add3A_1886 = arith.addi %while3A_1862, %sub3A_1885 : vector<16xi32>
        tpu.vector_store_idx %arg5[%add3A_1886], %get3A_1871 masked %and3A_1881 : memref<32784xi32, #tpu.memory_space<vmem>>[vector<16xi32>], vector<16xi32>, vector<16xi1>
        %all_reduce_population_count3A_1887 = tpu.all_reduce %and3A_1881 {dim = 0 : i64, kind = #tpu.reduction_kind<sum>} : vector<16xi1> -> vector<16xi32>
        %add3A_1888 = arith.addi %while3A_1862, %all_reduce_population_count3A_1887 : vector<16xi32>
        scf.yield %add3A_1888 : vector<16xi32>
      }
      %scan3A_927 = arith.constant 0 : i32
      %scan3A_928 = arith.constant 0 : i32
      %scan3A_929 = arith.constant 256 : i32
      %scan3A_930 = arith.addi %scan3A_928, %scan3A_929 : i32
      %scan3A_931 = arith.constant 1 : i32
      scf.for %scan3A_1861 = %scan3A_928 to %scan3A_930 step %scan3A_931  : i32 {
        %mul3A_1862 = arith.constant 16 : i32
        %mul3A_1863 = arith.muli %scan3A_1861, %mul3A_1862 : i32
        %swap3A_1864 = arith.index_cast %mul3A_1863 : i32 to index
        %swap3A_1865 = tpu.vector_load %arg6[%swap3A_1864] {strides = array<i32>} : memref<4096xi32, #tpu.memory_space<vmem>>, vector<16xi32>,
        tpu.vector_store %arg6[%swap3A_1864], %broadcast_in_dim3A_3 {strides = array<i32>} : memref<4096xi32, #tpu.memory_space<vmem>>, vector<16xi32>,
      }
      %scan3A_932 = arith.constant 256 : i32
      %add3A_933 = arith.constant 16 : i32
      %add3A_934 = arith.addi %sub3A_885, %add3A_933 : i32
      %sub3A_935 = arith.constant 1 : i32
      %sub3A_936 = arith.subi %add3A_934, %sub3A_935 : i32
      %jit3A_937 = arith.constant 16 : i32
      %div3A_938 = arith.divsi %sub3A_936, %jit3A_937 : i32
      %sign3A_939 = arith.constant 0 : i32
      %sign3A_940 = arith.cmpi sgt, %sub3A_936, %sign3A_939 : i32
      %sign3A_941 = arith.extui %sign3A_940 : i1 to i32
      %sign3A_942 = arith.constant 0 : i32
      %sign3A_943 = arith.cmpi slt, %sub3A_936, %sign3A_942 : i32
      %sign3A_944 = arith.extui %sign3A_943 : i1 to i32
      %sign3A_945 = arith.subi %sign3A_941, %sign3A_944 : i32
      %sign3A_946 = arith.constant 0 : i32
      %sign3A_947 = arith.cmpi sgt, %jit3A_937, %sign3A_946 : i32
      %sign3A_948 = arith.extui %sign3A_947 : i1 to i32
      %sign3A_949 = arith.constant 0 : i32
      %sign3A_950 = arith.cmpi slt, %jit3A_937, %sign3A_949 : i32
      %sign3A_951 = arith.extui %sign3A_950 : i1 to i32
      %sign3A_952 = arith.subi %sign3A_948, %sign3A_951 : i32
      %ne3A_953 = arith.cmpi ne, %sign3A_945, %sign3A_952 : i32
      %rem3A_954 = arith.remsi %sub3A_936, %jit3A_937 : i32
      %ne3A_955 = arith.constant 0 : i32
      %ne3A_956 = arith.cmpi ne, %rem3A_954, %ne3A_955 : i32
      %and3A_957 = arith.andi %ne3A_953, %ne3A_956 : i1
      %sub3A_958 = arith.constant 1 : i32
      %sub3A_959 = arith.subi %div3A_938, %sub3A_958 : i32
      %select_n3A_960 = arith.select %and3A_957, %sub3A_959, %div3A_938 : i32
      %while3A_961 = arith.constant 0 : i32
      %while3A_962 = arith.constant 0 : i32
      %while3A_963 = arith.subi %select_n3A_960, %while3A_962 : i32
      %while3A_964 = arith.addi %while3A_962, %while3A_963 : i32
      %while3A_965 = arith.constant 1 : i32
      %while3A_966 = arith.divsi %while3A_963, %while3A_965 : i32
      %while3A_967 = arith.muli %while3A_966, %while3A_965 : i32
      %while3A_968 = arith.addi %while3A_962, %while3A_967 : i32
      %while3A_969 = arith.constant 1 : i32
      scf.for %while3A_1861 = %while3A_962 to %while3A_968 step %while3A_969  : i32 {
        %mul3A_1862 = arith.constant 16 : i32
        %mul3A_1863 = arith.muli %while3A_1861, %mul3A_1862 : i32
        %add3A_1864 = vector.broadcast %mul3A_1863 : i32 to vector<16xi32>
        %add3A_1865 = arith.addi %add3A_1864, %iota3A : vector<16xi32>
        %lt3A = vector.broadcast %sub3A_885 : i32 to vector<16xi32>
        %lt3A_1866 = arith.cmpi slt, %add3A_1865, %lt3A : vector<16xi32>
        %mul3A_1867 = arith.constant 16 : i32
        %mul3A_1868 = arith.muli %while3A_1861, %mul3A_1867 : i32
        %get3A_1869 = arith.index_cast %mul3A_1868 : i32 to index
        %get3A_1870 = tpu.vector_load %arg5[%get3A_1869] {strides = array<i32>} : memref<32784xi32, #tpu.memory_space<vmem>>, vector<16xi32>,
        %xor3A_1871 = arith.constant -2147483648 : i32
        %xor3A_1872 = vector.broadcast %xor3A_1871 : i32 to vector<16xi32>
        %xor3A_1873 = arith.xori %get3A_1870, %xor3A_1872 : vector<16xi32>
        %broadcast_in_dim3A_1874 = arith.constant 8 : i32
        %broadcast_in_dim3A_1875 = vector.broadcast %broadcast_in_dim3A_1874 : i32 to vector<16xi32>
        %shift_right_logical3A = arith.shrui %xor3A_1873, %broadcast_in_dim3A_1875 : vector<16xi32>
        %and3A_1876 = arith.constant 255 : i32
        %and3A_1877 = vector.broadcast %and3A_1876 : i32 to vector<16xi32>
        %and3A_1878 = arith.andi %shift_right_logical3A, %and3A_1877 : vector<16xi32>
        %mul3A_1879 = arith.constant 256 : i32
        %mul3A_1880 = vector.broadcast %mul3A_1879 : i32 to vector<16xi32>
        %mul3A_1881 = arith.muli %iota3A, %mul3A_1880 : vector<16xi32>
        %add3A_1882 = arith.addi %mul3A_1881, %and3A_1878 : vector<16xi32>
        tpu.vector_store_idx %arg6[%add3A_1882], %broadcast_in_dim3A_1 masked %lt3A_1866 {add = true} : memref<4096xi32, #tpu.memory_space<vmem>>[vector<16xi32>], vector<16xi32>, vector<16xi1>
      }
      %while3A_970 = arith.constant 1 : i32
      scf.for %while3A_1861 = %while3A_968 to %while3A_964 step %while3A_970  : i32 {
        %mul3A_1862 = arith.constant 16 : i32
        %mul3A_1863 = arith.muli %while3A_1861, %mul3A_1862 : i32
        %add3A_1864 = vector.broadcast %mul3A_1863 : i32 to vector<16xi32>
        %add3A_1865 = arith.addi %add3A_1864, %iota3A : vector<16xi32>
        %lt3A = vector.broadcast %sub3A_885 : i32 to vector<16xi32>
        %lt3A_1866 = arith.cmpi slt, %add3A_1865, %lt3A : vector<16xi32>
        %mul3A_1867 = arith.constant 16 : i32
        %mul3A_1868 = arith.muli %while3A_1861, %mul3A_1867 : i32
        %get3A_1869 = arith.index_cast %mul3A_1868 : i32 to index
        %get3A_1870 = tpu.vector_load %arg5[%get3A_1869] {strides = array<i32>} : memref<32784xi32, #tpu.memory_space<vmem>>, vector<16xi32>,
        %xor3A_1871 = arith.constant -2147483648 : i32
        %xor3A_1872 = vector.broadcast %xor3A_1871 : i32 to vector<16xi32>
        %xor3A_1873 = arith.xori %get3A_1870, %xor3A_1872 : vector<16xi32>
        %broadcast_in_dim3A_1874 = arith.constant 8 : i32
        %broadcast_in_dim3A_1875 = vector.broadcast %broadcast_in_dim3A_1874 : i32 to vector<16xi32>
        %shift_right_logical3A = arith.shrui %xor3A_1873, %broadcast_in_dim3A_1875 : vector<16xi32>
        %and3A_1876 = arith.constant 255 : i32
        %and3A_1877 = vector.broadcast %and3A_1876 : i32 to vector<16xi32>
        %and3A_1878 = arith.andi %shift_right_logical3A, %and3A_1877 : vector<16xi32>
        %mul3A_1879 = arith.constant 256 : i32
        %mul3A_1880 = vector.broadcast %mul3A_1879 : i32 to vector<16xi32>
        %mul3A_1881 = arith.muli %iota3A, %mul3A_1880 : vector<16xi32>
        %add3A_1882 = arith.addi %mul3A_1881, %and3A_1878 : vector<16xi32>
        tpu.vector_store_idx %arg6[%add3A_1882], %broadcast_in_dim3A_1 masked %lt3A_1866 {add = true} : memref<4096xi32, #tpu.memory_space<vmem>>[vector<16xi32>], vector<16xi32>, vector<16xi1>
      }
      %scan3A_971 = arith.constant 0 : i32
      %scan3A_972 = arith.constant 0 : i32
      %scan3A_973 = arith.constant 128 : i32
      %scan3A_974 = arith.addi %scan3A_972, %scan3A_973 : i32
      %scan3A_975 = arith.constant 1 : i32
      scf.for %scan3A_1861 = %scan3A_972 to %scan3A_974 step %scan3A_975  : i32 {
        %mul3A_1862 = arith.constant 16 : i32
        %mul3A_1863 = arith.muli %scan3A_1861, %mul3A_1862 : i32
        %get3A_1864 = arith.index_cast %mul3A_1863 : i32 to index
        %get3A_1865 = tpu.vector_load %arg6[%get3A_1864] {strides = array<i32>} : memref<4096xi32, #tpu.memory_space<vmem>>, vector<16xi32>,
        %mul3A_1866 = arith.constant 16 : i32
        %mul3A_1867 = arith.muli %scan3A_1861, %mul3A_1866 : i32
        %add3A_1868 = arith.constant 2048 : i32
        %add3A_1869 = arith.addi %add3A_1868, %mul3A_1867 : i32
        %get3A_1870 = arith.index_cast %add3A_1869 : i32 to index
        %get3A_1871 = tpu.vector_load %arg6[%get3A_1870] {strides = array<i32>} : memref<4096xi32, #tpu.memory_space<vmem>>, vector<16xi32>,
        %add3A_1872 = arith.addi %get3A_1865, %get3A_1871 : vector<16xi32>
        %mul3A_1873 = arith.constant 16 : i32
        %mul3A_1874 = arith.muli %scan3A_1861, %mul3A_1873 : i32
        %swap3A_1875 = arith.index_cast %mul3A_1874 : i32 to index
        %swap3A_1876 = tpu.vector_load %arg6[%swap3A_1875] {strides = array<i32>} : memref<4096xi32, #tpu.memory_space<vmem>>, vector<16xi32>,
        tpu.vector_store %arg6[%swap3A_1875], %add3A_1872 {strides = array<i32>} : memref<4096xi32, #tpu.memory_space<vmem>>, vector<16xi32>,
      }
      %scan3A_976 = arith.constant 128 : i32
      %scan3A_977 = arith.constant 0 : i32
      %scan3A_978 = arith.constant 0 : i32
      %scan3A_979 = arith.constant 64 : i32
      %scan3A_980 = arith.addi %scan3A_978, %scan3A_979 : i32
      %scan3A_981 = arith.constant 1 : i32
      scf.for %scan3A_1861 = %scan3A_978 to %scan3A_980 step %scan3A_981  : i32 {
        %mul3A_1862 = arith.constant 16 : i32
        %mul3A_1863 = arith.muli %scan3A_1861, %mul3A_1862 : i32
        %get3A_1864 = arith.index_cast %mul3A_1863 : i32 to index
        %get3A_1865 = tpu.vector_load %arg6[%get3A_1864] {strides = array<i32>} : memref<4096xi32, #tpu.memory_space<vmem>>, vector<16xi32>,
        %mul3A_1866 = arith.constant 16 : i32
        %mul3A_1867 = arith.muli %scan3A_1861, %mul3A_1866 : i32
        %add3A_1868 = arith.constant 1024 : i32
        %add3A_1869 = arith.addi %add3A_1868, %mul3A_1867 : i32
        %get3A_1870 = arith.index_cast %add3A_1869 : i32 to index
        %get3A_1871 = tpu.vector_load %arg6[%get3A_1870] {strides = array<i32>} : memref<4096xi32, #tpu.memory_space<vmem>>, vector<16xi32>,
        %add3A_1872 = arith.addi %get3A_1865, %get3A_1871 : vector<16xi32>
        %mul3A_1873 = arith.constant 16 : i32
        %mul3A_1874 = arith.muli %scan3A_1861, %mul3A_1873 : i32
        %swap3A_1875 = arith.index_cast %mul3A_1874 : i32 to index
        %swap3A_1876 = tpu.vector_load %arg6[%swap3A_1875] {strides = array<i32>} : memref<4096xi32, #tpu.memory_space<vmem>>, vector<16xi32>,
        tpu.vector_store %arg6[%swap3A_1875], %add3A_1872 {strides = array<i32>} : memref<4096xi32, #tpu.memory_space<vmem>>, vector<16xi32>,
      }
      %scan3A_982 = arith.constant 64 : i32
      %scan3A_983 = arith.constant 0 : i32
      %scan3A_984 = arith.constant 0 : i32
      %scan3A_985 = arith.constant 32 : i32
      %scan3A_986 = arith.addi %scan3A_984, %scan3A_985 : i32
      %scan3A_987 = arith.constant 1 : i32
      scf.for %scan3A_1861 = %scan3A_984 to %scan3A_986 step %scan3A_987  : i32 {
        %mul3A_1862 = arith.constant 16 : i32
        %mul3A_1863 = arith.muli %scan3A_1861, %mul3A_1862 : i32
        %get3A_1864 = arith.index_cast %mul3A_1863 : i32 to index
        %get3A_1865 = tpu.vector_load %arg6[%get3A_1864] {strides = array<i32>} : memref<4096xi32, #tpu.memory_space<vmem>>, vector<16xi32>,
        %mul3A_1866 = arith.constant 16 : i32
        %mul3A_1867 = arith.muli %scan3A_1861, %mul3A_1866 : i32
        %add3A_1868 = arith.constant 512 : i32
        %add3A_1869 = arith.addi %add3A_1868, %mul3A_1867 : i32
        %get3A_1870 = arith.index_cast %add3A_1869 : i32 to index
        %get3A_1871 = tpu.vector_load %arg6[%get3A_1870] {strides = array<i32>} : memref<4096xi32, #tpu.memory_space<vmem>>, vector<16xi32>,
        %add3A_1872 = arith.addi %get3A_1865, %get3A_1871 : vector<16xi32>
        %mul3A_1873 = arith.constant 16 : i32
        %mul3A_1874 = arith.muli %scan3A_1861, %mul3A_1873 : i32
        %swap3A_1875 = arith.index_cast %mul3A_1874 : i32 to index
        %swap3A_1876 = tpu.vector_load %arg6[%swap3A_1875] {strides = array<i32>} : memref<4096xi32, #tpu.memory_space<vmem>>, vector<16xi32>,
        tpu.vector_store %arg6[%swap3A_1875], %add3A_1872 {strides = array<i32>} : memref<4096xi32, #tpu.memory_space<vmem>>, vector<16xi32>,
      }
      %scan3A_988 = arith.constant 32 : i32
      %scan3A_989 = arith.constant 0 : i32
      %scan3A_990 = arith.constant 0 : i32
      %scan3A_991 = arith.constant 16 : i32
      %scan3A_992 = arith.addi %scan3A_990, %scan3A_991 : i32
      %scan3A_993 = arith.constant 1 : i32
      scf.for %scan3A_1861 = %scan3A_990 to %scan3A_992 step %scan3A_993  : i32 {
        %mul3A_1862 = arith.constant 16 : i32
        %mul3A_1863 = arith.muli %scan3A_1861, %mul3A_1862 : i32
        %get3A_1864 = arith.index_cast %mul3A_1863 : i32 to index
        %get3A_1865 = tpu.vector_load %arg6[%get3A_1864] {strides = array<i32>} : memref<4096xi32, #tpu.memory_space<vmem>>, vector<16xi32>,
        %mul3A_1866 = arith.constant 16 : i32
        %mul3A_1867 = arith.muli %scan3A_1861, %mul3A_1866 : i32
        %add3A_1868 = arith.constant 256 : i32
        %add3A_1869 = arith.addi %add3A_1868, %mul3A_1867 : i32
        %get3A_1870 = arith.index_cast %add3A_1869 : i32 to index
        %get3A_1871 = tpu.vector_load %arg6[%get3A_1870] {strides = array<i32>} : memref<4096xi32, #tpu.memory_space<vmem>>, vector<16xi32>,
        %add3A_1872 = arith.addi %get3A_1865, %get3A_1871 : vector<16xi32>
        %mul3A_1873 = arith.constant 16 : i32
        %mul3A_1874 = arith.muli %scan3A_1861, %mul3A_1873 : i32
        %swap3A_1875 = arith.index_cast %mul3A_1874 : i32 to index
        %swap3A_1876 = tpu.vector_load %arg6[%swap3A_1875] {strides = array<i32>} : memref<4096xi32, #tpu.memory_space<vmem>>, vector<16xi32>,
        tpu.vector_store %arg6[%swap3A_1875], %add3A_1872 {strides = array<i32>} : memref<4096xi32, #tpu.memory_space<vmem>>, vector<16xi32>,
      }
      %scan3A_994 = arith.constant 16 : i32
      %swap3A_995 = arith.constant 256 : index
      %swap3A_996 = tpu.vector_load %arg7[%swap3A_995] {strides = array<i32>} : memref<272xi32, #tpu.memory_space<vmem>>, vector<16xi32>,
      tpu.vector_store %arg7[%swap3A_995], %broadcast_in_dim3A_3 {strides = array<i32>} : memref<272xi32, #tpu.memory_space<vmem>>, vector<16xi32>,
      %get3A_997 = arith.constant 0 : index
      %get3A_998 = tpu.vector_load %arg6[%get3A_997] {strides = array<i32>} : memref<4096xi32, #tpu.memory_space<vmem>>, vector<16xi32>,
      %broadcast_in_dim3A_999 = arith.constant true
      %broadcast_in_dim3A_1000 = vector.broadcast %broadcast_in_dim3A_999 : i1 to vector<16xi1>
      %masked_cumsum3A_1001 = tpu.scan <sum>, %get3A_998 masked %broadcast_in_dim3A_1000 : vector<16xi32>, vector<16xi1> -> vector<16xi32>
      %sub3A_1002 = arith.subi %masked_cumsum3A_1001, %get3A_998 : vector<16xi32>
      %add3A_1003 = arith.constant 0 : i32
      %add3A_1004 = vector.broadcast %add3A_1003 : i32 to vector<16xi32>
      %add3A_1005 = arith.addi %sub3A_1002, %add3A_1004 : vector<16xi32>
      %sub3A_1006 = vector.broadcast %sub3A_885 : i32 to vector<16xi32>
      %sub3A_1007 = arith.subi %sub3A_1006, %add3A_1005 : vector<16xi32>
      %swap3A_1008 = arith.constant 0 : index
      %swap3A_1009 = tpu.vector_load %arg7[%swap3A_1008] {strides = array<i32>} : memref<272xi32, #tpu.memory_space<vmem>>, vector<16xi32>,
      tpu.vector_store %arg7[%swap3A_1008], %sub3A_1007 {strides = array<i32>} : memref<272xi32, #tpu.memory_space<vmem>>, vector<16xi32>,
      %reduce_sum3A_1010 = arith.constant true
      %reduce_sum3A_1011 = vector.broadcast %reduce_sum3A_1010 : i1 to vector<16xi1>
      %reduce_sum3A_1012 = tpu.scan <sum>, %get3A_998 masked %reduce_sum3A_1011 : vector<16xi32>, vector<16xi1> -> vector<16xi32>
      %reduce_sum3A_1013 = vector.extract %reduce_sum3A_1012[15] : i32 from vector<16xi32>
      %add3A_1014 = arith.constant 0 : i32
      %add3A_1015 = arith.addi %add3A_1014, %reduce_sum3A_1013 : i32
      %ge3A_1016 = vector.broadcast %sub3A_876 : i32 to vector<16xi32>
      %ge3A_1017 = arith.cmpi sge, %sub3A_1007, %ge3A_1016 : vector<16xi32>
      %all_reduce_population_count3A_1018 = tpu.all_reduce %ge3A_1017 {dim = 0 : i64, kind = #tpu.reduction_kind<sum>} : vector<16xi1> -> vector<16xi32>
      %add3A_1019 = arith.addi %broadcast_in_dim3A_3, %all_reduce_population_count3A_1018 : vector<16xi32>
      %get3A_1020 = arith.constant 16 : index
      %get3A_1021 = tpu.vector_load %arg6[%get3A_1020] {strides = array<i32>} : memref<4096xi32, #tpu.memory_space<vmem>>, vector<16xi32>,
      %broadcast_in_dim3A_1022 = arith.constant true
      %broadcast_in_dim3A_1023 = vector.broadcast %broadcast_in_dim3A_1022 : i1 to vector<16xi1>
      %masked_cumsum3A_1024 = tpu.scan <sum>, %get3A_1021 masked %broadcast_in_dim3A_1023 : vector<16xi32>, vector<16xi1> -> vector<16xi32>
      %sub3A_1025 = arith.subi %masked_cumsum3A_1024, %get3A_1021 : vector<16xi32>
      %add3A_1026 = vector.broadcast %add3A_1015 : i32 to vector<16xi32>
      %add3A_1027 = arith.addi %sub3A_1025, %add3A_1026 : vector<16xi32>
      %sub3A_1028 = vector.broadcast %sub3A_885 : i32 to vector<16xi32>
      %sub3A_1029 = arith.subi %sub3A_1028, %add3A_1027 : vector<16xi32>
      %swap3A_1030 = arith.constant 16 : index
      %swap3A_1031 = tpu.vector_load %arg7[%swap3A_1030] {strides = array<i32>} : memref<272xi32, #tpu.memory_space<vmem>>, vector<16xi32>,
      tpu.vector_store %arg7[%swap3A_1030], %sub3A_1029 {strides = array<i32>} : memref<272xi32, #tpu.memory_space<vmem>>, vector<16xi32>,
      %reduce_sum3A_1032 = arith.constant true
      %reduce_sum3A_1033 = vector.broadcast %reduce_sum3A_1032 : i1 to vector<16xi1>
      %reduce_sum3A_1034 = tpu.scan <sum>, %get3A_1021 masked %reduce_sum3A_1033 : vector<16xi32>, vector<16xi1> -> vector<16xi32>
      %reduce_sum3A_1035 = vector.extract %reduce_sum3A_1034[15] : i32 from vector<16xi32>
      %add3A_1036 = arith.addi %add3A_1015, %reduce_sum3A_1035 : i32
      %ge3A_1037 = vector.broadcast %sub3A_876 : i32 to vector<16xi32>
      %ge3A_1038 = arith.cmpi sge, %sub3A_1029, %ge3A_1037 : vector<16xi32>
      %all_reduce_population_count3A_1039 = tpu.all_reduce %ge3A_1038 {dim = 0 : i64, kind = #tpu.reduction_kind<sum>} : vector<16xi1> -> vector<16xi32>
      %add3A_1040 = arith.addi %add3A_1019, %all_reduce_population_count3A_1039 : vector<16xi32>
      %get3A_1041 = arith.constant 32 : index
      %get3A_1042 = tpu.vector_load %arg6[%get3A_1041] {strides = array<i32>} : memref<4096xi32, #tpu.memory_space<vmem>>, vector<16xi32>,
      %broadcast_in_dim3A_1043 = arith.constant true
      %broadcast_in_dim3A_1044 = vector.broadcast %broadcast_in_dim3A_1043 : i1 to vector<16xi1>
      %masked_cumsum3A_1045 = tpu.scan <sum>, %get3A_1042 masked %broadcast_in_dim3A_1044 : vector<16xi32>, vector<16xi1> -> vector<16xi32>
      %sub3A_1046 = arith.subi %masked_cumsum3A_1045, %get3A_1042 : vector<16xi32>
      %add3A_1047 = vector.broadcast %add3A_1036 : i32 to vector<16xi32>
      %add3A_1048 = arith.addi %sub3A_1046, %add3A_1047 : vector<16xi32>
      %sub3A_1049 = vector.broadcast %sub3A_885 : i32 to vector<16xi32>
      %sub3A_1050 = arith.subi %sub3A_1049, %add3A_1048 : vector<16xi32>
      %swap3A_1051 = arith.constant 32 : index
      %swap3A_1052 = tpu.vector_load %arg7[%swap3A_1051] {strides = array<i32>} : memref<272xi32, #tpu.memory_space<vmem>>, vector<16xi32>,
      tpu.vector_store %arg7[%swap3A_1051], %sub3A_1050 {strides = array<i32>} : memref<272xi32, #tpu.memory_space<vmem>>, vector<16xi32>,
      %reduce_sum3A_1053 = arith.constant true
      %reduce_sum3A_1054 = vector.broadcast %reduce_sum3A_1053 : i1 to vector<16xi1>
      %reduce_sum3A_1055 = tpu.scan <sum>, %get3A_1042 masked %reduce_sum3A_1054 : vector<16xi32>, vector<16xi1> -> vector<16xi32>
      %reduce_sum3A_1056 = vector.extract %reduce_sum3A_1055[15] : i32 from vector<16xi32>
      %add3A_1057 = arith.addi %add3A_1036, %reduce_sum3A_1056 : i32
      %ge3A_1058 = vector.broadcast %sub3A_876 : i32 to vector<16xi32>
      %ge3A_1059 = arith.cmpi sge, %sub3A_1050, %ge3A_1058 : vector<16xi32>
      %all_reduce_population_count3A_1060 = tpu.all_reduce %ge3A_1059 {dim = 0 : i64, kind = #tpu.reduction_kind<sum>} : vector<16xi1> -> vector<16xi32>
      %add3A_1061 = arith.addi %add3A_1040, %all_reduce_population_count3A_1060 : vector<16xi32>
      %get3A_1062 = arith.constant 48 : index
      %get3A_1063 = tpu.vector_load %arg6[%get3A_1062] {strides = array<i32>} : memref<4096xi32, #tpu.memory_space<vmem>>, vector<16xi32>,
      %broadcast_in_dim3A_1064 = arith.constant true
      %broadcast_in_dim3A_1065 = vector.broadcast %broadcast_in_dim3A_1064 : i1 to vector<16xi1>
      %masked_cumsum3A_1066 = tpu.scan <sum>, %get3A_1063 masked %broadcast_in_dim3A_1065 : vector<16xi32>, vector<16xi1> -> vector<16xi32>
      %sub3A_1067 = arith.subi %masked_cumsum3A_1066, %get3A_1063 : vector<16xi32>
      %add3A_1068 = vector.broadcast %add3A_1057 : i32 to vector<16xi32>
      %add3A_1069 = arith.addi %sub3A_1067, %add3A_1068 : vector<16xi32>
      %sub3A_1070 = vector.broadcast %sub3A_885 : i32 to vector<16xi32>
      %sub3A_1071 = arith.subi %sub3A_1070, %add3A_1069 : vector<16xi32>
      %swap3A_1072 = arith.constant 48 : index
      %swap3A_1073 = tpu.vector_load %arg7[%swap3A_1072] {strides = array<i32>} : memref<272xi32, #tpu.memory_space<vmem>>, vector<16xi32>,
      tpu.vector_store %arg7[%swap3A_1072], %sub3A_1071 {strides = array<i32>} : memref<272xi32, #tpu.memory_space<vmem>>, vector<16xi32>,
      %reduce_sum3A_1074 = arith.constant true
      %reduce_sum3A_1075 = vector.broadcast %reduce_sum3A_1074 : i1 to vector<16xi1>
      %reduce_sum3A_1076 = tpu.scan <sum>, %get3A_1063 masked %reduce_sum3A_1075 : vector<16xi32>, vector<16xi1> -> vector<16xi32>
      %reduce_sum3A_1077 = vector.extract %reduce_sum3A_1076[15] : i32 from vector<16xi32>
      %add3A_1078 = arith.addi %add3A_1057, %reduce_sum3A_1077 : i32
      %ge3A_1079 = vector.broadcast %sub3A_876 : i32 to vector<16xi32>
      %ge3A_1080 = arith.cmpi sge, %sub3A_1071, %ge3A_1079 : vector<16xi32>
      %all_reduce_population_count3A_1081 = tpu.all_reduce %ge3A_1080 {dim = 0 : i64, kind = #tpu.reduction_kind<sum>} : vector<16xi1> -> vector<16xi32>
      %add3A_1082 = arith.addi %add3A_1061, %all_reduce_population_count3A_1081 : vector<16xi32>
      %get3A_1083 = arith.constant 64 : index
      %get3A_1084 = tpu.vector_load %arg6[%get3A_1083] {strides = array<i32>} : memref<4096xi32, #tpu.memory_space<vmem>>, vector<16xi32>,
      %broadcast_in_dim3A_1085 = arith.constant true
      %broadcast_in_dim3A_1086 = vector.broadcast %broadcast_in_dim3A_1085 : i1 to vector<16xi1>
      %masked_cumsum3A_1087 = tpu.scan <sum>, %get3A_1084 masked %broadcast_in_dim3A_1086 : vector<16xi32>, vector<16xi1> -> vector<16xi32>
      %sub3A_1088 = arith.subi %masked_cumsum3A_1087, %get3A_1084 : vector<16xi32>
      %add3A_1089 = vector.broadcast %add3A_1078 : i32 to vector<16xi32>
      %add3A_1090 = arith.addi %sub3A_1088, %add3A_1089 : vector<16xi32>
      %sub3A_1091 = vector.broadcast %sub3A_885 : i32 to vector<16xi32>
      %sub3A_1092 = arith.subi %sub3A_1091, %add3A_1090 : vector<16xi32>
      %swap3A_1093 = arith.constant 64 : index
      %swap3A_1094 = tpu.vector_load %arg7[%swap3A_1093] {strides = array<i32>} : memref<272xi32, #tpu.memory_space<vmem>>, vector<16xi32>,
      tpu.vector_store %arg7[%swap3A_1093], %sub3A_1092 {strides = array<i32>} : memref<272xi32, #tpu.memory_space<vmem>>, vector<16xi32>,
      %reduce_sum3A_1095 = arith.constant true
      %reduce_sum3A_1096 = vector.broadcast %reduce_sum3A_1095 : i1 to vector<16xi1>
      %reduce_sum3A_1097 = tpu.scan <sum>, %get3A_1084 masked %reduce_sum3A_1096 : vector<16xi32>, vector<16xi1> -> vector<16xi32>
      %reduce_sum3A_1098 = vector.extract %reduce_sum3A_1097[15] : i32 from vector<16xi32>
      %add3A_1099 = arith.addi %add3A_1078, %reduce_sum3A_1098 : i32
      %ge3A_1100 = vector.broadcast %sub3A_876 : i32 to vector<16xi32>
      %ge3A_1101 = arith.cmpi sge, %sub3A_1092, %ge3A_1100 : vector<16xi32>
      %all_reduce_population_count3A_1102 = tpu.all_reduce %ge3A_1101 {dim = 0 : i64, kind = #tpu.reduction_kind<sum>} : vector<16xi1> -> vector<16xi32>
      %add3A_1103 = arith.addi %add3A_1082, %all_reduce_population_count3A_1102 : vector<16xi32>
      %get3A_1104 = arith.constant 80 : index
      %get3A_1105 = tpu.vector_load %arg6[%get3A_1104] {strides = array<i32>} : memref<4096xi32, #tpu.memory_space<vmem>>, vector<16xi32>,
      %broadcast_in_dim3A_1106 = arith.constant true
      %broadcast_in_dim3A_1107 = vector.broadcast %broadcast_in_dim3A_1106 : i1 to vector<16xi1>
      %masked_cumsum3A_1108 = tpu.scan <sum>, %get3A_1105 masked %broadcast_in_dim3A_1107 : vector<16xi32>, vector<16xi1> -> vector<16xi32>
      %sub3A_1109 = arith.subi %masked_cumsum3A_1108, %get3A_1105 : vector<16xi32>
      %add3A_1110 = vector.broadcast %add3A_1099 : i32 to vector<16xi32>
      %add3A_1111 = arith.addi %sub3A_1109, %add3A_1110 : vector<16xi32>
      %sub3A_1112 = vector.broadcast %sub3A_885 : i32 to vector<16xi32>
      %sub3A_1113 = arith.subi %sub3A_1112, %add3A_1111 : vector<16xi32>
      %swap3A_1114 = arith.constant 80 : index
      %swap3A_1115 = tpu.vector_load %arg7[%swap3A_1114] {strides = array<i32>} : memref<272xi32, #tpu.memory_space<vmem>>, vector<16xi32>,
      tpu.vector_store %arg7[%swap3A_1114], %sub3A_1113 {strides = array<i32>} : memref<272xi32, #tpu.memory_space<vmem>>, vector<16xi32>,
      %reduce_sum3A_1116 = arith.constant true
      %reduce_sum3A_1117 = vector.broadcast %reduce_sum3A_1116 : i1 to vector<16xi1>
      %reduce_sum3A_1118 = tpu.scan <sum>, %get3A_1105 masked %reduce_sum3A_1117 : vector<16xi32>, vector<16xi1> -> vector<16xi32>
      %reduce_sum3A_1119 = vector.extract %reduce_sum3A_1118[15] : i32 from vector<16xi32>
      %add3A_1120 = arith.addi %add3A_1099, %reduce_sum3A_1119 : i32
      %ge3A_1121 = vector.broadcast %sub3A_876 : i32 to vector<16xi32>
      %ge3A_1122 = arith.cmpi sge, %sub3A_1113, %ge3A_1121 : vector<16xi32>
      %all_reduce_population_count3A_1123 = tpu.all_reduce %ge3A_1122 {dim = 0 : i64, kind = #tpu.reduction_kind<sum>} : vector<16xi1> -> vector<16xi32>
      %add3A_1124 = arith.addi %add3A_1103, %all_reduce_population_count3A_1123 : vector<16xi32>
      %get3A_1125 = arith.constant 96 : index
      %get3A_1126 = tpu.vector_load %arg6[%get3A_1125] {strides = array<i32>} : memref<4096xi32, #tpu.memory_space<vmem>>, vector<16xi32>,
      %broadcast_in_dim3A_1127 = arith.constant true
      %broadcast_in_dim3A_1128 = vector.broadcast %broadcast_in_dim3A_1127 : i1 to vector<16xi1>
      %masked_cumsum3A_1129 = tpu.scan <sum>, %get3A_1126 masked %broadcast_in_dim3A_1128 : vector<16xi32>, vector<16xi1> -> vector<16xi32>
      %sub3A_1130 = arith.subi %masked_cumsum3A_1129, %get3A_1126 : vector<16xi32>
      %add3A_1131 = vector.broadcast %add3A_1120 : i32 to vector<16xi32>
      %add3A_1132 = arith.addi %sub3A_1130, %add3A_1131 : vector<16xi32>
      %sub3A_1133 = vector.broadcast %sub3A_885 : i32 to vector<16xi32>
      %sub3A_1134 = arith.subi %sub3A_1133, %add3A_1132 : vector<16xi32>
      %swap3A_1135 = arith.constant 96 : index
      %swap3A_1136 = tpu.vector_load %arg7[%swap3A_1135] {strides = array<i32>} : memref<272xi32, #tpu.memory_space<vmem>>, vector<16xi32>,
      tpu.vector_store %arg7[%swap3A_1135], %sub3A_1134 {strides = array<i32>} : memref<272xi32, #tpu.memory_space<vmem>>, vector<16xi32>,
      %reduce_sum3A_1137 = arith.constant true
      %reduce_sum3A_1138 = vector.broadcast %reduce_sum3A_1137 : i1 to vector<16xi1>
      %reduce_sum3A_1139 = tpu.scan <sum>, %get3A_1126 masked %reduce_sum3A_1138 : vector<16xi32>, vector<16xi1> -> vector<16xi32>
      %reduce_sum3A_1140 = vector.extract %reduce_sum3A_1139[15] : i32 from vector<16xi32>
      %add3A_1141 = arith.addi %add3A_1120, %reduce_sum3A_1140 : i32
      %ge3A_1142 = vector.broadcast %sub3A_876 : i32 to vector<16xi32>
      %ge3A_1143 = arith.cmpi sge, %sub3A_1134, %ge3A_1142 : vector<16xi32>
      %all_reduce_population_count3A_1144 = tpu.all_reduce %ge3A_1143 {dim = 0 : i64, kind = #tpu.reduction_kind<sum>} : vector<16xi1> -> vector<16xi32>
      %add3A_1145 = arith.addi %add3A_1124, %all_reduce_population_count3A_1144 : vector<16xi32>
      %get3A_1146 = arith.constant 112 : index
      %get3A_1147 = tpu.vector_load %arg6[%get3A_1146] {strides = array<i32>} : memref<4096xi32, #tpu.memory_space<vmem>>, vector<16xi32>,
      %broadcast_in_dim3A_1148 = arith.constant true
      %broadcast_in_dim3A_1149 = vector.broadcast %broadcast_in_dim3A_1148 : i1 to vector<16xi1>
      %masked_cumsum3A_1150 = tpu.scan <sum>, %get3A_1147 masked %broadcast_in_dim3A_1149 : vector<16xi32>, vector<16xi1> -> vector<16xi32>
      %sub3A_1151 = arith.subi %masked_cumsum3A_1150, %get3A_1147 : vector<16xi32>
      %add3A_1152 = vector.broadcast %add3A_1141 : i32 to vector<16xi32>
      %add3A_1153 = arith.addi %sub3A_1151, %add3A_1152 : vector<16xi32>
      %sub3A_1154 = vector.broadcast %sub3A_885 : i32 to vector<16xi32>
      %sub3A_1155 = arith.subi %sub3A_1154, %add3A_1153 : vector<16xi32>
      %swap3A_1156 = arith.constant 112 : index
      %swap3A_1157 = tpu.vector_load %arg7[%swap3A_1156] {strides = array<i32>} : memref<272xi32, #tpu.memory_space<vmem>>, vector<16xi32>,
      tpu.vector_store %arg7[%swap3A_1156], %sub3A_1155 {strides = array<i32>} : memref<272xi32, #tpu.memory_space<vmem>>, vector<16xi32>,
      %reduce_sum3A_1158 = arith.constant true
      %reduce_sum3A_1159 = vector.broadcast %reduce_sum3A_1158 : i1 to vector<16xi1>
      %reduce_sum3A_1160 = tpu.scan <sum>, %get3A_1147 masked %reduce_sum3A_1159 : vector<16xi32>, vector<16xi1> -> vector<16xi32>
      %reduce_sum3A_1161 = vector.extract %reduce_sum3A_1160[15] : i32 from vector<16xi32>
      %add3A_1162 = arith.addi %add3A_1141, %reduce_sum3A_1161 : i32
      %ge3A_1163 = vector.broadcast %sub3A_876 : i32 to vector<16xi32>
      %ge3A_1164 = arith.cmpi sge, %sub3A_1155, %ge3A_1163 : vector<16xi32>
      %all_reduce_population_count3A_1165 = tpu.all_reduce %ge3A_1164 {dim = 0 : i64, kind = #tpu.reduction_kind<sum>} : vector<16xi1> -> vector<16xi32>
      %add3A_1166 = arith.addi %add3A_1145, %all_reduce_population_count3A_1165 : vector<16xi32>
      %get3A_1167 = arith.constant 128 : index
      %get3A_1168 = tpu.vector_load %arg6[%get3A_1167] {strides = array<i32>} : memref<4096xi32, #tpu.memory_space<vmem>>, vector<16xi32>,
      %broadcast_in_dim3A_1169 = arith.constant true
      %broadcast_in_dim3A_1170 = vector.broadcast %broadcast_in_dim3A_1169 : i1 to vector<16xi1>
      %masked_cumsum3A_1171 = tpu.scan <sum>, %get3A_1168 masked %broadcast_in_dim3A_1170 : vector<16xi32>, vector<16xi1> -> vector<16xi32>
      %sub3A_1172 = arith.subi %masked_cumsum3A_1171, %get3A_1168 : vector<16xi32>
      %add3A_1173 = vector.broadcast %add3A_1162 : i32 to vector<16xi32>
      %add3A_1174 = arith.addi %sub3A_1172, %add3A_1173 : vector<16xi32>
      %sub3A_1175 = vector.broadcast %sub3A_885 : i32 to vector<16xi32>
      %sub3A_1176 = arith.subi %sub3A_1175, %add3A_1174 : vector<16xi32>
      %swap3A_1177 = arith.constant 128 : index
      %swap3A_1178 = tpu.vector_load %arg7[%swap3A_1177] {strides = array<i32>} : memref<272xi32, #tpu.memory_space<vmem>>, vector<16xi32>,
      tpu.vector_store %arg7[%swap3A_1177], %sub3A_1176 {strides = array<i32>} : memref<272xi32, #tpu.memory_space<vmem>>, vector<16xi32>,
      %reduce_sum3A_1179 = arith.constant true
      %reduce_sum3A_1180 = vector.broadcast %reduce_sum3A_1179 : i1 to vector<16xi1>
      %reduce_sum3A_1181 = tpu.scan <sum>, %get3A_1168 masked %reduce_sum3A_1180 : vector<16xi32>, vector<16xi1> -> vector<16xi32>
      %reduce_sum3A_1182 = vector.extract %reduce_sum3A_1181[15] : i32 from vector<16xi32>
      %add3A_1183 = arith.addi %add3A_1162, %reduce_sum3A_1182 : i32
      %ge3A_1184 = vector.broadcast %sub3A_876 : i32 to vector<16xi32>
      %ge3A_1185 = arith.cmpi sge, %sub3A_1176, %ge3A_1184 : vector<16xi32>
      %all_reduce_population_count3A_1186 = tpu.all_reduce %ge3A_1185 {dim = 0 : i64, kind = #tpu.reduction_kind<sum>} : vector<16xi1> -> vector<16xi32>
      %add3A_1187 = arith.addi %add3A_1166, %all_reduce_population_count3A_1186 : vector<16xi32>
      %get3A_1188 = arith.constant 144 : index
      %get3A_1189 = tpu.vector_load %arg6[%get3A_1188] {strides = array<i32>} : memref<4096xi32, #tpu.memory_space<vmem>>, vector<16xi32>,
      %broadcast_in_dim3A_1190 = arith.constant true
      %broadcast_in_dim3A_1191 = vector.broadcast %broadcast_in_dim3A_1190 : i1 to vector<16xi1>
      %masked_cumsum3A_1192 = tpu.scan <sum>, %get3A_1189 masked %broadcast_in_dim3A_1191 : vector<16xi32>, vector<16xi1> -> vector<16xi32>
      %sub3A_1193 = arith.subi %masked_cumsum3A_1192, %get3A_1189 : vector<16xi32>
      %add3A_1194 = vector.broadcast %add3A_1183 : i32 to vector<16xi32>
      %add3A_1195 = arith.addi %sub3A_1193, %add3A_1194 : vector<16xi32>
      %sub3A_1196 = vector.broadcast %sub3A_885 : i32 to vector<16xi32>
      %sub3A_1197 = arith.subi %sub3A_1196, %add3A_1195 : vector<16xi32>
      %swap3A_1198 = arith.constant 144 : index
      %swap3A_1199 = tpu.vector_load %arg7[%swap3A_1198] {strides = array<i32>} : memref<272xi32, #tpu.memory_space<vmem>>, vector<16xi32>,
      tpu.vector_store %arg7[%swap3A_1198], %sub3A_1197 {strides = array<i32>} : memref<272xi32, #tpu.memory_space<vmem>>, vector<16xi32>,
      %reduce_sum3A_1200 = arith.constant true
      %reduce_sum3A_1201 = vector.broadcast %reduce_sum3A_1200 : i1 to vector<16xi1>
      %reduce_sum3A_1202 = tpu.scan <sum>, %get3A_1189 masked %reduce_sum3A_1201 : vector<16xi32>, vector<16xi1> -> vector<16xi32>
      %reduce_sum3A_1203 = vector.extract %reduce_sum3A_1202[15] : i32 from vector<16xi32>
      %add3A_1204 = arith.addi %add3A_1183, %reduce_sum3A_1203 : i32
      %ge3A_1205 = vector.broadcast %sub3A_876 : i32 to vector<16xi32>
      %ge3A_1206 = arith.cmpi sge, %sub3A_1197, %ge3A_1205 : vector<16xi32>
      %all_reduce_population_count3A_1207 = tpu.all_reduce %ge3A_1206 {dim = 0 : i64, kind = #tpu.reduction_kind<sum>} : vector<16xi1> -> vector<16xi32>
      %add3A_1208 = arith.addi %add3A_1187, %all_reduce_population_count3A_1207 : vector<16xi32>
      %get3A_1209 = arith.constant 160 : index
      %get3A_1210 = tpu.vector_load %arg6[%get3A_1209] {strides = array<i32>} : memref<4096xi32, #tpu.memory_space<vmem>>, vector<16xi32>,
      %broadcast_in_dim3A_1211 = arith.constant true
      %broadcast_in_dim3A_1212 = vector.broadcast %broadcast_in_dim3A_1211 : i1 to vector<16xi1>
      %masked_cumsum3A_1213 = tpu.scan <sum>, %get3A_1210 masked %broadcast_in_dim3A_1212 : vector<16xi32>, vector<16xi1> -> vector<16xi32>
      %sub3A_1214 = arith.subi %masked_cumsum3A_1213, %get3A_1210 : vector<16xi32>
      %add3A_1215 = vector.broadcast %add3A_1204 : i32 to vector<16xi32>
      %add3A_1216 = arith.addi %sub3A_1214, %add3A_1215 : vector<16xi32>
      %sub3A_1217 = vector.broadcast %sub3A_885 : i32 to vector<16xi32>
      %sub3A_1218 = arith.subi %sub3A_1217, %add3A_1216 : vector<16xi32>
      %swap3A_1219 = arith.constant 160 : index
      %swap3A_1220 = tpu.vector_load %arg7[%swap3A_1219] {strides = array<i32>} : memref<272xi32, #tpu.memory_space<vmem>>, vector<16xi32>,
      tpu.vector_store %arg7[%swap3A_1219], %sub3A_1218 {strides = array<i32>} : memref<272xi32, #tpu.memory_space<vmem>>, vector<16xi32>,
      %reduce_sum3A_1221 = arith.constant true
      %reduce_sum3A_1222 = vector.broadcast %reduce_sum3A_1221 : i1 to vector<16xi1>
      %reduce_sum3A_1223 = tpu.scan <sum>, %get3A_1210 masked %reduce_sum3A_1222 : vector<16xi32>, vector<16xi1> -> vector<16xi32>
      %reduce_sum3A_1224 = vector.extract %reduce_sum3A_1223[15] : i32 from vector<16xi32>
      %add3A_1225 = arith.addi %add3A_1204, %reduce_sum3A_1224 : i32
      %ge3A_1226 = vector.broadcast %sub3A_876 : i32 to vector<16xi32>
      %ge3A_1227 = arith.cmpi sge, %sub3A_1218, %ge3A_1226 : vector<16xi32>
      %all_reduce_population_count3A_1228 = tpu.all_reduce %ge3A_1227 {dim = 0 : i64, kind = #tpu.reduction_kind<sum>} : vector<16xi1> -> vector<16xi32>
      %add3A_1229 = arith.addi %add3A_1208, %all_reduce_population_count3A_1228 : vector<16xi32>
      %get3A_1230 = arith.constant 176 : index
      %get3A_1231 = tpu.vector_load %arg6[%get3A_1230] {strides = array<i32>} : memref<4096xi32, #tpu.memory_space<vmem>>, vector<16xi32>,
      %broadcast_in_dim3A_1232 = arith.constant true
      %broadcast_in_dim3A_1233 = vector.broadcast %broadcast_in_dim3A_1232 : i1 to vector<16xi1>
      %masked_cumsum3A_1234 = tpu.scan <sum>, %get3A_1231 masked %broadcast_in_dim3A_1233 : vector<16xi32>, vector<16xi1> -> vector<16xi32>
      %sub3A_1235 = arith.subi %masked_cumsum3A_1234, %get3A_1231 : vector<16xi32>
      %add3A_1236 = vector.broadcast %add3A_1225 : i32 to vector<16xi32>
      %add3A_1237 = arith.addi %sub3A_1235, %add3A_1236 : vector<16xi32>
      %sub3A_1238 = vector.broadcast %sub3A_885 : i32 to vector<16xi32>
      %sub3A_1239 = arith.subi %sub3A_1238, %add3A_1237 : vector<16xi32>
      %swap3A_1240 = arith.constant 176 : index
      %swap3A_1241 = tpu.vector_load %arg7[%swap3A_1240] {strides = array<i32>} : memref<272xi32, #tpu.memory_space<vmem>>, vector<16xi32>,
      tpu.vector_store %arg7[%swap3A_1240], %sub3A_1239 {strides = array<i32>} : memref<272xi32, #tpu.memory_space<vmem>>, vector<16xi32>,
      %reduce_sum3A_1242 = arith.constant true
      %reduce_sum3A_1243 = vector.broadcast %reduce_sum3A_1242 : i1 to vector<16xi1>
      %reduce_sum3A_1244 = tpu.scan <sum>, %get3A_1231 masked %reduce_sum3A_1243 : vector<16xi32>, vector<16xi1> -> vector<16xi32>
      %reduce_sum3A_1245 = vector.extract %reduce_sum3A_1244[15] : i32 from vector<16xi32>
      %add3A_1246 = arith.addi %add3A_1225, %reduce_sum3A_1245 : i32
      %ge3A_1247 = vector.broadcast %sub3A_876 : i32 to vector<16xi32>
      %ge3A_1248 = arith.cmpi sge, %sub3A_1239, %ge3A_1247 : vector<16xi32>
      %all_reduce_population_count3A_1249 = tpu.all_reduce %ge3A_1248 {dim = 0 : i64, kind = #tpu.reduction_kind<sum>} : vector<16xi1> -> vector<16xi32>
      %add3A_1250 = arith.addi %add3A_1229, %all_reduce_population_count3A_1249 : vector<16xi32>
      %get3A_1251 = arith.constant 192 : index
      %get3A_1252 = tpu.vector_load %arg6[%get3A_1251] {strides = array<i32>} : memref<4096xi32, #tpu.memory_space<vmem>>, vector<16xi32>,
      %broadcast_in_dim3A_1253 = arith.constant true
      %broadcast_in_dim3A_1254 = vector.broadcast %broadcast_in_dim3A_1253 : i1 to vector<16xi1>
      %masked_cumsum3A_1255 = tpu.scan <sum>, %get3A_1252 masked %broadcast_in_dim3A_1254 : vector<16xi32>, vector<16xi1> -> vector<16xi32>
      %sub3A_1256 = arith.subi %masked_cumsum3A_1255, %get3A_1252 : vector<16xi32>
      %add3A_1257 = vector.broadcast %add3A_1246 : i32 to vector<16xi32>
      %add3A_1258 = arith.addi %sub3A_1256, %add3A_1257 : vector<16xi32>
      %sub3A_1259 = vector.broadcast %sub3A_885 : i32 to vector<16xi32>
      %sub3A_1260 = arith.subi %sub3A_1259, %add3A_1258 : vector<16xi32>
      %swap3A_1261 = arith.constant 192 : index
      %swap3A_1262 = tpu.vector_load %arg7[%swap3A_1261] {strides = array<i32>} : memref<272xi32, #tpu.memory_space<vmem>>, vector<16xi32>,
      tpu.vector_store %arg7[%swap3A_1261], %sub3A_1260 {strides = array<i32>} : memref<272xi32, #tpu.memory_space<vmem>>, vector<16xi32>,
      %reduce_sum3A_1263 = arith.constant true
      %reduce_sum3A_1264 = vector.broadcast %reduce_sum3A_1263 : i1 to vector<16xi1>
      %reduce_sum3A_1265 = tpu.scan <sum>, %get3A_1252 masked %reduce_sum3A_1264 : vector<16xi32>, vector<16xi1> -> vector<16xi32>
      %reduce_sum3A_1266 = vector.extract %reduce_sum3A_1265[15] : i32 from vector<16xi32>
      %add3A_1267 = arith.addi %add3A_1246, %reduce_sum3A_1266 : i32
      %ge3A_1268 = vector.broadcast %sub3A_876 : i32 to vector<16xi32>
      %ge3A_1269 = arith.cmpi sge, %sub3A_1260, %ge3A_1268 : vector<16xi32>
      %all_reduce_population_count3A_1270 = tpu.all_reduce %ge3A_1269 {dim = 0 : i64, kind = #tpu.reduction_kind<sum>} : vector<16xi1> -> vector<16xi32>
      %add3A_1271 = arith.addi %add3A_1250, %all_reduce_population_count3A_1270 : vector<16xi32>
      %get3A_1272 = arith.constant 208 : index
      %get3A_1273 = tpu.vector_load %arg6[%get3A_1272] {strides = array<i32>} : memref<4096xi32, #tpu.memory_space<vmem>>, vector<16xi32>,
      %broadcast_in_dim3A_1274 = arith.constant true
      %broadcast_in_dim3A_1275 = vector.broadcast %broadcast_in_dim3A_1274 : i1 to vector<16xi1>
      %masked_cumsum3A_1276 = tpu.scan <sum>, %get3A_1273 masked %broadcast_in_dim3A_1275 : vector<16xi32>, vector<16xi1> -> vector<16xi32>
      %sub3A_1277 = arith.subi %masked_cumsum3A_1276, %get3A_1273 : vector<16xi32>
      %add3A_1278 = vector.broadcast %add3A_1267 : i32 to vector<16xi32>
      %add3A_1279 = arith.addi %sub3A_1277, %add3A_1278 : vector<16xi32>
      %sub3A_1280 = vector.broadcast %sub3A_885 : i32 to vector<16xi32>
      %sub3A_1281 = arith.subi %sub3A_1280, %add3A_1279 : vector<16xi32>
      %swap3A_1282 = arith.constant 208 : index
      %swap3A_1283 = tpu.vector_load %arg7[%swap3A_1282] {strides = array<i32>} : memref<272xi32, #tpu.memory_space<vmem>>, vector<16xi32>,
      tpu.vector_store %arg7[%swap3A_1282], %sub3A_1281 {strides = array<i32>} : memref<272xi32, #tpu.memory_space<vmem>>, vector<16xi32>,
      %reduce_sum3A_1284 = arith.constant true
      %reduce_sum3A_1285 = vector.broadcast %reduce_sum3A_1284 : i1 to vector<16xi1>
      %reduce_sum3A_1286 = tpu.scan <sum>, %get3A_1273 masked %reduce_sum3A_1285 : vector<16xi32>, vector<16xi1> -> vector<16xi32>
      %reduce_sum3A_1287 = vector.extract %reduce_sum3A_1286[15] : i32 from vector<16xi32>
      %add3A_1288 = arith.addi %add3A_1267, %reduce_sum3A_1287 : i32
      %ge3A_1289 = vector.broadcast %sub3A_876 : i32 to vector<16xi32>
      %ge3A_1290 = arith.cmpi sge, %sub3A_1281, %ge3A_1289 : vector<16xi32>
      %all_reduce_population_count3A_1291 = tpu.all_reduce %ge3A_1290 {dim = 0 : i64, kind = #tpu.reduction_kind<sum>} : vector<16xi1> -> vector<16xi32>
      %add3A_1292 = arith.addi %add3A_1271, %all_reduce_population_count3A_1291 : vector<16xi32>
      %get3A_1293 = arith.constant 224 : index
      %get3A_1294 = tpu.vector_load %arg6[%get3A_1293] {strides = array<i32>} : memref<4096xi32, #tpu.memory_space<vmem>>, vector<16xi32>,
      %broadcast_in_dim3A_1295 = arith.constant true
      %broadcast_in_dim3A_1296 = vector.broadcast %broadcast_in_dim3A_1295 : i1 to vector<16xi1>
      %masked_cumsum3A_1297 = tpu.scan <sum>, %get3A_1294 masked %broadcast_in_dim3A_1296 : vector<16xi32>, vector<16xi1> -> vector<16xi32>
      %sub3A_1298 = arith.subi %masked_cumsum3A_1297, %get3A_1294 : vector<16xi32>
      %add3A_1299 = vector.broadcast %add3A_1288 : i32 to vector<16xi32>
      %add3A_1300 = arith.addi %sub3A_1298, %add3A_1299 : vector<16xi32>
      %sub3A_1301 = vector.broadcast %sub3A_885 : i32 to vector<16xi32>
      %sub3A_1302 = arith.subi %sub3A_1301, %add3A_1300 : vector<16xi32>
      %swap3A_1303 = arith.constant 224 : index
      %swap3A_1304 = tpu.vector_load %arg7[%swap3A_1303] {strides = array<i32>} : memref<272xi32, #tpu.memory_space<vmem>>, vector<16xi32>,
      tpu.vector_store %arg7[%swap3A_1303], %sub3A_1302 {strides = array<i32>} : memref<272xi32, #tpu.memory_space<vmem>>, vector<16xi32>,
      %reduce_sum3A_1305 = arith.constant true
      %reduce_sum3A_1306 = vector.broadcast %reduce_sum3A_1305 : i1 to vector<16xi1>
      %reduce_sum3A_1307 = tpu.scan <sum>, %get3A_1294 masked %reduce_sum3A_1306 : vector<16xi32>, vector<16xi1> -> vector<16xi32>
      %reduce_sum3A_1308 = vector.extract %reduce_sum3A_1307[15] : i32 from vector<16xi32>
      %add3A_1309 = arith.addi %add3A_1288, %reduce_sum3A_1308 : i32
      %ge3A_1310 = vector.broadcast %sub3A_876 : i32 to vector<16xi32>
      %ge3A_1311 = arith.cmpi sge, %sub3A_1302, %ge3A_1310 : vector<16xi32>
      %all_reduce_population_count3A_1312 = tpu.all_reduce %ge3A_1311 {dim = 0 : i64, kind = #tpu.reduction_kind<sum>} : vector<16xi1> -> vector<16xi32>
      %add3A_1313 = arith.addi %add3A_1292, %all_reduce_population_count3A_1312 : vector<16xi32>
      %get3A_1314 = arith.constant 240 : index
      %get3A_1315 = tpu.vector_load %arg6[%get3A_1314] {strides = array<i32>} : memref<4096xi32, #tpu.memory_space<vmem>>, vector<16xi32>,
      %broadcast_in_dim3A_1316 = arith.constant true
      %broadcast_in_dim3A_1317 = vector.broadcast %broadcast_in_dim3A_1316 : i1 to vector<16xi1>
      %masked_cumsum3A_1318 = tpu.scan <sum>, %get3A_1315 masked %broadcast_in_dim3A_1317 : vector<16xi32>, vector<16xi1> -> vector<16xi32>
      %sub3A_1319 = arith.subi %masked_cumsum3A_1318, %get3A_1315 : vector<16xi32>
      %add3A_1320 = vector.broadcast %add3A_1309 : i32 to vector<16xi32>
      %add3A_1321 = arith.addi %sub3A_1319, %add3A_1320 : vector<16xi32>
      %sub3A_1322 = vector.broadcast %sub3A_885 : i32 to vector<16xi32>
      %sub3A_1323 = arith.subi %sub3A_1322, %add3A_1321 : vector<16xi32>
      %swap3A_1324 = arith.constant 240 : index
      %swap3A_1325 = tpu.vector_load %arg7[%swap3A_1324] {strides = array<i32>} : memref<272xi32, #tpu.memory_space<vmem>>, vector<16xi32>,
      tpu.vector_store %arg7[%swap3A_1324], %sub3A_1323 {strides = array<i32>} : memref<272xi32, #tpu.memory_space<vmem>>, vector<16xi32>,
      %reduce_sum3A_1326 = arith.constant true
      %reduce_sum3A_1327 = vector.broadcast %reduce_sum3A_1326 : i1 to vector<16xi1>
      %reduce_sum3A_1328 = tpu.scan <sum>, %get3A_1315 masked %reduce_sum3A_1327 : vector<16xi32>, vector<16xi1> -> vector<16xi32>
      %reduce_sum3A_1329 = vector.extract %reduce_sum3A_1328[15] : i32 from vector<16xi32>
      %add3A_1330 = arith.addi %add3A_1309, %reduce_sum3A_1329 : i32
      %ge3A_1331 = vector.broadcast %sub3A_876 : i32 to vector<16xi32>
      %ge3A_1332 = arith.cmpi sge, %sub3A_1323, %ge3A_1331 : vector<16xi32>
      %all_reduce_population_count3A_1333 = tpu.all_reduce %ge3A_1332 {dim = 0 : i64, kind = #tpu.reduction_kind<sum>} : vector<16xi1> -> vector<16xi32>
      %add3A_1334 = arith.addi %add3A_1313, %all_reduce_population_count3A_1333 : vector<16xi32>
      %gather3A_1335 = tpu.vector_load_idx %arg7[%add3A_1334] : memref<272xi32, #tpu.memory_space<vmem>>[vector<16xi32>], vector<16xi32>,
      %sub3A_1336 = arith.constant 1 : i32
      %sub3A_1337 = vector.broadcast %sub3A_1336 : i32 to vector<16xi32>
      %sub3A_1338 = arith.subi %add3A_1334, %sub3A_1337 : vector<16xi32>
      %gather3A_1339 = tpu.vector_load_idx %arg7[%sub3A_1338] : memref<272xi32, #tpu.memory_space<vmem>>[vector<16xi32>], vector<16xi32>,
      %reduce_max3A_1340 = arith.constant true
      %reduce_max3A_1341 = vector.broadcast %reduce_max3A_1340 : i1 to vector<16xi1>
      %reduce_max3A_1342 = arith.constant -2147483648 : i32
      %reduce_max3A_1343 = vector.broadcast %reduce_max3A_1342 : i32 to vector<16xi32>
      %reduce_max3A_1344 = arith.xori %gather3A_1335, %reduce_max3A_1343 : vector<16xi32>
      %reduce_max3A_1345 = tpu.scan <max>, %reduce_max3A_1344 masked %reduce_max3A_1341 : vector<16xi32>, vector<16xi1> -> vector<16xi32>
      %reduce_max3A_1346 = arith.xori %reduce_max3A_1345, %reduce_max3A_1343 : vector<16xi32>
      %reduce_max3A_1347 = vector.extract %reduce_max3A_1346[15] : i32 from vector<16xi32>
      %reduce_max3A_1348 = arith.constant true
      %reduce_max3A_1349 = vector.broadcast %reduce_max3A_1348 : i1 to vector<16xi1>
      %reduce_max3A_1350 = arith.constant -2147483648 : i32
      %reduce_max3A_1351 = vector.broadcast %reduce_max3A_1350 : i32 to vector<16xi32>
      %reduce_max3A_1352 = arith.xori %add3A_1334, %reduce_max3A_1351 : vector<16xi32>
      %reduce_max3A_1353 = tpu.scan <max>, %reduce_max3A_1352 masked %reduce_max3A_1349 : vector<16xi32>, vector<16xi1> -> vector<16xi32>
      %reduce_max3A_1354 = arith.xori %reduce_max3A_1353, %reduce_max3A_1351 : vector<16xi32>
      %reduce_max3A_1355 = vector.extract %reduce_max3A_1354[15] : i32 from vector<16xi32>
      %sub3A_1356 = arith.constant 1 : i32
      %sub3A_1357 = arith.subi %reduce_max3A_1355, %sub3A_1356 : i32
      %sub3A_1358 = arith.subi %sub3A_876, %reduce_max3A_1347 : i32
      %reduce_max3A_1359 = arith.constant true
      %reduce_max3A_1360 = vector.broadcast %reduce_max3A_1359 : i1 to vector<16xi1>
      %reduce_max3A_1361 = arith.constant -2147483648 : i32
      %reduce_max3A_1362 = vector.broadcast %reduce_max3A_1361 : i32 to vector<16xi32>
      %reduce_max3A_1363 = arith.xori %gather3A_1339, %reduce_max3A_1362 : vector<16xi32>
      %reduce_max3A_1364 = tpu.scan <max>, %reduce_max3A_1363 masked %reduce_max3A_1360 : vector<16xi32>, vector<16xi1> -> vector<16xi32>
      %reduce_max3A_1365 = arith.xori %reduce_max3A_1364, %reduce_max3A_1362 : vector<16xi32>
      %reduce_max3A_1366 = vector.extract %reduce_max3A_1365[15] : i32 from vector<16xi32>
      %sub3A_1367 = arith.subi %reduce_max3A_1366, %reduce_max3A_1347 : i32
      %shift_left3A_1368 = arith.constant 8 : i32
      %shift_left3A_1369 = arith.shli %sub3A_1357, %shift_left3A_1368 : i32
      %or3A_1370 = arith.ori %or3A, %shift_left3A_1369 : i32
      %add3A_1371 = arith.constant 16 : i32
      %add3A_1372 = arith.addi %sub3A_885, %add3A_1371 : i32
      %sub3A_1373 = arith.constant 1 : i32
      %sub3A_1374 = arith.subi %add3A_1372, %sub3A_1373 : i32
      %jit3A_1375 = arith.constant 16 : i32
      %div3A_1376 = arith.divsi %sub3A_1374, %jit3A_1375 : i32
      %sign3A_1377 = arith.constant 0 : i32
      %sign3A_1378 = arith.cmpi sgt, %sub3A_1374, %sign3A_1377 : i32
      %sign3A_1379 = arith.extui %sign3A_1378 : i1 to i32
      %sign3A_1380 = arith.constant 0 : i32
      %sign3A_1381 = arith.cmpi slt, %sub3A_1374, %sign3A_1380 : i32
      %sign3A_1382 = arith.extui %sign3A_1381 : i1 to i32
      %sign3A_1383 = arith.subi %sign3A_1379, %sign3A_1382 : i32
      %sign3A_1384 = arith.constant 0 : i32
      %sign3A_1385 = arith.cmpi sgt, %jit3A_1375, %sign3A_1384 : i32
      %sign3A_1386 = arith.extui %sign3A_1385 : i1 to i32
      %sign3A_1387 = arith.constant 0 : i32
      %sign3A_1388 = arith.cmpi slt, %jit3A_1375, %sign3A_1387 : i32
      %sign3A_1389 = arith.extui %sign3A_1388 : i1 to i32
      %sign3A_1390 = arith.subi %sign3A_1386, %sign3A_1389 : i32
      %ne3A_1391 = arith.cmpi ne, %sign3A_1383, %sign3A_1390 : i32
      %rem3A_1392 = arith.remsi %sub3A_1374, %jit3A_1375 : i32
      %ne3A_1393 = arith.constant 0 : i32
      %ne3A_1394 = arith.cmpi ne, %rem3A_1392, %ne3A_1393 : i32
      %and3A_1395 = arith.andi %ne3A_1391, %ne3A_1394 : i1
      %sub3A_1396 = arith.constant 1 : i32
      %sub3A_1397 = arith.subi %div3A_1376, %sub3A_1396 : i32
      %select_n3A_1398 = arith.select %and3A_1395, %sub3A_1397, %div3A_1376 : i32
      %while3A_1399 = arith.constant 0 : i32
      %while3A_1400 = arith.subi %select_n3A_1398, %while3A_1399 : i32
      %while3A_1401 = arith.addi %while3A_1399, %while3A_1400 : i32
      %while3A_1402 = arith.constant 1 : i32
      %while3A_1403 = arith.divsi %while3A_1400, %while3A_1402 : i32
      %while3A_1404 = arith.muli %while3A_1403, %while3A_1402 : i32
      %while3A_1405 = arith.addi %while3A_1399, %while3A_1404 : i32
      %while3A_1406 = arith.constant 1 : i32
      %while3A_1407 = scf.for %while3A_1861 = %while3A_1399 to %while3A_1405 step %while3A_1406 iter_args(%while3A_1862 = %broadcast_in_dim3A_3) -> (vector<16xi32>)  : i32 {
        %mul3A_1863 = arith.constant 16 : i32
        %mul3A_1864 = arith.muli %while3A_1861, %mul3A_1863 : i32
        %add3A_1865 = vector.broadcast %mul3A_1864 : i32 to vector<16xi32>
        %add3A_1866 = arith.addi %add3A_1865, %iota3A : vector<16xi32>
        %lt3A = vector.broadcast %sub3A_885 : i32 to vector<16xi32>
        %lt3A_1867 = arith.cmpi slt, %add3A_1866, %lt3A : vector<16xi32>
        %mul3A_1868 = arith.constant 16 : i32
        %mul3A_1869 = arith.muli %while3A_1861, %mul3A_1868 : i32
        %get3A_1870 = arith.index_cast %mul3A_1869 : i32 to index
        %get3A_1871 = tpu.vector_load %arg5[%get3A_1870] {strides = array<i32>} : memref<32784xi32, #tpu.memory_space<vmem>>, vector<16xi32>,
        %xor3A_1872 = arith.constant -2147483648 : i32
        %xor3A_1873 = vector.broadcast %xor3A_1872 : i32 to vector<16xi32>
        %xor3A_1874 = arith.xori %get3A_1871, %xor3A_1873 : vector<16xi32>
        %broadcast_in_dim3A_1875 = arith.constant 8 : i32
        %broadcast_in_dim3A_1876 = vector.broadcast %broadcast_in_dim3A_1875 : i32 to vector<16xi32>
        %shift_right_logical3A = arith.shrui %xor3A_1874, %broadcast_in_dim3A_1876 : vector<16xi32>
        %and3A_1877 = arith.constant 255 : i32
        %and3A_1878 = vector.broadcast %and3A_1877 : i32 to vector<16xi32>
        %and3A_1879 = arith.andi %shift_right_logical3A, %and3A_1878 : vector<16xi32>
        %eq3A = vector.broadcast %sub3A_1357 : i32 to vector<16xi32>
        %eq3A_1880 = arith.cmpi eq, %and3A_1879, %eq3A : vector<16xi32>
        %and3A_1881 = arith.andi %lt3A_1867, %eq3A_1880 : vector<16xi1>
        %convert_element_type3A = arith.extui %and3A_1881 : vector<16xi1> to vector<16xi32>
        %broadcast_in_dim3A_1882 = arith.constant true
        %broadcast_in_dim3A_1883 = vector.broadcast %broadcast_in_dim3A_1882 : i1 to vector<16xi1>
        %masked_cumsum3A_1884 = tpu.scan <sum>, %convert_element_type3A masked %broadcast_in_dim3A_1883 : vector<16xi32>, vector<16xi1> -> vector<16xi32>
        %sub3A_1885 = arith.subi %masked_cumsum3A_1884, %convert_element_type3A : vector<16xi32>
        %add3A_1886 = arith.addi %while3A_1862, %sub3A_1885 : vector<16xi32>
        tpu.vector_store_idx %arg5[%add3A_1886], %get3A_1871 masked %and3A_1881 : memref<32784xi32, #tpu.memory_space<vmem>>[vector<16xi32>], vector<16xi32>, vector<16xi1>
        %all_reduce_population_count3A_1887 = tpu.all_reduce %and3A_1881 {dim = 0 : i64, kind = #tpu.reduction_kind<sum>} : vector<16xi1> -> vector<16xi32>
        %add3A_1888 = arith.addi %while3A_1862, %all_reduce_population_count3A_1887 : vector<16xi32>
        scf.yield %add3A_1888 : vector<16xi32>
      }
      %while3A_1408 = arith.constant 1 : i32
      %while3A_1409 = scf.for %while3A_1861 = %while3A_1405 to %while3A_1401 step %while3A_1408 iter_args(%while3A_1862 = %while3A_1407) -> (vector<16xi32>)  : i32 {
        %mul3A_1863 = arith.constant 16 : i32
        %mul3A_1864 = arith.muli %while3A_1861, %mul3A_1863 : i32
        %add3A_1865 = vector.broadcast %mul3A_1864 : i32 to vector<16xi32>
        %add3A_1866 = arith.addi %add3A_1865, %iota3A : vector<16xi32>
        %lt3A = vector.broadcast %sub3A_885 : i32 to vector<16xi32>
        %lt3A_1867 = arith.cmpi slt, %add3A_1866, %lt3A : vector<16xi32>
        %mul3A_1868 = arith.constant 16 : i32
        %mul3A_1869 = arith.muli %while3A_1861, %mul3A_1868 : i32
        %get3A_1870 = arith.index_cast %mul3A_1869 : i32 to index
        %get3A_1871 = tpu.vector_load %arg5[%get3A_1870] {strides = array<i32>} : memref<32784xi32, #tpu.memory_space<vmem>>, vector<16xi32>,
        %xor3A_1872 = arith.constant -2147483648 : i32
        %xor3A_1873 = vector.broadcast %xor3A_1872 : i32 to vector<16xi32>
        %xor3A_1874 = arith.xori %get3A_1871, %xor3A_1873 : vector<16xi32>
        %broadcast_in_dim3A_1875 = arith.constant 8 : i32
        %broadcast_in_dim3A_1876 = vector.broadcast %broadcast_in_dim3A_1875 : i32 to vector<16xi32>
        %shift_right_logical3A = arith.shrui %xor3A_1874, %broadcast_in_dim3A_1876 : vector<16xi32>
        %and3A_1877 = arith.constant 255 : i32
        %and3A_1878 = vector.broadcast %and3A_1877 : i32 to vector<16xi32>
        %and3A_1879 = arith.andi %shift_right_logical3A, %and3A_1878 : vector<16xi32>
        %eq3A = vector.broadcast %sub3A_1357 : i32 to vector<16xi32>
        %eq3A_1880 = arith.cmpi eq, %and3A_1879, %eq3A : vector<16xi32>
        %and3A_1881 = arith.andi %lt3A_1867, %eq3A_1880 : vector<16xi1>
        %convert_element_type3A = arith.extui %and3A_1881 : vector<16xi1> to vector<16xi32>
        %broadcast_in_dim3A_1882 = arith.constant true
        %broadcast_in_dim3A_1883 = vector.broadcast %broadcast_in_dim3A_1882 : i1 to vector<16xi1>
        %masked_cumsum3A_1884 = tpu.scan <sum>, %convert_element_type3A masked %broadcast_in_dim3A_1883 : vector<16xi32>, vector<16xi1> -> vector<16xi32>
        %sub3A_1885 = arith.subi %masked_cumsum3A_1884, %convert_element_type3A : vector<16xi32>
        %add3A_1886 = arith.addi %while3A_1862, %sub3A_1885 : vector<16xi32>
        tpu.vector_store_idx %arg5[%add3A_1886], %get3A_1871 masked %and3A_1881 : memref<32784xi32, #tpu.memory_space<vmem>>[vector<16xi32>], vector<16xi32>, vector<16xi1>
        %all_reduce_population_count3A_1887 = tpu.all_reduce %and3A_1881 {dim = 0 : i64, kind = #tpu.reduction_kind<sum>} : vector<16xi1> -> vector<16xi32>
        %add3A_1888 = arith.addi %while3A_1862, %all_reduce_population_count3A_1887 : vector<16xi32>
        scf.yield %add3A_1888 : vector<16xi32>
      }
      %scan3A_1410 = arith.constant 0 : i32
      %scan3A_1411 = arith.constant 0 : i32
      %scan3A_1412 = arith.constant 256 : i32
      %scan3A_1413 = arith.addi %scan3A_1411, %scan3A_1412 : i32
      %scan3A_1414 = arith.constant 1 : i32
      scf.for %scan3A_1861 = %scan3A_1411 to %scan3A_1413 step %scan3A_1414  : i32 {
        %mul3A_1862 = arith.constant 16 : i32
        %mul3A_1863 = arith.muli %scan3A_1861, %mul3A_1862 : i32
        %swap3A_1864 = arith.index_cast %mul3A_1863 : i32 to index
        %swap3A_1865 = tpu.vector_load %arg6[%swap3A_1864] {strides = array<i32>} : memref<4096xi32, #tpu.memory_space<vmem>>, vector<16xi32>,
        tpu.vector_store %arg6[%swap3A_1864], %broadcast_in_dim3A_3 {strides = array<i32>} : memref<4096xi32, #tpu.memory_space<vmem>>, vector<16xi32>,
      }
      %scan3A_1415 = arith.constant 256 : i32
      %add3A_1416 = arith.constant 16 : i32
      %add3A_1417 = arith.addi %sub3A_1367, %add3A_1416 : i32
      %sub3A_1418 = arith.constant 1 : i32
      %sub3A_1419 = arith.subi %add3A_1417, %sub3A_1418 : i32
      %jit3A_1420 = arith.constant 16 : i32
      %div3A_1421 = arith.divsi %sub3A_1419, %jit3A_1420 : i32
      %sign3A_1422 = arith.constant 0 : i32
      %sign3A_1423 = arith.cmpi sgt, %sub3A_1419, %sign3A_1422 : i32
      %sign3A_1424 = arith.extui %sign3A_1423 : i1 to i32
      %sign3A_1425 = arith.constant 0 : i32
      %sign3A_1426 = arith.cmpi slt, %sub3A_1419, %sign3A_1425 : i32
      %sign3A_1427 = arith.extui %sign3A_1426 : i1 to i32
      %sign3A_1428 = arith.subi %sign3A_1424, %sign3A_1427 : i32
      %sign3A_1429 = arith.constant 0 : i32
      %sign3A_1430 = arith.cmpi sgt, %jit3A_1420, %sign3A_1429 : i32
      %sign3A_1431 = arith.extui %sign3A_1430 : i1 to i32
      %sign3A_1432 = arith.constant 0 : i32
      %sign3A_1433 = arith.cmpi slt, %jit3A_1420, %sign3A_1432 : i32
      %sign3A_1434 = arith.extui %sign3A_1433 : i1 to i32
      %sign3A_1435 = arith.subi %sign3A_1431, %sign3A_1434 : i32
      %ne3A_1436 = arith.cmpi ne, %sign3A_1428, %sign3A_1435 : i32
      %rem3A_1437 = arith.remsi %sub3A_1419, %jit3A_1420 : i32
      %ne3A_1438 = arith.constant 0 : i32
      %ne3A_1439 = arith.cmpi ne, %rem3A_1437, %ne3A_1438 : i32
      %and3A_1440 = arith.andi %ne3A_1436, %ne3A_1439 : i1
      %sub3A_1441 = arith.constant 1 : i32
      %sub3A_1442 = arith.subi %div3A_1421, %sub3A_1441 : i32
      %select_n3A_1443 = arith.select %and3A_1440, %sub3A_1442, %div3A_1421 : i32
      %while3A_1444 = arith.constant 0 : i32
      %while3A_1445 = arith.constant 0 : i32
      %while3A_1446 = arith.subi %select_n3A_1443, %while3A_1445 : i32
      %while3A_1447 = arith.addi %while3A_1445, %while3A_1446 : i32
      %while3A_1448 = arith.constant 1 : i32
      %while3A_1449 = arith.divsi %while3A_1446, %while3A_1448 : i32
      %while3A_1450 = arith.muli %while3A_1449, %while3A_1448 : i32
      %while3A_1451 = arith.addi %while3A_1445, %while3A_1450 : i32
      %while3A_1452 = arith.constant 1 : i32
      scf.for %while3A_1861 = %while3A_1445 to %while3A_1451 step %while3A_1452  : i32 {
        %mul3A_1862 = arith.constant 16 : i32
        %mul3A_1863 = arith.muli %while3A_1861, %mul3A_1862 : i32
        %add3A_1864 = vector.broadcast %mul3A_1863 : i32 to vector<16xi32>
        %add3A_1865 = arith.addi %add3A_1864, %iota3A : vector<16xi32>
        %lt3A = vector.broadcast %sub3A_1367 : i32 to vector<16xi32>
        %lt3A_1866 = arith.cmpi slt, %add3A_1865, %lt3A : vector<16xi32>
        %mul3A_1867 = arith.constant 16 : i32
        %mul3A_1868 = arith.muli %while3A_1861, %mul3A_1867 : i32
        %get3A_1869 = arith.index_cast %mul3A_1868 : i32 to index
        %get3A_1870 = tpu.vector_load %arg5[%get3A_1869] {strides = array<i32>} : memref<32784xi32, #tpu.memory_space<vmem>>, vector<16xi32>,
        %xor3A_1871 = arith.constant -2147483648 : i32
        %xor3A_1872 = vector.broadcast %xor3A_1871 : i32 to vector<16xi32>
        %xor3A_1873 = arith.xori %get3A_1870, %xor3A_1872 : vector<16xi32>
        %broadcast_in_dim3A_1874 = arith.constant 0 : i32
        %broadcast_in_dim3A_1875 = vector.broadcast %broadcast_in_dim3A_1874 : i32 to vector<16xi32>
        %shift_right_logical3A = arith.shrui %xor3A_1873, %broadcast_in_dim3A_1875 : vector<16xi32>
        %and3A_1876 = arith.constant 255 : i32
        %and3A_1877 = vector.broadcast %and3A_1876 : i32 to vector<16xi32>
        %and3A_1878 = arith.andi %shift_right_logical3A, %and3A_1877 : vector<16xi32>
        %mul3A_1879 = arith.constant 256 : i32
        %mul3A_1880 = vector.broadcast %mul3A_1879 : i32 to vector<16xi32>
        %mul3A_1881 = arith.muli %iota3A, %mul3A_1880 : vector<16xi32>
        %add3A_1882 = arith.addi %mul3A_1881, %and3A_1878 : vector<16xi32>
        tpu.vector_store_idx %arg6[%add3A_1882], %broadcast_in_dim3A_1 masked %lt3A_1866 {add = true} : memref<4096xi32, #tpu.memory_space<vmem>>[vector<16xi32>], vector<16xi32>, vector<16xi1>
      }
      %while3A_1453 = arith.constant 1 : i32
      scf.for %while3A_1861 = %while3A_1451 to %while3A_1447 step %while3A_1453  : i32 {
        %mul3A_1862 = arith.constant 16 : i32
        %mul3A_1863 = arith.muli %while3A_1861, %mul3A_1862 : i32
        %add3A_1864 = vector.broadcast %mul3A_1863 : i32 to vector<16xi32>
        %add3A_1865 = arith.addi %add3A_1864, %iota3A : vector<16xi32>
        %lt3A = vector.broadcast %sub3A_1367 : i32 to vector<16xi32>
        %lt3A_1866 = arith.cmpi slt, %add3A_1865, %lt3A : vector<16xi32>
        %mul3A_1867 = arith.constant 16 : i32
        %mul3A_1868 = arith.muli %while3A_1861, %mul3A_1867 : i32
        %get3A_1869 = arith.index_cast %mul3A_1868 : i32 to index
        %get3A_1870 = tpu.vector_load %arg5[%get3A_1869] {strides = array<i32>} : memref<32784xi32, #tpu.memory_space<vmem>>, vector<16xi32>,
        %xor3A_1871 = arith.constant -2147483648 : i32
        %xor3A_1872 = vector.broadcast %xor3A_1871 : i32 to vector<16xi32>
        %xor3A_1873 = arith.xori %get3A_1870, %xor3A_1872 : vector<16xi32>
        %broadcast_in_dim3A_1874 = arith.constant 0 : i32
        %broadcast_in_dim3A_1875 = vector.broadcast %broadcast_in_dim3A_1874 : i32 to vector<16xi32>
        %shift_right_logical3A = arith.shrui %xor3A_1873, %broadcast_in_dim3A_1875 : vector<16xi32>
        %and3A_1876 = arith.constant 255 : i32
        %and3A_1877 = vector.broadcast %and3A_1876 : i32 to vector<16xi32>
        %and3A_1878 = arith.andi %shift_right_logical3A, %and3A_1877 : vector<16xi32>
        %mul3A_1879 = arith.constant 256 : i32
        %mul3A_1880 = vector.broadcast %mul3A_1879 : i32 to vector<16xi32>
        %mul3A_1881 = arith.muli %iota3A, %mul3A_1880 : vector<16xi32>
        %add3A_1882 = arith.addi %mul3A_1881, %and3A_1878 : vector<16xi32>
        tpu.vector_store_idx %arg6[%add3A_1882], %broadcast_in_dim3A_1 masked %lt3A_1866 {add = true} : memref<4096xi32, #tpu.memory_space<vmem>>[vector<16xi32>], vector<16xi32>, vector<16xi1>
      }
      %scan3A_1454 = arith.constant 0 : i32
      %scan3A_1455 = arith.constant 0 : i32
      %scan3A_1456 = arith.constant 128 : i32
      %scan3A_1457 = arith.addi %scan3A_1455, %scan3A_1456 : i32
      %scan3A_1458 = arith.constant 1 : i32
      scf.for %scan3A_1861 = %scan3A_1455 to %scan3A_1457 step %scan3A_1458  : i32 {
        %mul3A_1862 = arith.constant 16 : i32
        %mul3A_1863 = arith.muli %scan3A_1861, %mul3A_1862 : i32
        %get3A_1864 = arith.index_cast %mul3A_1863 : i32 to index
        %get3A_1865 = tpu.vector_load %arg6[%get3A_1864] {strides = array<i32>} : memref<4096xi32, #tpu.memory_space<vmem>>, vector<16xi32>,
        %mul3A_1866 = arith.constant 16 : i32
        %mul3A_1867 = arith.muli %scan3A_1861, %mul3A_1866 : i32
        %add3A_1868 = arith.constant 2048 : i32
        %add3A_1869 = arith.addi %add3A_1868, %mul3A_1867 : i32
        %get3A_1870 = arith.index_cast %add3A_1869 : i32 to index
        %get3A_1871 = tpu.vector_load %arg6[%get3A_1870] {strides = array<i32>} : memref<4096xi32, #tpu.memory_space<vmem>>, vector<16xi32>,
        %add3A_1872 = arith.addi %get3A_1865, %get3A_1871 : vector<16xi32>
        %mul3A_1873 = arith.constant 16 : i32
        %mul3A_1874 = arith.muli %scan3A_1861, %mul3A_1873 : i32
        %swap3A_1875 = arith.index_cast %mul3A_1874 : i32 to index
        %swap3A_1876 = tpu.vector_load %arg6[%swap3A_1875] {strides = array<i32>} : memref<4096xi32, #tpu.memory_space<vmem>>, vector<16xi32>,
        tpu.vector_store %arg6[%swap3A_1875], %add3A_1872 {strides = array<i32>} : memref<4096xi32, #tpu.memory_space<vmem>>, vector<16xi32>,
      }
      %scan3A_1459 = arith.constant 128 : i32
      %scan3A_1460 = arith.constant 0 : i32
      %scan3A_1461 = arith.constant 0 : i32
      %scan3A_1462 = arith.constant 64 : i32
      %scan3A_1463 = arith.addi %scan3A_1461, %scan3A_1462 : i32
      %scan3A_1464 = arith.constant 1 : i32
      scf.for %scan3A_1861 = %scan3A_1461 to %scan3A_1463 step %scan3A_1464  : i32 {
        %mul3A_1862 = arith.constant 16 : i32
        %mul3A_1863 = arith.muli %scan3A_1861, %mul3A_1862 : i32
        %get3A_1864 = arith.index_cast %mul3A_1863 : i32 to index
        %get3A_1865 = tpu.vector_load %arg6[%get3A_1864] {strides = array<i32>} : memref<4096xi32, #tpu.memory_space<vmem>>, vector<16xi32>,
        %mul3A_1866 = arith.constant 16 : i32
        %mul3A_1867 = arith.muli %scan3A_1861, %mul3A_1866 : i32
        %add3A_1868 = arith.constant 1024 : i32
        %add3A_1869 = arith.addi %add3A_1868, %mul3A_1867 : i32
        %get3A_1870 = arith.index_cast %add3A_1869 : i32 to index
        %get3A_1871 = tpu.vector_load %arg6[%get3A_1870] {strides = array<i32>} : memref<4096xi32, #tpu.memory_space<vmem>>, vector<16xi32>,
        %add3A_1872 = arith.addi %get3A_1865, %get3A_1871 : vector<16xi32>
        %mul3A_1873 = arith.constant 16 : i32
        %mul3A_1874 = arith.muli %scan3A_1861, %mul3A_1873 : i32
        %swap3A_1875 = arith.index_cast %mul3A_1874 : i32 to index
        %swap3A_1876 = tpu.vector_load %arg6[%swap3A_1875] {strides = array<i32>} : memref<4096xi32, #tpu.memory_space<vmem>>, vector<16xi32>,
        tpu.vector_store %arg6[%swap3A_1875], %add3A_1872 {strides = array<i32>} : memref<4096xi32, #tpu.memory_space<vmem>>, vector<16xi32>,
      }
      %scan3A_1465 = arith.constant 64 : i32
      %scan3A_1466 = arith.constant 0 : i32
      %scan3A_1467 = arith.constant 0 : i32
      %scan3A_1468 = arith.constant 32 : i32
      %scan3A_1469 = arith.addi %scan3A_1467, %scan3A_1468 : i32
      %scan3A_1470 = arith.constant 1 : i32
      scf.for %scan3A_1861 = %scan3A_1467 to %scan3A_1469 step %scan3A_1470  : i32 {
        %mul3A_1862 = arith.constant 16 : i32
        %mul3A_1863 = arith.muli %scan3A_1861, %mul3A_1862 : i32
        %get3A_1864 = arith.index_cast %mul3A_1863 : i32 to index
        %get3A_1865 = tpu.vector_load %arg6[%get3A_1864] {strides = array<i32>} : memref<4096xi32, #tpu.memory_space<vmem>>, vector<16xi32>,
        %mul3A_1866 = arith.constant 16 : i32
        %mul3A_1867 = arith.muli %scan3A_1861, %mul3A_1866 : i32
        %add3A_1868 = arith.constant 512 : i32
        %add3A_1869 = arith.addi %add3A_1868, %mul3A_1867 : i32
        %get3A_1870 = arith.index_cast %add3A_1869 : i32 to index
        %get3A_1871 = tpu.vector_load %arg6[%get3A_1870] {strides = array<i32>} : memref<4096xi32, #tpu.memory_space<vmem>>, vector<16xi32>,
        %add3A_1872 = arith.addi %get3A_1865, %get3A_1871 : vector<16xi32>
        %mul3A_1873 = arith.constant 16 : i32
        %mul3A_1874 = arith.muli %scan3A_1861, %mul3A_1873 : i32
        %swap3A_1875 = arith.index_cast %mul3A_1874 : i32 to index
        %swap3A_1876 = tpu.vector_load %arg6[%swap3A_1875] {strides = array<i32>} : memref<4096xi32, #tpu.memory_space<vmem>>, vector<16xi32>,
        tpu.vector_store %arg6[%swap3A_1875], %add3A_1872 {strides = array<i32>} : memref<4096xi32, #tpu.memory_space<vmem>>, vector<16xi32>,
      }
      %scan3A_1471 = arith.constant 32 : i32
      %scan3A_1472 = arith.constant 0 : i32
      %scan3A_1473 = arith.constant 0 : i32
      %scan3A_1474 = arith.constant 16 : i32
      %scan3A_1475 = arith.addi %scan3A_1473, %scan3A_1474 : i32
      %scan3A_1476 = arith.constant 1 : i32
      scf.for %scan3A_1861 = %scan3A_1473 to %scan3A_1475 step %scan3A_1476  : i32 {
        %mul3A_1862 = arith.constant 16 : i32
        %mul3A_1863 = arith.muli %scan3A_1861, %mul3A_1862 : i32
        %get3A_1864 = arith.index_cast %mul3A_1863 : i32 to index
        %get3A_1865 = tpu.vector_load %arg6[%get3A_1864] {strides = array<i32>} : memref<4096xi32, #tpu.memory_space<vmem>>, vector<16xi32>,
        %mul3A_1866 = arith.constant 16 : i32
        %mul3A_1867 = arith.muli %scan3A_1861, %mul3A_1866 : i32
        %add3A_1868 = arith.constant 256 : i32
        %add3A_1869 = arith.addi %add3A_1868, %mul3A_1867 : i32
        %get3A_1870 = arith.index_cast %add3A_1869 : i32 to index
        %get3A_1871 = tpu.vector_load %arg6[%get3A_1870] {strides = array<i32>} : memref<4096xi32, #tpu.memory_space<vmem>>, vector<16xi32>,
        %add3A_1872 = arith.addi %get3A_1865, %get3A_1871 : vector<16xi32>
        %mul3A_1873 = arith.constant 16 : i32
        %mul3A_1874 = arith.muli %scan3A_1861, %mul3A_1873 : i32
        %swap3A_1875 = arith.index_cast %mul3A_1874 : i32 to index
        %swap3A_1876 = tpu.vector_load %arg6[%swap3A_1875] {strides = array<i32>} : memref<4096xi32, #tpu.memory_space<vmem>>, vector<16xi32>,
        tpu.vector_store %arg6[%swap3A_1875], %add3A_1872 {strides = array<i32>} : memref<4096xi32, #tpu.memory_space<vmem>>, vector<16xi32>,
      }
      %scan3A_1477 = arith.constant 16 : i32
      %swap3A_1478 = arith.constant 256 : index
      %swap3A_1479 = tpu.vector_load %arg7[%swap3A_1478] {strides = array<i32>} : memref<272xi32, #tpu.memory_space<vmem>>, vector<16xi32>,
      tpu.vector_store %arg7[%swap3A_1478], %broadcast_in_dim3A_3 {strides = array<i32>} : memref<272xi32, #tpu.memory_space<vmem>>, vector<16xi32>,
      %get3A_1480 = arith.constant 0 : index
      %get3A_1481 = tpu.vector_load %arg6[%get3A_1480] {strides = array<i32>} : memref<4096xi32, #tpu.memory_space<vmem>>, vector<16xi32>,
      %broadcast_in_dim3A_1482 = arith.constant true
      %broadcast_in_dim3A_1483 = vector.broadcast %broadcast_in_dim3A_1482 : i1 to vector<16xi1>
      %masked_cumsum3A_1484 = tpu.scan <sum>, %get3A_1481 masked %broadcast_in_dim3A_1483 : vector<16xi32>, vector<16xi1> -> vector<16xi32>
      %sub3A_1485 = arith.subi %masked_cumsum3A_1484, %get3A_1481 : vector<16xi32>
      %add3A_1486 = arith.constant 0 : i32
      %add3A_1487 = vector.broadcast %add3A_1486 : i32 to vector<16xi32>
      %add3A_1488 = arith.addi %sub3A_1485, %add3A_1487 : vector<16xi32>
      %sub3A_1489 = vector.broadcast %sub3A_1367 : i32 to vector<16xi32>
      %sub3A_1490 = arith.subi %sub3A_1489, %add3A_1488 : vector<16xi32>
      %swap3A_1491 = arith.constant 0 : index
      %swap3A_1492 = tpu.vector_load %arg7[%swap3A_1491] {strides = array<i32>} : memref<272xi32, #tpu.memory_space<vmem>>, vector<16xi32>,
      tpu.vector_store %arg7[%swap3A_1491], %sub3A_1490 {strides = array<i32>} : memref<272xi32, #tpu.memory_space<vmem>>, vector<16xi32>,
      %reduce_sum3A_1493 = arith.constant true
      %reduce_sum3A_1494 = vector.broadcast %reduce_sum3A_1493 : i1 to vector<16xi1>
      %reduce_sum3A_1495 = tpu.scan <sum>, %get3A_1481 masked %reduce_sum3A_1494 : vector<16xi32>, vector<16xi1> -> vector<16xi32>
      %reduce_sum3A_1496 = vector.extract %reduce_sum3A_1495[15] : i32 from vector<16xi32>
      %add3A_1497 = arith.constant 0 : i32
      %add3A_1498 = arith.addi %add3A_1497, %reduce_sum3A_1496 : i32
      %ge3A_1499 = vector.broadcast %sub3A_1358 : i32 to vector<16xi32>
      %ge3A_1500 = arith.cmpi sge, %sub3A_1490, %ge3A_1499 : vector<16xi32>
      %all_reduce_population_count3A_1501 = tpu.all_reduce %ge3A_1500 {dim = 0 : i64, kind = #tpu.reduction_kind<sum>} : vector<16xi1> -> vector<16xi32>
      %add3A_1502 = arith.addi %broadcast_in_dim3A_3, %all_reduce_population_count3A_1501 : vector<16xi32>
      %get3A_1503 = arith.constant 16 : index
      %get3A_1504 = tpu.vector_load %arg6[%get3A_1503] {strides = array<i32>} : memref<4096xi32, #tpu.memory_space<vmem>>, vector<16xi32>,
      %broadcast_in_dim3A_1505 = arith.constant true
      %broadcast_in_dim3A_1506 = vector.broadcast %broadcast_in_dim3A_1505 : i1 to vector<16xi1>
      %masked_cumsum3A_1507 = tpu.scan <sum>, %get3A_1504 masked %broadcast_in_dim3A_1506 : vector<16xi32>, vector<16xi1> -> vector<16xi32>
      %sub3A_1508 = arith.subi %masked_cumsum3A_1507, %get3A_1504 : vector<16xi32>
      %add3A_1509 = vector.broadcast %add3A_1498 : i32 to vector<16xi32>
      %add3A_1510 = arith.addi %sub3A_1508, %add3A_1509 : vector<16xi32>
      %sub3A_1511 = vector.broadcast %sub3A_1367 : i32 to vector<16xi32>
      %sub3A_1512 = arith.subi %sub3A_1511, %add3A_1510 : vector<16xi32>
      %swap3A_1513 = arith.constant 16 : index
      %swap3A_1514 = tpu.vector_load %arg7[%swap3A_1513] {strides = array<i32>} : memref<272xi32, #tpu.memory_space<vmem>>, vector<16xi32>,
      tpu.vector_store %arg7[%swap3A_1513], %sub3A_1512 {strides = array<i32>} : memref<272xi32, #tpu.memory_space<vmem>>, vector<16xi32>,
      %reduce_sum3A_1515 = arith.constant true
      %reduce_sum3A_1516 = vector.broadcast %reduce_sum3A_1515 : i1 to vector<16xi1>
      %reduce_sum3A_1517 = tpu.scan <sum>, %get3A_1504 masked %reduce_sum3A_1516 : vector<16xi32>, vector<16xi1> -> vector<16xi32>
      %reduce_sum3A_1518 = vector.extract %reduce_sum3A_1517[15] : i32 from vector<16xi32>
      %add3A_1519 = arith.addi %add3A_1498, %reduce_sum3A_1518 : i32
      %ge3A_1520 = vector.broadcast %sub3A_1358 : i32 to vector<16xi32>
      %ge3A_1521 = arith.cmpi sge, %sub3A_1512, %ge3A_1520 : vector<16xi32>
      %all_reduce_population_count3A_1522 = tpu.all_reduce %ge3A_1521 {dim = 0 : i64, kind = #tpu.reduction_kind<sum>} : vector<16xi1> -> vector<16xi32>
      %add3A_1523 = arith.addi %add3A_1502, %all_reduce_population_count3A_1522 : vector<16xi32>
      %get3A_1524 = arith.constant 32 : index
      %get3A_1525 = tpu.vector_load %arg6[%get3A_1524] {strides = array<i32>} : memref<4096xi32, #tpu.memory_space<vmem>>, vector<16xi32>,
      %broadcast_in_dim3A_1526 = arith.constant true
      %broadcast_in_dim3A_1527 = vector.broadcast %broadcast_in_dim3A_1526 : i1 to vector<16xi1>
      %masked_cumsum3A_1528 = tpu.scan <sum>, %get3A_1525 masked %broadcast_in_dim3A_1527 : vector<16xi32>, vector<16xi1> -> vector<16xi32>
      %sub3A_1529 = arith.subi %masked_cumsum3A_1528, %get3A_1525 : vector<16xi32>
      %add3A_1530 = vector.broadcast %add3A_1519 : i32 to vector<16xi32>
      %add3A_1531 = arith.addi %sub3A_1529, %add3A_1530 : vector<16xi32>
      %sub3A_1532 = vector.broadcast %sub3A_1367 : i32 to vector<16xi32>
      %sub3A_1533 = arith.subi %sub3A_1532, %add3A_1531 : vector<16xi32>
      %swap3A_1534 = arith.constant 32 : index
      %swap3A_1535 = tpu.vector_load %arg7[%swap3A_1534] {strides = array<i32>} : memref<272xi32, #tpu.memory_space<vmem>>, vector<16xi32>,
      tpu.vector_store %arg7[%swap3A_1534], %sub3A_1533 {strides = array<i32>} : memref<272xi32, #tpu.memory_space<vmem>>, vector<16xi32>,
      %reduce_sum3A_1536 = arith.constant true
      %reduce_sum3A_1537 = vector.broadcast %reduce_sum3A_1536 : i1 to vector<16xi1>
      %reduce_sum3A_1538 = tpu.scan <sum>, %get3A_1525 masked %reduce_sum3A_1537 : vector<16xi32>, vector<16xi1> -> vector<16xi32>
      %reduce_sum3A_1539 = vector.extract %reduce_sum3A_1538[15] : i32 from vector<16xi32>
      %add3A_1540 = arith.addi %add3A_1519, %reduce_sum3A_1539 : i32
      %ge3A_1541 = vector.broadcast %sub3A_1358 : i32 to vector<16xi32>
      %ge3A_1542 = arith.cmpi sge, %sub3A_1533, %ge3A_1541 : vector<16xi32>
      %all_reduce_population_count3A_1543 = tpu.all_reduce %ge3A_1542 {dim = 0 : i64, kind = #tpu.reduction_kind<sum>} : vector<16xi1> -> vector<16xi32>
      %add3A_1544 = arith.addi %add3A_1523, %all_reduce_population_count3A_1543 : vector<16xi32>
      %get3A_1545 = arith.constant 48 : index
      %get3A_1546 = tpu.vector_load %arg6[%get3A_1545] {strides = array<i32>} : memref<4096xi32, #tpu.memory_space<vmem>>, vector<16xi32>,
      %broadcast_in_dim3A_1547 = arith.constant true
      %broadcast_in_dim3A_1548 = vector.broadcast %broadcast_in_dim3A_1547 : i1 to vector<16xi1>
      %masked_cumsum3A_1549 = tpu.scan <sum>, %get3A_1546 masked %broadcast_in_dim3A_1548 : vector<16xi32>, vector<16xi1> -> vector<16xi32>
      %sub3A_1550 = arith.subi %masked_cumsum3A_1549, %get3A_1546 : vector<16xi32>
      %add3A_1551 = vector.broadcast %add3A_1540 : i32 to vector<16xi32>
      %add3A_1552 = arith.addi %sub3A_1550, %add3A_1551 : vector<16xi32>
      %sub3A_1553 = vector.broadcast %sub3A_1367 : i32 to vector<16xi32>
      %sub3A_1554 = arith.subi %sub3A_1553, %add3A_1552 : vector<16xi32>
      %swap3A_1555 = arith.constant 48 : index
      %swap3A_1556 = tpu.vector_load %arg7[%swap3A_1555] {strides = array<i32>} : memref<272xi32, #tpu.memory_space<vmem>>, vector<16xi32>,
      tpu.vector_store %arg7[%swap3A_1555], %sub3A_1554 {strides = array<i32>} : memref<272xi32, #tpu.memory_space<vmem>>, vector<16xi32>,
      %reduce_sum3A_1557 = arith.constant true
      %reduce_sum3A_1558 = vector.broadcast %reduce_sum3A_1557 : i1 to vector<16xi1>
      %reduce_sum3A_1559 = tpu.scan <sum>, %get3A_1546 masked %reduce_sum3A_1558 : vector<16xi32>, vector<16xi1> -> vector<16xi32>
      %reduce_sum3A_1560 = vector.extract %reduce_sum3A_1559[15] : i32 from vector<16xi32>
      %add3A_1561 = arith.addi %add3A_1540, %reduce_sum3A_1560 : i32
      %ge3A_1562 = vector.broadcast %sub3A_1358 : i32 to vector<16xi32>
      %ge3A_1563 = arith.cmpi sge, %sub3A_1554, %ge3A_1562 : vector<16xi32>
      %all_reduce_population_count3A_1564 = tpu.all_reduce %ge3A_1563 {dim = 0 : i64, kind = #tpu.reduction_kind<sum>} : vector<16xi1> -> vector<16xi32>
      %add3A_1565 = arith.addi %add3A_1544, %all_reduce_population_count3A_1564 : vector<16xi32>
      %get3A_1566 = arith.constant 64 : index
      %get3A_1567 = tpu.vector_load %arg6[%get3A_1566] {strides = array<i32>} : memref<4096xi32, #tpu.memory_space<vmem>>, vector<16xi32>,
      %broadcast_in_dim3A_1568 = arith.constant true
      %broadcast_in_dim3A_1569 = vector.broadcast %broadcast_in_dim3A_1568 : i1 to vector<16xi1>
      %masked_cumsum3A_1570 = tpu.scan <sum>, %get3A_1567 masked %broadcast_in_dim3A_1569 : vector<16xi32>, vector<16xi1> -> vector<16xi32>
      %sub3A_1571 = arith.subi %masked_cumsum3A_1570, %get3A_1567 : vector<16xi32>
      %add3A_1572 = vector.broadcast %add3A_1561 : i32 to vector<16xi32>
      %add3A_1573 = arith.addi %sub3A_1571, %add3A_1572 : vector<16xi32>
      %sub3A_1574 = vector.broadcast %sub3A_1367 : i32 to vector<16xi32>
      %sub3A_1575 = arith.subi %sub3A_1574, %add3A_1573 : vector<16xi32>
      %swap3A_1576 = arith.constant 64 : index
      %swap3A_1577 = tpu.vector_load %arg7[%swap3A_1576] {strides = array<i32>} : memref<272xi32, #tpu.memory_space<vmem>>, vector<16xi32>,
      tpu.vector_store %arg7[%swap3A_1576], %sub3A_1575 {strides = array<i32>} : memref<272xi32, #tpu.memory_space<vmem>>, vector<16xi32>,
      %reduce_sum3A_1578 = arith.constant true
      %reduce_sum3A_1579 = vector.broadcast %reduce_sum3A_1578 : i1 to vector<16xi1>
      %reduce_sum3A_1580 = tpu.scan <sum>, %get3A_1567 masked %reduce_sum3A_1579 : vector<16xi32>, vector<16xi1> -> vector<16xi32>
      %reduce_sum3A_1581 = vector.extract %reduce_sum3A_1580[15] : i32 from vector<16xi32>
      %add3A_1582 = arith.addi %add3A_1561, %reduce_sum3A_1581 : i32
      %ge3A_1583 = vector.broadcast %sub3A_1358 : i32 to vector<16xi32>
      %ge3A_1584 = arith.cmpi sge, %sub3A_1575, %ge3A_1583 : vector<16xi32>
      %all_reduce_population_count3A_1585 = tpu.all_reduce %ge3A_1584 {dim = 0 : i64, kind = #tpu.reduction_kind<sum>} : vector<16xi1> -> vector<16xi32>
      %add3A_1586 = arith.addi %add3A_1565, %all_reduce_population_count3A_1585 : vector<16xi32>
      %get3A_1587 = arith.constant 80 : index
      %get3A_1588 = tpu.vector_load %arg6[%get3A_1587] {strides = array<i32>} : memref<4096xi32, #tpu.memory_space<vmem>>, vector<16xi32>,
      %broadcast_in_dim3A_1589 = arith.constant true
      %broadcast_in_dim3A_1590 = vector.broadcast %broadcast_in_dim3A_1589 : i1 to vector<16xi1>
      %masked_cumsum3A_1591 = tpu.scan <sum>, %get3A_1588 masked %broadcast_in_dim3A_1590 : vector<16xi32>, vector<16xi1> -> vector<16xi32>
      %sub3A_1592 = arith.subi %masked_cumsum3A_1591, %get3A_1588 : vector<16xi32>
      %add3A_1593 = vector.broadcast %add3A_1582 : i32 to vector<16xi32>
      %add3A_1594 = arith.addi %sub3A_1592, %add3A_1593 : vector<16xi32>
      %sub3A_1595 = vector.broadcast %sub3A_1367 : i32 to vector<16xi32>
      %sub3A_1596 = arith.subi %sub3A_1595, %add3A_1594 : vector<16xi32>
      %swap3A_1597 = arith.constant 80 : index
      %swap3A_1598 = tpu.vector_load %arg7[%swap3A_1597] {strides = array<i32>} : memref<272xi32, #tpu.memory_space<vmem>>, vector<16xi32>,
      tpu.vector_store %arg7[%swap3A_1597], %sub3A_1596 {strides = array<i32>} : memref<272xi32, #tpu.memory_space<vmem>>, vector<16xi32>,
      %reduce_sum3A_1599 = arith.constant true
      %reduce_sum3A_1600 = vector.broadcast %reduce_sum3A_1599 : i1 to vector<16xi1>
      %reduce_sum3A_1601 = tpu.scan <sum>, %get3A_1588 masked %reduce_sum3A_1600 : vector<16xi32>, vector<16xi1> -> vector<16xi32>
      %reduce_sum3A_1602 = vector.extract %reduce_sum3A_1601[15] : i32 from vector<16xi32>
      %add3A_1603 = arith.addi %add3A_1582, %reduce_sum3A_1602 : i32
      %ge3A_1604 = vector.broadcast %sub3A_1358 : i32 to vector<16xi32>
      %ge3A_1605 = arith.cmpi sge, %sub3A_1596, %ge3A_1604 : vector<16xi32>
      %all_reduce_population_count3A_1606 = tpu.all_reduce %ge3A_1605 {dim = 0 : i64, kind = #tpu.reduction_kind<sum>} : vector<16xi1> -> vector<16xi32>
      %add3A_1607 = arith.addi %add3A_1586, %all_reduce_population_count3A_1606 : vector<16xi32>
      %get3A_1608 = arith.constant 96 : index
      %get3A_1609 = tpu.vector_load %arg6[%get3A_1608] {strides = array<i32>} : memref<4096xi32, #tpu.memory_space<vmem>>, vector<16xi32>,
      %broadcast_in_dim3A_1610 = arith.constant true
      %broadcast_in_dim3A_1611 = vector.broadcast %broadcast_in_dim3A_1610 : i1 to vector<16xi1>
      %masked_cumsum3A_1612 = tpu.scan <sum>, %get3A_1609 masked %broadcast_in_dim3A_1611 : vector<16xi32>, vector<16xi1> -> vector<16xi32>
      %sub3A_1613 = arith.subi %masked_cumsum3A_1612, %get3A_1609 : vector<16xi32>
      %add3A_1614 = vector.broadcast %add3A_1603 : i32 to vector<16xi32>
      %add3A_1615 = arith.addi %sub3A_1613, %add3A_1614 : vector<16xi32>
      %sub3A_1616 = vector.broadcast %sub3A_1367 : i32 to vector<16xi32>
      %sub3A_1617 = arith.subi %sub3A_1616, %add3A_1615 : vector<16xi32>
      %swap3A_1618 = arith.constant 96 : index
      %swap3A_1619 = tpu.vector_load %arg7[%swap3A_1618] {strides = array<i32>} : memref<272xi32, #tpu.memory_space<vmem>>, vector<16xi32>,
      tpu.vector_store %arg7[%swap3A_1618], %sub3A_1617 {strides = array<i32>} : memref<272xi32, #tpu.memory_space<vmem>>, vector<16xi32>,
      %reduce_sum3A_1620 = arith.constant true
      %reduce_sum3A_1621 = vector.broadcast %reduce_sum3A_1620 : i1 to vector<16xi1>
      %reduce_sum3A_1622 = tpu.scan <sum>, %get3A_1609 masked %reduce_sum3A_1621 : vector<16xi32>, vector<16xi1> -> vector<16xi32>
      %reduce_sum3A_1623 = vector.extract %reduce_sum3A_1622[15] : i32 from vector<16xi32>
      %add3A_1624 = arith.addi %add3A_1603, %reduce_sum3A_1623 : i32
      %ge3A_1625 = vector.broadcast %sub3A_1358 : i32 to vector<16xi32>
      %ge3A_1626 = arith.cmpi sge, %sub3A_1617, %ge3A_1625 : vector<16xi32>
      %all_reduce_population_count3A_1627 = tpu.all_reduce %ge3A_1626 {dim = 0 : i64, kind = #tpu.reduction_kind<sum>} : vector<16xi1> -> vector<16xi32>
      %add3A_1628 = arith.addi %add3A_1607, %all_reduce_population_count3A_1627 : vector<16xi32>
      %get3A_1629 = arith.constant 112 : index
      %get3A_1630 = tpu.vector_load %arg6[%get3A_1629] {strides = array<i32>} : memref<4096xi32, #tpu.memory_space<vmem>>, vector<16xi32>,
      %broadcast_in_dim3A_1631 = arith.constant true
      %broadcast_in_dim3A_1632 = vector.broadcast %broadcast_in_dim3A_1631 : i1 to vector<16xi1>
      %masked_cumsum3A_1633 = tpu.scan <sum>, %get3A_1630 masked %broadcast_in_dim3A_1632 : vector<16xi32>, vector<16xi1> -> vector<16xi32>
      %sub3A_1634 = arith.subi %masked_cumsum3A_1633, %get3A_1630 : vector<16xi32>
      %add3A_1635 = vector.broadcast %add3A_1624 : i32 to vector<16xi32>
      %add3A_1636 = arith.addi %sub3A_1634, %add3A_1635 : vector<16xi32>
      %sub3A_1637 = vector.broadcast %sub3A_1367 : i32 to vector<16xi32>
      %sub3A_1638 = arith.subi %sub3A_1637, %add3A_1636 : vector<16xi32>
      %swap3A_1639 = arith.constant 112 : index
      %swap3A_1640 = tpu.vector_load %arg7[%swap3A_1639] {strides = array<i32>} : memref<272xi32, #tpu.memory_space<vmem>>, vector<16xi32>,
      tpu.vector_store %arg7[%swap3A_1639], %sub3A_1638 {strides = array<i32>} : memref<272xi32, #tpu.memory_space<vmem>>, vector<16xi32>,
      %reduce_sum3A_1641 = arith.constant true
      %reduce_sum3A_1642 = vector.broadcast %reduce_sum3A_1641 : i1 to vector<16xi1>
      %reduce_sum3A_1643 = tpu.scan <sum>, %get3A_1630 masked %reduce_sum3A_1642 : vector<16xi32>, vector<16xi1> -> vector<16xi32>
      %reduce_sum3A_1644 = vector.extract %reduce_sum3A_1643[15] : i32 from vector<16xi32>
      %add3A_1645 = arith.addi %add3A_1624, %reduce_sum3A_1644 : i32
      %ge3A_1646 = vector.broadcast %sub3A_1358 : i32 to vector<16xi32>
      %ge3A_1647 = arith.cmpi sge, %sub3A_1638, %ge3A_1646 : vector<16xi32>
      %all_reduce_population_count3A_1648 = tpu.all_reduce %ge3A_1647 {dim = 0 : i64, kind = #tpu.reduction_kind<sum>} : vector<16xi1> -> vector<16xi32>
      %add3A_1649 = arith.addi %add3A_1628, %all_reduce_population_count3A_1648 : vector<16xi32>
      %get3A_1650 = arith.constant 128 : index
      %get3A_1651 = tpu.vector_load %arg6[%get3A_1650] {strides = array<i32>} : memref<4096xi32, #tpu.memory_space<vmem>>, vector<16xi32>,
      %broadcast_in_dim3A_1652 = arith.constant true
      %broadcast_in_dim3A_1653 = vector.broadcast %broadcast_in_dim3A_1652 : i1 to vector<16xi1>
      %masked_cumsum3A_1654 = tpu.scan <sum>, %get3A_1651 masked %broadcast_in_dim3A_1653 : vector<16xi32>, vector<16xi1> -> vector<16xi32>
      %sub3A_1655 = arith.subi %masked_cumsum3A_1654, %get3A_1651 : vector<16xi32>
      %add3A_1656 = vector.broadcast %add3A_1645 : i32 to vector<16xi32>
      %add3A_1657 = arith.addi %sub3A_1655, %add3A_1656 : vector<16xi32>
      %sub3A_1658 = vector.broadcast %sub3A_1367 : i32 to vector<16xi32>
      %sub3A_1659 = arith.subi %sub3A_1658, %add3A_1657 : vector<16xi32>
      %swap3A_1660 = arith.constant 128 : index
      %swap3A_1661 = tpu.vector_load %arg7[%swap3A_1660] {strides = array<i32>} : memref<272xi32, #tpu.memory_space<vmem>>, vector<16xi32>,
      tpu.vector_store %arg7[%swap3A_1660], %sub3A_1659 {strides = array<i32>} : memref<272xi32, #tpu.memory_space<vmem>>, vector<16xi32>,
      %reduce_sum3A_1662 = arith.constant true
      %reduce_sum3A_1663 = vector.broadcast %reduce_sum3A_1662 : i1 to vector<16xi1>
      %reduce_sum3A_1664 = tpu.scan <sum>, %get3A_1651 masked %reduce_sum3A_1663 : vector<16xi32>, vector<16xi1> -> vector<16xi32>
      %reduce_sum3A_1665 = vector.extract %reduce_sum3A_1664[15] : i32 from vector<16xi32>
      %add3A_1666 = arith.addi %add3A_1645, %reduce_sum3A_1665 : i32
      %ge3A_1667 = vector.broadcast %sub3A_1358 : i32 to vector<16xi32>
      %ge3A_1668 = arith.cmpi sge, %sub3A_1659, %ge3A_1667 : vector<16xi32>
      %all_reduce_population_count3A_1669 = tpu.all_reduce %ge3A_1668 {dim = 0 : i64, kind = #tpu.reduction_kind<sum>} : vector<16xi1> -> vector<16xi32>
      %add3A_1670 = arith.addi %add3A_1649, %all_reduce_population_count3A_1669 : vector<16xi32>
      %get3A_1671 = arith.constant 144 : index
      %get3A_1672 = tpu.vector_load %arg6[%get3A_1671] {strides = array<i32>} : memref<4096xi32, #tpu.memory_space<vmem>>, vector<16xi32>,
      %broadcast_in_dim3A_1673 = arith.constant true
      %broadcast_in_dim3A_1674 = vector.broadcast %broadcast_in_dim3A_1673 : i1 to vector<16xi1>
      %masked_cumsum3A_1675 = tpu.scan <sum>, %get3A_1672 masked %broadcast_in_dim3A_1674 : vector<16xi32>, vector<16xi1> -> vector<16xi32>
      %sub3A_1676 = arith.subi %masked_cumsum3A_1675, %get3A_1672 : vector<16xi32>
      %add3A_1677 = vector.broadcast %add3A_1666 : i32 to vector<16xi32>
      %add3A_1678 = arith.addi %sub3A_1676, %add3A_1677 : vector<16xi32>
      %sub3A_1679 = vector.broadcast %sub3A_1367 : i32 to vector<16xi32>
      %sub3A_1680 = arith.subi %sub3A_1679, %add3A_1678 : vector<16xi32>
      %swap3A_1681 = arith.constant 144 : index
      %swap3A_1682 = tpu.vector_load %arg7[%swap3A_1681] {strides = array<i32>} : memref<272xi32, #tpu.memory_space<vmem>>, vector<16xi32>,
      tpu.vector_store %arg7[%swap3A_1681], %sub3A_1680 {strides = array<i32>} : memref<272xi32, #tpu.memory_space<vmem>>, vector<16xi32>,
      %reduce_sum3A_1683 = arith.constant true
      %reduce_sum3A_1684 = vector.broadcast %reduce_sum3A_1683 : i1 to vector<16xi1>
      %reduce_sum3A_1685 = tpu.scan <sum>, %get3A_1672 masked %reduce_sum3A_1684 : vector<16xi32>, vector<16xi1> -> vector<16xi32>
      %reduce_sum3A_1686 = vector.extract %reduce_sum3A_1685[15] : i32 from vector<16xi32>
      %add3A_1687 = arith.addi %add3A_1666, %reduce_sum3A_1686 : i32
      %ge3A_1688 = vector.broadcast %sub3A_1358 : i32 to vector<16xi32>
      %ge3A_1689 = arith.cmpi sge, %sub3A_1680, %ge3A_1688 : vector<16xi32>
      %all_reduce_population_count3A_1690 = tpu.all_reduce %ge3A_1689 {dim = 0 : i64, kind = #tpu.reduction_kind<sum>} : vector<16xi1> -> vector<16xi32>
      %add3A_1691 = arith.addi %add3A_1670, %all_reduce_population_count3A_1690 : vector<16xi32>
      %get3A_1692 = arith.constant 160 : index
      %get3A_1693 = tpu.vector_load %arg6[%get3A_1692] {strides = array<i32>} : memref<4096xi32, #tpu.memory_space<vmem>>, vector<16xi32>,
      %broadcast_in_dim3A_1694 = arith.constant true
      %broadcast_in_dim3A_1695 = vector.broadcast %broadcast_in_dim3A_1694 : i1 to vector<16xi1>
      %masked_cumsum3A_1696 = tpu.scan <sum>, %get3A_1693 masked %broadcast_in_dim3A_1695 : vector<16xi32>, vector<16xi1> -> vector<16xi32>
      %sub3A_1697 = arith.subi %masked_cumsum3A_1696, %get3A_1693 : vector<16xi32>
      %add3A_1698 = vector.broadcast %add3A_1687 : i32 to vector<16xi32>
      %add3A_1699 = arith.addi %sub3A_1697, %add3A_1698 : vector<16xi32>
      %sub3A_1700 = vector.broadcast %sub3A_1367 : i32 to vector<16xi32>
      %sub3A_1701 = arith.subi %sub3A_1700, %add3A_1699 : vector<16xi32>
      %swap3A_1702 = arith.constant 160 : index
      %swap3A_1703 = tpu.vector_load %arg7[%swap3A_1702] {strides = array<i32>} : memref<272xi32, #tpu.memory_space<vmem>>, vector<16xi32>,
      tpu.vector_store %arg7[%swap3A_1702], %sub3A_1701 {strides = array<i32>} : memref<272xi32, #tpu.memory_space<vmem>>, vector<16xi32>,
      %reduce_sum3A_1704 = arith.constant true
      %reduce_sum3A_1705 = vector.broadcast %reduce_sum3A_1704 : i1 to vector<16xi1>
      %reduce_sum3A_1706 = tpu.scan <sum>, %get3A_1693 masked %reduce_sum3A_1705 : vector<16xi32>, vector<16xi1> -> vector<16xi32>
      %reduce_sum3A_1707 = vector.extract %reduce_sum3A_1706[15] : i32 from vector<16xi32>
      %add3A_1708 = arith.addi %add3A_1687, %reduce_sum3A_1707 : i32
      %ge3A_1709 = vector.broadcast %sub3A_1358 : i32 to vector<16xi32>
      %ge3A_1710 = arith.cmpi sge, %sub3A_1701, %ge3A_1709 : vector<16xi32>
      %all_reduce_population_count3A_1711 = tpu.all_reduce %ge3A_1710 {dim = 0 : i64, kind = #tpu.reduction_kind<sum>} : vector<16xi1> -> vector<16xi32>
      %add3A_1712 = arith.addi %add3A_1691, %all_reduce_population_count3A_1711 : vector<16xi32>
      %get3A_1713 = arith.constant 176 : index
      %get3A_1714 = tpu.vector_load %arg6[%get3A_1713] {strides = array<i32>} : memref<4096xi32, #tpu.memory_space<vmem>>, vector<16xi32>,
      %broadcast_in_dim3A_1715 = arith.constant true
      %broadcast_in_dim3A_1716 = vector.broadcast %broadcast_in_dim3A_1715 : i1 to vector<16xi1>
      %masked_cumsum3A_1717 = tpu.scan <sum>, %get3A_1714 masked %broadcast_in_dim3A_1716 : vector<16xi32>, vector<16xi1> -> vector<16xi32>
      %sub3A_1718 = arith.subi %masked_cumsum3A_1717, %get3A_1714 : vector<16xi32>
      %add3A_1719 = vector.broadcast %add3A_1708 : i32 to vector<16xi32>
      %add3A_1720 = arith.addi %sub3A_1718, %add3A_1719 : vector<16xi32>
      %sub3A_1721 = vector.broadcast %sub3A_1367 : i32 to vector<16xi32>
      %sub3A_1722 = arith.subi %sub3A_1721, %add3A_1720 : vector<16xi32>
      %swap3A_1723 = arith.constant 176 : index
      %swap3A_1724 = tpu.vector_load %arg7[%swap3A_1723] {strides = array<i32>} : memref<272xi32, #tpu.memory_space<vmem>>, vector<16xi32>,
      tpu.vector_store %arg7[%swap3A_1723], %sub3A_1722 {strides = array<i32>} : memref<272xi32, #tpu.memory_space<vmem>>, vector<16xi32>,
      %reduce_sum3A_1725 = arith.constant true
      %reduce_sum3A_1726 = vector.broadcast %reduce_sum3A_1725 : i1 to vector<16xi1>
      %reduce_sum3A_1727 = tpu.scan <sum>, %get3A_1714 masked %reduce_sum3A_1726 : vector<16xi32>, vector<16xi1> -> vector<16xi32>
      %reduce_sum3A_1728 = vector.extract %reduce_sum3A_1727[15] : i32 from vector<16xi32>
      %add3A_1729 = arith.addi %add3A_1708, %reduce_sum3A_1728 : i32
      %ge3A_1730 = vector.broadcast %sub3A_1358 : i32 to vector<16xi32>
      %ge3A_1731 = arith.cmpi sge, %sub3A_1722, %ge3A_1730 : vector<16xi32>
      %all_reduce_population_count3A_1732 = tpu.all_reduce %ge3A_1731 {dim = 0 : i64, kind = #tpu.reduction_kind<sum>} : vector<16xi1> -> vector<16xi32>
      %add3A_1733 = arith.addi %add3A_1712, %all_reduce_population_count3A_1732 : vector<16xi32>
      %get3A_1734 = arith.constant 192 : index
      %get3A_1735 = tpu.vector_load %arg6[%get3A_1734] {strides = array<i32>} : memref<4096xi32, #tpu.memory_space<vmem>>, vector<16xi32>,
      %broadcast_in_dim3A_1736 = arith.constant true
      %broadcast_in_dim3A_1737 = vector.broadcast %broadcast_in_dim3A_1736 : i1 to vector<16xi1>
      %masked_cumsum3A_1738 = tpu.scan <sum>, %get3A_1735 masked %broadcast_in_dim3A_1737 : vector<16xi32>, vector<16xi1> -> vector<16xi32>
      %sub3A_1739 = arith.subi %masked_cumsum3A_1738, %get3A_1735 : vector<16xi32>
      %add3A_1740 = vector.broadcast %add3A_1729 : i32 to vector<16xi32>
      %add3A_1741 = arith.addi %sub3A_1739, %add3A_1740 : vector<16xi32>
      %sub3A_1742 = vector.broadcast %sub3A_1367 : i32 to vector<16xi32>
      %sub3A_1743 = arith.subi %sub3A_1742, %add3A_1741 : vector<16xi32>
      %swap3A_1744 = arith.constant 192 : index
      %swap3A_1745 = tpu.vector_load %arg7[%swap3A_1744] {strides = array<i32>} : memref<272xi32, #tpu.memory_space<vmem>>, vector<16xi32>,
      tpu.vector_store %arg7[%swap3A_1744], %sub3A_1743 {strides = array<i32>} : memref<272xi32, #tpu.memory_space<vmem>>, vector<16xi32>,
      %reduce_sum3A_1746 = arith.constant true
      %reduce_sum3A_1747 = vector.broadcast %reduce_sum3A_1746 : i1 to vector<16xi1>
      %reduce_sum3A_1748 = tpu.scan <sum>, %get3A_1735 masked %reduce_sum3A_1747 : vector<16xi32>, vector<16xi1> -> vector<16xi32>
      %reduce_sum3A_1749 = vector.extract %reduce_sum3A_1748[15] : i32 from vector<16xi32>
      %add3A_1750 = arith.addi %add3A_1729, %reduce_sum3A_1749 : i32
      %ge3A_1751 = vector.broadcast %sub3A_1358 : i32 to vector<16xi32>
      %ge3A_1752 = arith.cmpi sge, %sub3A_1743, %ge3A_1751 : vector<16xi32>
      %all_reduce_population_count3A_1753 = tpu.all_reduce %ge3A_1752 {dim = 0 : i64, kind = #tpu.reduction_kind<sum>} : vector<16xi1> -> vector<16xi32>
      %add3A_1754 = arith.addi %add3A_1733, %all_reduce_population_count3A_1753 : vector<16xi32>
      %get3A_1755 = arith.constant 208 : index
      %get3A_1756 = tpu.vector_load %arg6[%get3A_1755] {strides = array<i32>} : memref<4096xi32, #tpu.memory_space<vmem>>, vector<16xi32>,
      %broadcast_in_dim3A_1757 = arith.constant true
      %broadcast_in_dim3A_1758 = vector.broadcast %broadcast_in_dim3A_1757 : i1 to vector<16xi1>
      %masked_cumsum3A_1759 = tpu.scan <sum>, %get3A_1756 masked %broadcast_in_dim3A_1758 : vector<16xi32>, vector<16xi1> -> vector<16xi32>
      %sub3A_1760 = arith.subi %masked_cumsum3A_1759, %get3A_1756 : vector<16xi32>
      %add3A_1761 = vector.broadcast %add3A_1750 : i32 to vector<16xi32>
      %add3A_1762 = arith.addi %sub3A_1760, %add3A_1761 : vector<16xi32>
      %sub3A_1763 = vector.broadcast %sub3A_1367 : i32 to vector<16xi32>
      %sub3A_1764 = arith.subi %sub3A_1763, %add3A_1762 : vector<16xi32>
      %swap3A_1765 = arith.constant 208 : index
      %swap3A_1766 = tpu.vector_load %arg7[%swap3A_1765] {strides = array<i32>} : memref<272xi32, #tpu.memory_space<vmem>>, vector<16xi32>,
      tpu.vector_store %arg7[%swap3A_1765], %sub3A_1764 {strides = array<i32>} : memref<272xi32, #tpu.memory_space<vmem>>, vector<16xi32>,
      %reduce_sum3A_1767 = arith.constant true
      %reduce_sum3A_1768 = vector.broadcast %reduce_sum3A_1767 : i1 to vector<16xi1>
      %reduce_sum3A_1769 = tpu.scan <sum>, %get3A_1756 masked %reduce_sum3A_1768 : vector<16xi32>, vector<16xi1> -> vector<16xi32>
      %reduce_sum3A_1770 = vector.extract %reduce_sum3A_1769[15] : i32 from vector<16xi32>
      %add3A_1771 = arith.addi %add3A_1750, %reduce_sum3A_1770 : i32
      %ge3A_1772 = vector.broadcast %sub3A_1358 : i32 to vector<16xi32>
      %ge3A_1773 = arith.cmpi sge, %sub3A_1764, %ge3A_1772 : vector<16xi32>
      %all_reduce_population_count3A_1774 = tpu.all_reduce %ge3A_1773 {dim = 0 : i64, kind = #tpu.reduction_kind<sum>} : vector<16xi1> -> vector<16xi32>
      %add3A_1775 = arith.addi %add3A_1754, %all_reduce_population_count3A_1774 : vector<16xi32>
      %get3A_1776 = arith.constant 224 : index
      %get3A_1777 = tpu.vector_load %arg6[%get3A_1776] {strides = array<i32>} : memref<4096xi32, #tpu.memory_space<vmem>>, vector<16xi32>,
      %broadcast_in_dim3A_1778 = arith.constant true
      %broadcast_in_dim3A_1779 = vector.broadcast %broadcast_in_dim3A_1778 : i1 to vector<16xi1>
      %masked_cumsum3A_1780 = tpu.scan <sum>, %get3A_1777 masked %broadcast_in_dim3A_1779 : vector<16xi32>, vector<16xi1> -> vector<16xi32>
      %sub3A_1781 = arith.subi %masked_cumsum3A_1780, %get3A_1777 : vector<16xi32>
      %add3A_1782 = vector.broadcast %add3A_1771 : i32 to vector<16xi32>
      %add3A_1783 = arith.addi %sub3A_1781, %add3A_1782 : vector<16xi32>
      %sub3A_1784 = vector.broadcast %sub3A_1367 : i32 to vector<16xi32>
      %sub3A_1785 = arith.subi %sub3A_1784, %add3A_1783 : vector<16xi32>
      %swap3A_1786 = arith.constant 224 : index
      %swap3A_1787 = tpu.vector_load %arg7[%swap3A_1786] {strides = array<i32>} : memref<272xi32, #tpu.memory_space<vmem>>, vector<16xi32>,
      tpu.vector_store %arg7[%swap3A_1786], %sub3A_1785 {strides = array<i32>} : memref<272xi32, #tpu.memory_space<vmem>>, vector<16xi32>,
      %reduce_sum3A_1788 = arith.constant true
      %reduce_sum3A_1789 = vector.broadcast %reduce_sum3A_1788 : i1 to vector<16xi1>
      %reduce_sum3A_1790 = tpu.scan <sum>, %get3A_1777 masked %reduce_sum3A_1789 : vector<16xi32>, vector<16xi1> -> vector<16xi32>
      %reduce_sum3A_1791 = vector.extract %reduce_sum3A_1790[15] : i32 from vector<16xi32>
      %add3A_1792 = arith.addi %add3A_1771, %reduce_sum3A_1791 : i32
      %ge3A_1793 = vector.broadcast %sub3A_1358 : i32 to vector<16xi32>
      %ge3A_1794 = arith.cmpi sge, %sub3A_1785, %ge3A_1793 : vector<16xi32>
      %all_reduce_population_count3A_1795 = tpu.all_reduce %ge3A_1794 {dim = 0 : i64, kind = #tpu.reduction_kind<sum>} : vector<16xi1> -> vector<16xi32>
      %add3A_1796 = arith.addi %add3A_1775, %all_reduce_population_count3A_1795 : vector<16xi32>
      %get3A_1797 = arith.constant 240 : index
      %get3A_1798 = tpu.vector_load %arg6[%get3A_1797] {strides = array<i32>} : memref<4096xi32, #tpu.memory_space<vmem>>, vector<16xi32>,
      %broadcast_in_dim3A_1799 = arith.constant true
      %broadcast_in_dim3A_1800 = vector.broadcast %broadcast_in_dim3A_1799 : i1 to vector<16xi1>
      %masked_cumsum3A_1801 = tpu.scan <sum>, %get3A_1798 masked %broadcast_in_dim3A_1800 : vector<16xi32>, vector<16xi1> -> vector<16xi32>
      %sub3A_1802 = arith.subi %masked_cumsum3A_1801, %get3A_1798 : vector<16xi32>
      %add3A_1803 = vector.broadcast %add3A_1792 : i32 to vector<16xi32>
      %add3A_1804 = arith.addi %sub3A_1802, %add3A_1803 : vector<16xi32>
      %sub3A_1805 = vector.broadcast %sub3A_1367 : i32 to vector<16xi32>
      %sub3A_1806 = arith.subi %sub3A_1805, %add3A_1804 : vector<16xi32>
      %swap3A_1807 = arith.constant 240 : index
      %swap3A_1808 = tpu.vector_load %arg7[%swap3A_1807] {strides = array<i32>} : memref<272xi32, #tpu.memory_space<vmem>>, vector<16xi32>,
      tpu.vector_store %arg7[%swap3A_1807], %sub3A_1806 {strides = array<i32>} : memref<272xi32, #tpu.memory_space<vmem>>, vector<16xi32>,
      %reduce_sum3A_1809 = arith.constant true
      %reduce_sum3A_1810 = vector.broadcast %reduce_sum3A_1809 : i1 to vector<16xi1>
      %reduce_sum3A_1811 = tpu.scan <sum>, %get3A_1798 masked %reduce_sum3A_1810 : vector<16xi32>, vector<16xi1> -> vector<16xi32>
      %reduce_sum3A_1812 = vector.extract %reduce_sum3A_1811[15] : i32 from vector<16xi32>
      %add3A_1813 = arith.addi %add3A_1792, %reduce_sum3A_1812 : i32
      %ge3A_1814 = vector.broadcast %sub3A_1358 : i32 to vector<16xi32>
      %ge3A_1815 = arith.cmpi sge, %sub3A_1806, %ge3A_1814 : vector<16xi32>
      %all_reduce_population_count3A_1816 = tpu.all_reduce %ge3A_1815 {dim = 0 : i64, kind = #tpu.reduction_kind<sum>} : vector<16xi1> -> vector<16xi32>
      %add3A_1817 = arith.addi %add3A_1796, %all_reduce_population_count3A_1816 : vector<16xi32>
      %gather3A_1818 = tpu.vector_load_idx %arg7[%add3A_1817] : memref<272xi32, #tpu.memory_space<vmem>>[vector<16xi32>], vector<16xi32>,
      %sub3A_1819 = arith.constant 1 : i32
      %sub3A_1820 = vector.broadcast %sub3A_1819 : i32 to vector<16xi32>
      %sub3A_1821 = arith.subi %add3A_1817, %sub3A_1820 : vector<16xi32>
      %gather3A_1822 = tpu.vector_load_idx %arg7[%sub3A_1821] : memref<272xi32, #tpu.memory_space<vmem>>[vector<16xi32>], vector<16xi32>,
      %reduce_max3A_1823 = arith.constant true
      %reduce_max3A_1824 = vector.broadcast %reduce_max3A_1823 : i1 to vector<16xi1>
      %reduce_max3A_1825 = arith.constant -2147483648 : i32
      %reduce_max3A_1826 = vector.broadcast %reduce_max3A_1825 : i32 to vector<16xi32>
      %reduce_max3A_1827 = arith.xori %gather3A_1818, %reduce_max3A_1826 : vector<16xi32>
      %reduce_max3A_1828 = tpu.scan <max>, %reduce_max3A_1827 masked %reduce_max3A_1824 : vector<16xi32>, vector<16xi1> -> vector<16xi32>
      %reduce_max3A_1829 = arith.xori %reduce_max3A_1828, %reduce_max3A_1826 : vector<16xi32>
      %reduce_max3A_1830 = vector.extract %reduce_max3A_1829[15] : i32 from vector<16xi32>
      %reduce_max3A_1831 = arith.constant true
      %reduce_max3A_1832 = vector.broadcast %reduce_max3A_1831 : i1 to vector<16xi1>
      %reduce_max3A_1833 = arith.constant -2147483648 : i32
      %reduce_max3A_1834 = vector.broadcast %reduce_max3A_1833 : i32 to vector<16xi32>
      %reduce_max3A_1835 = arith.xori %add3A_1817, %reduce_max3A_1834 : vector<16xi32>
      %reduce_max3A_1836 = tpu.scan <max>, %reduce_max3A_1835 masked %reduce_max3A_1832 : vector<16xi32>, vector<16xi1> -> vector<16xi32>
      %reduce_max3A_1837 = arith.xori %reduce_max3A_1836, %reduce_max3A_1834 : vector<16xi32>
      %reduce_max3A_1838 = vector.extract %reduce_max3A_1837[15] : i32 from vector<16xi32>
      %sub3A_1839 = arith.constant 1 : i32
      %sub3A_1840 = arith.subi %reduce_max3A_1838, %sub3A_1839 : i32
      %sub3A_1841 = arith.subi %sub3A_1358, %reduce_max3A_1830 : i32
      %reduce_max3A_1842 = arith.constant true
      %reduce_max3A_1843 = vector.broadcast %reduce_max3A_1842 : i1 to vector<16xi1>
      %reduce_max3A_1844 = arith.constant -2147483648 : i32
      %reduce_max3A_1845 = vector.broadcast %reduce_max3A_1844 : i32 to vector<16xi32>
      %reduce_max3A_1846 = arith.xori %gather3A_1822, %reduce_max3A_1845 : vector<16xi32>
      %reduce_max3A_1847 = tpu.scan <max>, %reduce_max3A_1846 masked %reduce_max3A_1843 : vector<16xi32>, vector<16xi1> -> vector<16xi32>
      %reduce_max3A_1848 = arith.xori %reduce_max3A_1847, %reduce_max3A_1845 : vector<16xi32>
      %reduce_max3A_1849 = vector.extract %reduce_max3A_1848[15] : i32 from vector<16xi32>
      %sub3A_1850 = arith.subi %reduce_max3A_1849, %reduce_max3A_1830 : i32
      %shift_left3A_1851 = arith.constant 0 : i32
      %shift_left3A_1852 = arith.shli %sub3A_1840, %shift_left3A_1851 : i32
      %or3A_1853 = arith.ori %or3A_1370, %shift_left3A_1852 : i32
      %xor3A = arith.constant -2147483648 : i32
      %xor3A_1854 = arith.xori %or3A_1853, %xor3A : i32
      %scan3A_1855 = arith.constant 0 : i32
      %scan3A_1856 = arith.constant 2048 : i32
      %scan3A_1857 = arith.addi %scan3A_1855, %scan3A_1856 : i32
      %scan3A_1858 = arith.constant 1 : i32
      %scan3A_1859:2 = scf.for %scan3A_1861 = %scan3A_1855 to %scan3A_1857 step %scan3A_1858 iter_args(%scan3A_1862 = %broadcast_in_dim3A_3, %scan3A_1863 = %broadcast_in_dim3A_3) -> (vector<16xi32>, vector<16xi32>)  : i32 {
        %mul3A_1864 = arith.constant 16 : i32
        %mul3A_1865 = arith.muli %scan3A_1861, %mul3A_1864 : i32
        %get3A_1866 = arith.index_cast %mul3A_1865 : i32 to index
        %get3A_1867 = tpu.vector_load %arg4[%get3A_1866] {strides = array<i32>} : memref<32768xf32, #tpu.memory_space<vmem>>, vector<16xf32>,
        %bitcast_convert_type3A = tpu.bitcast %get3A_1867 : vector<16xf32> -> vector<16xi32>
        %shift_right_arithmetic3A = arith.constant 31 : i32
        %shift_right_arithmetic3A_1868 = vector.broadcast %shift_right_arithmetic3A : i32 to vector<16xi32>
        %shift_right_arithmetic3A_1869 = arith.shrsi %bitcast_convert_type3A, %shift_right_arithmetic3A_1868 : vector<16xi32>
        %and3A_1870 = arith.constant 2147483647 : i32
        %and3A_1871 = vector.broadcast %and3A_1870 : i32 to vector<16xi32>
        %and3A_1872 = arith.andi %bitcast_convert_type3A, %and3A_1871 : vector<16xi32>
        %xor3A_1873 = arith.xori %and3A_1872, %shift_right_arithmetic3A_1869 : vector<16xi32>
        %sub3A_1874 = arith.subi %xor3A_1873, %shift_right_arithmetic3A_1869 : vector<16xi32>
        %gt3A = vector.broadcast %xor3A_1854 : i32 to vector<16xi32>
        %gt3A_1875 = arith.cmpi sgt, %sub3A_1874, %gt3A : vector<16xi32>
        %eq3A = vector.broadcast %xor3A_1854 : i32 to vector<16xi32>
        %eq3A_1876 = arith.cmpi eq, %sub3A_1874, %eq3A : vector<16xi32>
        %convert_element_type3A = arith.extui %eq3A_1876 : vector<16xi1> to vector<16xi32>
        %broadcast_in_dim3A_1877 = arith.constant true
        %broadcast_in_dim3A_1878 = vector.broadcast %broadcast_in_dim3A_1877 : i1 to vector<16xi1>
        %masked_cumsum3A_1879 = tpu.scan <sum>, %convert_element_type3A masked %broadcast_in_dim3A_1878 : vector<16xi32>, vector<16xi1> -> vector<16xi32>
        %add3A_1880 = arith.addi %scan3A_1863, %masked_cumsum3A_1879 : vector<16xi32>
        %le3A = vector.broadcast %sub3A_1841 : i32 to vector<16xi32>
        %le3A_1881 = arith.cmpi sle, %add3A_1880, %le3A : vector<16xi32>
        %and3A_1882 = arith.andi %eq3A_1876, %le3A_1881 : vector<16xi1>
        %or3A_1883 = arith.ori %gt3A_1875, %and3A_1882 : vector<16xi1>
        %convert_element_type3A_1884 = arith.extui %or3A_1883 : vector<16xi1> to vector<16xi32>
        %broadcast_in_dim3A_1885 = arith.constant true
        %broadcast_in_dim3A_1886 = vector.broadcast %broadcast_in_dim3A_1885 : i1 to vector<16xi1>
        %masked_cumsum3A_1887 = tpu.scan <sum>, %convert_element_type3A_1884 masked %broadcast_in_dim3A_1886 : vector<16xi32>, vector<16xi1> -> vector<16xi32>
        %sub3A_1888 = arith.subi %masked_cumsum3A_1887, %convert_element_type3A_1884 : vector<16xi32>
        %add3A_1889 = arith.addi %scan3A_1862, %sub3A_1888 : vector<16xi32>
        tpu.vector_store_idx %arg8[%add3A_1889], %get3A_1867 masked %or3A_1883 : memref<1040xf32, #tpu.memory_space<vmem>>[vector<16xi32>], vector<16xf32>, vector<16xi1>
        %all_reduce_population_count3A_1890 = tpu.all_reduce %or3A_1883 {dim = 0 : i64, kind = #tpu.reduction_kind<sum>} : vector<16xi1> -> vector<16xi32>
        %add3A_1891 = arith.addi %scan3A_1862, %all_reduce_population_count3A_1890 : vector<16xi32>
        %all_reduce_population_count3A_1892 = tpu.all_reduce %eq3A_1876 {dim = 0 : i64, kind = #tpu.reduction_kind<sum>} : vector<16xi1> -> vector<16xi32>
        %add3A_1893 = arith.addi %scan3A_1863, %all_reduce_population_count3A_1892 : vector<16xi32>
        scf.yield %add3A_1891, %add3A_1893 : vector<16xi32>, vector<16xi32>
      }
      %scan3A_1860 = arith.constant 2048 : i32
      "tpu.region"() ({
        %run_scoped3A = tpu.sem_alloc : memref<!tpu.dma_semaphore, #tpu.memory_space<semaphore_mem>>
        %dma_start3A = arith.constant 0 : i32
        %dma_start3A_1861 = tpu.memref_slice %arg8[%dma_start3A] : memref<1040xf32, #tpu.memory_space<vmem>> -> memref<1024xf32, #tpu.memory_space<vmem>>
        %dma_start3A_1862 = arith.constant 0 : i32
        %dma_start3A_1863 = tpu.memref_slice %arg3[%add3A_12, %dma_start3A_1862] : memref<128x1024xf32, #tpu.memory_space<hbm>> -> memref<1x1024xf32, #tpu.memory_space<hbm>>
        %dma_start3A_1864 = tpu.memref_squeeze %dma_start3A_1863 : memref<1x1024xf32, #tpu.memory_space<hbm>> -> memref<1024xf32, #tpu.memory_space<hbm>>
        %dma_start3A_1865 = arith.constant 0 : i32
        %dma_start3A_1866 = tpu.memref_slice %arg3[%add3A_12, %dma_start3A_1865] : memref<128x1024xf32, #tpu.memory_space<hbm>> -> memref<1x1024xf32, #tpu.memory_space<hbm>>
        %dma_start3A_1867 = tpu.memref_squeeze %dma_start3A_1866 : memref<1x1024xf32, #tpu.memory_space<hbm>> -> memref<1024xf32, #tpu.memory_space<hbm>>
        %dma_start3A_1868 = arith.constant 0 : i32
        %dma_start3A_1869 = tpu.memref_slice %arg8[%dma_start3A_1868] : memref<1040xf32, #tpu.memory_space<vmem>> -> memref<1024xf32, #tpu.memory_space<vmem>>
        tpu.enqueue_dma source(%dma_start3A_1869 : memref<1024xf32, #tpu.memory_space<vmem>>) target(%dma_start3A_1867 : memref<1024xf32, #tpu.memory_space<hbm>>) target_semaphore(%run_scoped3A : memref<!tpu.dma_semaphore, #tpu.memory_space<semaphore_mem>>)
        %dma_wait3A = arith.constant 0 : i32
        %dma_wait3A_1870 = tpu.memref_slice %arg8[%dma_wait3A] : memref<1040xf32, #tpu.memory_space<vmem>> -> memref<1024xf32, #tpu.memory_space<vmem>>
        %dma_wait3A_1871 = arith.constant 0 : i32
        %dma_wait3A_1872 = tpu.memref_slice %arg3[%add3A_12, %dma_wait3A_1871] : memref<128x1024xf32, #tpu.memory_space<hbm>> -> memref<1x1024xf32, #tpu.memory_space<hbm>>
        %dma_wait3A_1873 = tpu.memref_squeeze %dma_wait3A_1872 : memref<1x1024xf32, #tpu.memory_space<hbm>> -> memref<1024xf32, #tpu.memory_space<hbm>>
        %dma_wait3A_1874 = arith.constant 0 : i32
        %dma_wait3A_1875 = tpu.memref_slice %arg3[%add3A_12, %dma_wait3A_1874] : memref<128x1024xf32, #tpu.memory_space<hbm>> -> memref<1x1024xf32, #tpu.memory_space<hbm>>
        %dma_wait3A_1876 = tpu.memref_squeeze %dma_wait3A_1875 : memref<1x1024xf32, #tpu.memory_space<hbm>> -> memref<1024xf32, #tpu.memory_space<hbm>>
        %dma_wait3A_1877 = arith.constant 0 : i32
        %dma_wait3A_1878 = tpu.memref_slice %arg8[%dma_wait3A_1877] : memref<1040xf32, #tpu.memory_space<vmem>> -> memref<1024xf32, #tpu.memory_space<vmem>>
        tpu.wait_dma2 semaphore(%run_scoped3A : memref<!tpu.dma_semaphore, #tpu.memory_space<semaphore_mem>>) src(%dma_wait3A_1878 : memref<1024xf32, #tpu.memory_space<vmem>>) dst(%dma_wait3A_1876 : memref<1024xf32, #tpu.memory_space<hbm>>)
        tpu.yield
      }) : () -> ()
    }
    %scan3A_8 = arith.constant 4 : i32
    return
  }
}

</mosaic_0001>

<sc_bundles>
// kernel: kernel.3.cloned.1.call-start
scs
__scs_entry_jumppad:
0x0: {  	(pc) =	sbr.rel $0x88, $3  }
0x1: {  	(tag) =	ssettag $0x0;
	lr =	simm.s32 $0x1  }
0x2: {  	[smem:$0x3FA0] =	sst lr;
	_ =	strace $0xD0000000  }
0x3: {  	_ = 	snop  }
0x4: {  	_ = 	snop  }
0x5: {  	_ = 	snop  }
0x6: {  	_ = 	snop  }
0x7: {  	_ = 	snop  }
__scs_overlays_trampoline_lowered:
0x8: {  	[smem:$0x3FAF] =	sst s0  }
0x9: {  	[smem:$0x3FB0] =	sst s1  }
0xa: {  	[smem:$0x3FB1] =	sst s2  }
0xb: {  	[smem:$0x3FB2] =	sst s3  }
0xc: {  	[smem:$0x3FB3] =	sst s4  }
0xd: {  	[smem:$0x3FB4] =	sst s5  }
0xe: {  	[smem:$0x3FB5] =	sst s6  }
0xf: {  	[smem:$0x3FB6] =	sst s7  }
0x10: {  	[smem:$0x3FB7] =	sst s8  }
0x11: {  	[smem:$0x3FB8] =	sst s9;
	s0 =	simm.s32 @!p0 $0x0  }
0x12: {  	s1 =	sld [smem:$0x3F9E];
	s0 =	simm.s32 @p0 $0x1  }
0x13: {  	[smem:$0x3FB9] =	sst s0;
	s0 =	simm.s32 @!p1 $0x0  }
0x14: {  	s2 =	sld [smem:$0x3F9D];
	s0 =	simm.s32 @p1 $0x1  }
0x15: {  	[smem:$0x3FBA] =	sst s0;
	s0 =	simm.s32 @!p2 $0x0  }
0x16: {  	s3 =	sld [smem:$0x3FDB];
	s0 =	simm.s32 @p2 $0x1  }
0x17: {  	s4 =	simm.s32 $0x1BF5;
	[smem:$0x3FBC] =	sst s0  }
0x18: {  	s0 =	sld [smem:$0x3F9F];
	_ =	swait.ge [sflag:s4], $0x0  }
0x19: {  	s7 =	sld [smem:$0x3FA0]  }
0x1a: {  	s8 =	sadd.s32 $0xFFFFE003, lr  }
0x1b: {  	s9 =	sadd.s32 $0xFFFFFEF7, lr;
	s5 =	simm.s32 $0xFFFFFFFF;
	p2 =	slt.u32 s8, $0xFFFFF086  }
0x1c: {  	p1 =	slt.u32 s9, $0xF7A;
	s5 =	simm.s32 @!p2 $0x0  }
0x1d: {  	s5 =	simm.s32 @p1 $0x1;
	p0 =	seq.s32 s7, s2  }
0x1e: {  	s7 =	smul.u32 @!p0 $0xF7A, s2;
	p2 =	seq.s32 @!p0 s5, $0x0  }
0x1f: {  	s9 =	smul.u32 $0xF7A, s1;
	s8 =	simm.s32 @!p0 $0x1BF5;
	p2 =	por !p2, p0  }
0x20: {  	[sflag:s8] =	ssyncset.s32 @!p0 $0xFFFFF086;
	s6 =	sadd.s32 @!p0 s3, s7;
	s7 =	simm.s32 @!p0 $0x108  }
0x21: {  	s3 =	sadd.s32 s3, s9;
	s6 =	sadd.s32 @!p0 $0x88, s6;
	s7 =	simm.s32 @p2 $0x1082  }
0x22: {  	[simem:s7], [sflag:s8] =	dma.local @!p0 [hbm:s6], $0xF7A  }
0x23: {  	s9 =	sor.u32 $0xD0000000, s2;
	s6 =	simm.s32 $0x108;
	_ =	swait.ge @!p0 [sflag:s8], $0x0  }
0x24: {  	s3 =	sadd.s32 $0x88, s3;
	s6 =	simm.s32 @!p1 $0x1082;
	[sflag:s4] =	ssyncset.s32 $0xFFFFF086  }
0x25: {  	[simem:s6], [sflag:s4] =	dma.local [hbm:s3], $0xF7A  }
0x26: {  	[smem:$0x3FA0] =	sst s1;
	(tag) =	ssettag s2;
	_ =	strace s9  }
0x27: {  	s1 =	sld [smem:$0x3FB0]  }
0x28: {  	s2 =	sld [smem:$0x3FB1]  }
0x29: {  	s4 =	sld [smem:$0x3FB3]  }
0x2a: {  	p0 =	seq.s32 s5, $0x0;
	s5 =	sld [smem:$0x3FB4]  }
0x2b: {  	s6 =	sld [smem:$0x3FB5]  }
0x2c: {  	s7 =	sld [smem:$0x3FB6]  }
0x2d: {  	s3 =	simm.s32 $0x108;
	s8 =	sld [smem:$0x3FB7]  }
0x2e: {  	s3 =	simm.s32 @!p0 $0x1082;
	s9 =	sld [smem:$0x3FB8]  }
0x2f: {  	lr =	sadd.s32 s0, s3;
	s0 =	sld [smem:$0x3FAF]  }
0x30: {  	s3 =	sld [smem:$0x3FB2]  }
0x31: {  	[smem:$0x3FBB] =	sst s10  }
0x32: {  	s10 =	sld [smem:$0x3FB9];
	_ =	sdelay $0x3  }
0x33: {  	p0 =	seq.s32 s10, $0x1;
	s10 =	sld [smem:$0x3FBB];
	_ =	sdelay $0x3  }
0x34: {  	[smem:$0x3FBB] =	sst s10  }
0x35: {  	s10 =	sld [smem:$0x3FBA];
	_ =	sdelay $0x3  }
0x36: {  	p1 =	seq.s32 s10, $0x1;
	s10 =	sld [smem:$0x3FBB];
	_ =	sdelay $0x3  }
0x37: {  	[smem:$0x3FBB] =	sst s10  }
0x38: {  	s10 =	sld [smem:$0x3FBC]  }
0x39: {  	_ = 	snop;
	(pc) =	sbr.ind lr, $3  }
0x3a: {  	_ = 	snop  }
0x3b: {  	_ = 	snop  }
0x3c: {  	p2 =	seq.s32 s10, $0x1;
	s10 =	sld [smem:$0x3FBB]  }
0x3d: {  	_ =	shalt  }
0x3e: {  	_ =	shalt  }
0x3f: {  	_ =	shalt  }
0x40: {  	_ =	shalt  }
0x41: {  	_ =	shalt  }
0x42: {  	_ =	shalt  }
0x43: {  	_ =	shalt  }
0x44: {  	_ =	shalt  }
0x45: {  	_ =	shalt  }
0x46: {  	_ =	shalt  }
0x47: {  	_ =	shalt  }
0x48: {  	_ =	shalt  }
0x49: {  	_ =	shalt  }
0x4a: {  	_ =	shalt  }
0x4b: {  	_ =	shalt  }
0x4c: {  	_ =	shalt  }
0x4d: {  	_ =	shalt  }
0x4e: {  	_ =	shalt  }
0x4f: {  	_ =	shalt  }
0x50: {  	_ =	shalt  }
0x51: {  	_ =	shalt  }
0x52: {  	_ =	shalt  }
0x53: {  	_ =	shalt  }
0x54: {  	_ =	shalt  }
0x55: {  	_ =	shalt  }
0x56: {  	_ =	shalt  }
0x57: {  	_ =	shalt  }
0x58: {  	_ =	shalt  }
0x59: {  	_ =	shalt  }
0x5a: {  	_ =	shalt  }
0x5b: {  	_ =	shalt  }
0x5c: {  	_ =	shalt  }
0x5d: {  	_ =	shalt  }
0x5e: {  	_ =	shalt  }
0x5f: {  	_ =	shalt  }
0x60: {  	_ =	shalt  }
0x61: {  	_ =	shalt  }
0x62: {  	_ =	shalt  }
0x63: {  	_ =	shalt  }
0x64: {  	_ =	shalt  }
0x65: {  	_ =	shalt  }
0x66: {  	_ =	shalt  }
0x67: {  	_ =	shalt  }
0x68: {  	_ =	shalt  }
0x69: {  	_ =	shalt  }
0x6a: {  	_ =	shalt  }
0x6b: {  	_ =	shalt  }
0x6c: {  	_ =	shalt  }
0x6d: {  	_ =	shalt  }
0x6e: {  	_ =	shalt  }
0x6f: {  	_ =	shalt  }
0x70: {  	_ =	shalt  }
0x71: {  	_ =	shalt  }
0x72: {  	_ =	shalt  }
0x73: {  	_ =	shalt  }
0x74: {  	_ =	shalt  }
0x75: {  	_ =	shalt  }
0x76: {  	_ =	shalt  }
0x77: {  	_ =	shalt  }
0x78: {  	_ =	shalt  }
0x79: {  	_ =	shalt  }
0x7a: {  	_ =	shalt  }
0x7b: {  	_ =	shalt  }
0x7c: {  	_ =	shalt  }
0x7d: {  	_ =	shalt  }
0x7e: {  	_ =	shalt  }
0x7f: {  	_ =	shalt  }
0x80: {  	_ =	shalt  }
0x81: {  	_ =	shalt  }
0x82: {  	_ =	shalt  }
0x83: {  	_ =	shalt  }
0x84: {  	_ =	shalt  }
0x85: {  	_ =	shalt  }
0x86: {  	_ =	shalt  }
0x87: {  	_ =	shalt  }
.Lfunc_end0:
.L_simem_size_0:
called_computation_lowered:
.L_overlay_start_0:
0x88: {  	s2 =	sld [smem:$0x3FD9]  }
0x89: {  	s3 =	sld [smem:$0x3FFE];
	_ =	sdelay $0x1  }
0x8a: {  	s1 =	srdreg.scid  }
0x8b: {  	s0 =	sand.u32 $0x1, s1  }
0x8c: {  	s18 =	sshll.u32 s0, $0xA;
	s2 =	sadd.s32 s3, s2  }
0x8d: {  	s2 =	sadd.s32 s2, s18  }
0x8e: {  	[smem:$0x3FC7] =	sst s2  }
0x8f: {  	_ = 	snop  }
0x90: {  	s2 =	sld [smem:$0x3FC9]  }
0x91: {  	s19 =	sld [smem:$0x3FD0];
	(tm) =	ssettm $0x1  }
0x92: {  	s4 =	sld [smem:$0x3FFB];
	_ =	sdelay $0x3  }
0x93: {  	_ =	strace s4  }
0x94: {  	s4 =	sld [smem:$0x3FFC];
	_ =	sdelay $0x3  }
0x95: {  	_ =	strace s4  }
0x96: {  	s4 =	sld [smem:$0x3FFD];
	_ =	sdelay $0x3  }
0x97: {  	_ =	strace s4  }
0x98: {  	_ =	strace $0x8FFFFFFF  }
0x99: {  	s20 =	sld [smem:$0x3FDB];
	_ =	sdelay $0x1  }
0x9a: {  	s5 =	simm.s32 $_scs_section_size  }
0x9b: {  	s6 =	simm.s32 $_size__tile_overlayer_lowered;
	s7 =	simm.s32 $_tile_overlayer_lowered  }
0x9c: {  	s23 =	simm.s32 $0x1BFF;
	s22 =	sshll.u32 s7, $0x1;
	s4 =	sadd.s32 s5, s20  }
0x9d: {  	s8 =	simm.s32 $0x0;
	s21 =	sshll.u32 s6, $0x1;
	s6 =	sadd.s32 s22, s4  }
0x9e: {  	[timem:s8], [sflag:s23] =	dma.local [hbm:s6], s21  }
0x9f: {  	_ =	swait.ge [sflag:s23], s21  }
0xa0: {  	s5 =	ssub.s32 $0x0, s21;
	[sflag:s23] =	ssyncset.done $0x0  }
0xa1: {  	[sflag:s23] =	ssyncadd.s32 s5;
	_ =	sdelay $0x1  }
0xa2: {  	s24 =	simm.s32 $0x1B8B  }
0xa3: {  	_ =	swait.ge [sflag:s24], $0x1  }
0xa4: {  	[sflag:s24] =	ssyncset.done $0x0  }
0xa5: {  	s25 =	simm.s32 $0x1B8E;
	[sflag:s24] =	ssyncadd.s32 $0xFFFFFFFF  }
0xa6: {  	s26 =	simm.s32 $execute0_lowered;
	[smem:$0x3FD2] =	sst s25  }
0xa7: {  	s5 =	sshll.u32 s26, $0x1;
	_ =	strace $0x80000046;
	[dreg:$0x1] =	wrdreg $0xFFFFFFFF  }
0xa8: {  	s28 =	simm.s32 $_size_execute0_lowered;
	s4 =	sadd.s32 s4, s5;
	[dreg:$0x0] =	wrdreg $0x0  }
0xa9: {  	s5 =	sshll.u32 s28, $0x1;
	[dreg:$0x2] =	wrdreg s4  }
0xaa: {  	[dreg:$0x3] =	wrdreg s5  }
0xab: {  	[dreg:$0x4] =	wrdreg $0xC0  }
0xac: {  	_ =	task [dreg:s8], $0x5FFFF  }
0xad: {  	[dreg:$0x1] =	wrdreg $0xFFFFFFFF  }
0xae: {  	[dreg:$0x0] =	wrdreg $0x60  }
0xaf: {  	[dreg:$0x2] =	wrdreg s2  }
0xb0: {  	[dreg:$0x3] =	wrdreg s19  }
0xb1: {  	[dreg:$0x4] =	wrdreg $0x9  }
0xb2: {  	_ =	task.clear_ibuf [dreg:s8], $0x5FFFF;
	_ =	strace $0x90000046  }
0xb3: {  	s29 =	simm.s32 $0x9;
	_ =	strace $0x80000048  }
0xb4: {  	_ =	swait.ge [sflag:s29], $0x1  }
0xb5: {  	[sflag:s29] =	ssyncadd.s32 $0xFFFFFFFF  }
0xb6: {  	_ =	strace $0x90000048  }
0xb7: {  	_ =	sfence  }
0xb8: {  	s30 =	sld [smem:$0x0];
	_ =	sdelay $0x2  }
0xb9: {  	s31 =	sshll.u32 s1, $0xD;
	s1 =	sshrl.u32 s1, $0x2  }
0xba: {  	s3 =	sand.u32 $0x4000, s31;
	s1 =	sadd.s32 s1, s30  }
0xbb: {  	s0 =	sor.u32 s3, s0;
	s1 =	sshll.u32 s1, $0x11  }
0xbc: {  	s0 =	sor.u32 s1, s0  }
0xbd: {  	s0 =	sadd.s32 $0x8F2B, s0  }
0xbe: {  	[sflag:s0] =	ssyncadd.remote.s32 $0x1  }
0xbf: {  	_ =	sfence.sel $0xFFFF  }
0xc0: {  	[dreg:$0x0] =	wrdreg $0xFFFFFFFF;
	(pc) =	sbr.abs _section_cstart, $3  }
0xc1: {  	[dreg:$0x1] =	wrdreg $0xFFFFFFFF  }
0xc2: {  	_ =	task.clear_ibuf [dreg:s8], $0x2FFFF;
	_ =	strace $0x9FFFFFFF  }
0xc3: {  	(tm) =	ssettm $0x7FFFFFFF  }
tec
execute0_lowered:
.L_overlay_start_1:
0x0: {  	(tag) =	ssettag $0x1  }
0x1: {  	s1 =	rddreg [dreg:$0x0]  }
0x2: {  	s2 =	rddreg [dreg:$0x1];
	s4 =	srdreg.scid  }
0x3: {  	s0 =	rddreg [dreg:$0x2];
	s3 =	simm.s32 $0x0;
	s9 =	simm.s32 $0x80  }
0x4: {  	s10 =	simm.s32 $0x400;
	s11 =	simm.s32 $0x1;
	s12 =	simm.s32 $0x11080  }
.Ltmp0:
0x5: {  	s13 =	simm.s32 $0x8000;
	s5 =	sand.u32 $0x1, s4;
	(pc) =	sbr.rel .LBB2_1-.Ltmp0, $4  }
0x6: {  	v0 =	vlaneseq.u32;
	s14 =	simm.s32 $0x10080;
	s15 =	simm.s32 $0x11200;
	s6 =	ssub.s32 $0x2, s5  }
0x7: {  	[smem:$0x7FF] =	sst s3;
	s4 =	stileid.u32;
	v2 =	vmul.u32 $0x2, v0;
	s7 =	sshrl.u32 s6, $0x1  }
0x8: {  	_ =	strace $0x80000047;
	s5 =	sshll.u32 s5, $0x9;
	s8 =	ssub.s32 s6, s7  }
0x9: {  	v1 =	vimm.s32 $0x0;
	v3 =	vimm.s32 $0x1;
	v2 =	vor.u32 $0x1, v2;
	s6 =	sshll.u32 s4, $0x12;
	s7 =	sshll.u32 s4, $0xD;
	s8 =	smax.u32 s8, $0x1  }
.LBB2_84:
0xa: {  	s3 =	sadd.s32 $0x1, s3  }
0xb: {  	p0 =	sne.s32 s3, s8  }
.Ltmp1:
0xc: {  	_ = 	snop;
	(pc) =	sbr.rel @!p0 .LBB2_85-.Ltmp1, $1  }
0xd: {  	_ =	sdelay $0x3  }
.LBB2_1:
0xe: {  	s16 =	simm.s32 $0x0  }
.LBB2_2:
0xf: {  	s17 =	sshll.u32 s16, $0x7  }
0x10: {  	s17 =	sadd.s32 s5, s17  }
0x11: {  	s18 =	sadd.s32 s6, s17  }
0x12: {  	s18 =	sshrl.u32 s18, $0x3  }
0x13: {  	s19 =	simm.s32 $0x0;
	s18 =	sadd.s32 s1, s18  }
0x14: {  	[tilespmem:s19], [sflag:$0x1] =	stream.strided.gather [hbm4b:s18+s9], $0x8000, s10, s9, $0x38;
	[tilespmem:$0x11680] =	vst v63  }
0x15: {  	_ =	swait.ge [sflag:s11], $0x8000  }
0x16: {  	[sflag:s11] =	ssyncset.done $0x0  }
0x17: {  	s18 =	simm.s32 $0x40;
	s19 =	simm.s32 $0x0;
	[sflag:s11] =	ssyncadd.s32 $0xFFFF8000  }
.LBB2_3:
0x18: {  	p0 =	sne.s32 s18, $0x3FC0;
	[tilespmem:s19+$0x10080] =	vst v1;
	s19 =	smov.u32 s18;
	s18 =	sadd.s32 $0x40, s18  }
.Ltmp2:
0x19: {  	(pc) =	sbr.rel @p0 .LBB2_3-.Ltmp2, $2  }
0x1a: {  	_ =	sdelay $0x2  }
0x1b: {  	s19 =	sshra.s32 s19, $0x2  }
0x1c: {  	[tilespmem:s19+$0x10080] =	vst v1;
	s20 =	simm.s32 $0x0;
	s19 =	simm.s32 $0x40  }
.LBB2_5:
0x1d: {  	p0 =	sne.s32 s19, $0x1FFC0;
	v4 =	vld [tilespmem:s20+$0x0];
	_ =	sdelay $0x4  }
0x1e: {  	v5 =	vshra.s32 v4, $0x1F;
	v4 =	vand.u32 $0x7FFFFFFF, v4  }
0x1f: {  	v4 =	vxor.u32 v5, v4  }
0x20: {  	v4 =	vsub.s32 v4, v5  }
0x21: {  	v5 =	vshrl.u32 v4, $0x1F  }
0x22: {  	v4 =	vshrl.u32 v4, $0x18;
	v5 =	vxor.u32 v2, v5  }
0x23: {  	v4 =	vand.u32 $0x7F, v4;
	v5 =	vshll.u32 v5, $0x7  }
0x24: {  	v4 =	vor.u32 v4, v5  }
.Ltmp3:
0x25: {  	(pc) =	sbr.rel @p0 .LBB2_5-.Ltmp3, $3  }
0x26: {  	_ =	sdelay $0x1  }
0x27: {  	s18 =	simm.s32 $0x10080  }
0x28: {  	s20 =	sshra.s32 s19, $0x2;
	s19 =	sadd.s32 $0x40, s19;
	[tilespmem:v4+s18+$0x0] =	vst.idx.add.s32.msk $0xffff, v3  }
0x29: {  	v4 =	vld [tilespmem:s20+$0x0];
	_ =	sdelay $0x4  }
0x2a: {  	v5 =	vshra.s32 v4, $0x1F;
	v4 =	vand.u32 $0x7FFFFFFF, v4  }
0x2b: {  	v4 =	vxor.u32 v5, v4  }
0x2c: {  	v4 =	vsub.s32 v4, v5  }
0x2d: {  	v5 =	vshrl.u32 v4, $0x1F  }
0x2e: {  	v4 =	vshrl.u32 v4, $0x18;
	v5 =	vxor.u32 v2, v5  }
0x2f: {  	v4 =	vand.u32 $0x7F, v4;
	v5 =	vshll.u32 v5, $0x7  }
0x30: {  	v4 =	vor.u32 v4, v5;
	_ =	sdelay $0x3  }
0x31: {  	s19 =	simm.s32 $0x0  }
0x32: {  	s31 =	sand.u32 $0x7F0, s19;
	[tilespmem:v4+s18+$0x0] =	vst.idx.add.s32.msk $0xffff, v3  }
0x33: {  	s21 =	simm.s32 $0x10;
	s20 =	simm.s32 $0x10080;
	v4 =	vld [tilespmem:s31+$0x10880]  }
.LBB2_7:
0x34: {  	p0 =	sne.s32 s21, $0x7F0;
	v5 =	vld [tilespmem:s20+$0x0];
	_ =	sdelay $0x2  }
.Ltmp4:
0x35: {  	(pc) =	sbr.rel @p0 .LBB2_7-.Ltmp4, $4  }
0x36: {  	_ = 	snop  }
0x37: {  	v4 =	vadd.s32 v5, v4  }
0x38: {  	s22 =	sand.u32 $0x7F0, s21;
	[tilespmem:s20+$0x0] =	vst v4  }
0x39: {  	s21 =	sadd.s32 $0x10, s21;
	s20 =	sadd.s32 $0x10, s20;
	v4 =	vld [tilespmem:s22+$0x10880]  }
0x3a: {  	v5 =	vld [tilespmem:s20+$0x0];
	_ =	sdelay $0x4  }
0x3b: {  	v4 =	vadd.s32 v5, v4  }
0x3c: {  	s19 =	sand.u32 $0x3F0, s19;
	[tilespmem:s20+$0x0] =	vst v4  }
0x3d: {  	v4 =	vld [tilespmem:s19+$0x10480];
	s19 =	simm.s32 $0x10  }
.LBB2_9:
0x3e: {  	p0 =	sne.s32 s19, $0x3F0;
	v5 =	vld [tilespmem:s18+$0x0];
	_ =	sdelay $0x2  }
.Ltmp5:
0x3f: {  	(pc) =	sbr.rel @p0 .LBB2_9-.Ltmp5, $4  }
0x40: {  	_ = 	snop  }
0x41: {  	v4 =	vadd.s32 v5, v4  }
0x42: {  	s20 =	sand.u32 $0x3F0, s19;
	[tilespmem:s18+$0x0] =	vst v4  }
0x43: {  	s19 =	sadd.s32 $0x10, s19;
	s18 =	sadd.s32 $0x10, s18;
	v4 =	vld [tilespmem:s20+$0x10480]  }
0x44: {  	v5 =	vld [tilespmem:s18+$0x0];
	_ =	sdelay $0x4  }
0x45: {  	s19 =	simm.s32 $0x0;
	v4 =	vadd.s32 v5, v4  }
0x46: {  	s20 =	sand.u32 $0x1F0, s19;
	[tilespmem:s18+$0x0] =	vst v4  }
0x47: {  	s21 =	simm.s32 $0x10;
	s18 =	simm.s32 $0x10080;
	v4 =	vld [tilespmem:s20+$0x10280];
	s20 =	simm.s32 $0x10080  }
.LBB2_11:
0x48: {  	p0 =	sne.s32 s21, $0x1F0;
	v5 =	vld [tilespmem:s20+$0x0];
	_ =	sdelay $0x2  }
.Ltmp6:
0x49: {  	(pc) =	sbr.rel @p0 .LBB2_11-.Ltmp6, $4  }
0x4a: {  	_ = 	snop  }
0x4b: {  	v4 =	vadd.s32 v5, v4  }
0x4c: {  	s22 =	sand.u32 $0x1F0, s21;
	[tilespmem:s20+$0x0] =	vst v4  }
0x4d: {  	s21 =	sadd.s32 $0x10, s21;
	s20 =	sadd.s32 $0x10, s20;
	v4 =	vld [tilespmem:s22+$0x10280]  }
0x4e: {  	v5 =	vld [tilespmem:s20+$0x0];
	_ =	sdelay $0x4  }
0x4f: {  	v4 =	vadd.s32 v5, v4  }
0x50: {  	s19 =	sand.u32 $0xF0, s19;
	[tilespmem:s20+$0x0] =	vst v4  }
0x51: {  	v4 =	vld [tilespmem:s19+$0x10180];
	s19 =	simm.s32 $0x10  }
.LBB2_13:
0x52: {  	p0 =	sne.s32 s19, $0xF0;
	v5 =	vld [tilespmem:s18+$0x0];
	_ =	sdelay $0x2  }
.Ltmp7:
0x53: {  	(pc) =	sbr.rel @p0 .LBB2_13-.Ltmp7, $4  }
0x54: {  	_ = 	snop  }
0x55: {  	v4 =	vadd.s32 v5, v4  }
0x56: {  	s20 =	sand.u32 $0xF0, s19;
	[tilespmem:s18+$0x0] =	vst v4  }
0x57: {  	s19 =	sadd.s32 $0x10, s19;
	s18 =	sadd.s32 $0x10, s18;
	v4 =	vld [tilespmem:s20+$0x10180]  }
0x58: {  	v5 =	vld [tilespmem:s18+$0x0];
	_ =	sdelay $0x4  }
0x59: {  	v4 =	vadd.s32 v5, v4  }
0x5a: {  	[tilespmem:s18+$0x0] =	vst v4  }
0x5b: {  	v4 =	vld [tilespmem:$0x10080]  }
0x5c: {  	v5 =	vld [tilespmem:$0x10090]  }
0x5d: {  	v6 =	vld [tilespmem:$0x100A0];
	_ =	sdelay $0x2  }
0x5e: {  	(xrf0) =	vadd.scan.msk.s32 $0xffff, v4  }
0x5f: {  	(xrf0) =	vadd.scan.msk.s32 $0xffff, v5  }
0x60: {  	v7 =	vld [tilespmem:$0x100B0];
	(xrf0) =	vadd.scan.msk.s32 $0xffff, v6;
	_ =	sdelay $0x1  }
0x61: {  	v8 =	vld [tilespmem:$0x100C0];
	_ =	sdelay $0x1  }
0x62: {  	v9, _, _ =	vpop (xrf0)  }
0x63: {  	(v2sf) =	vpush v9, $0xF;
	v10, _, _ =	vpop (xrf0);
	(xrf0) =	vadd.scan.msk.s32 $0xffff, v7  }
0x64: {  	v12 =	vld [tilespmem:$0x100D0];
	(v2sf) =	vpush v10, $0xF;
	v11, _, _ =	vpop (xrf0)  }
0x65: {  	(xrf0) =	vadd.scan.msk.s32 $0xffff, v8;
	(v2sf) =	vpush v11, $0xF;
	_ =	sdelay $0x3  }
0x66: {  	v13 =	vld [tilespmem:$0x100E0];
	(xrf0) =	vadd.scan.msk.s32 $0xffff, v12;
	v14, _, _ =	vpop (xrf0)  }
0x67: {  	v16 =	vld [tilespmem:$0x100F0];
	(v2sf) =	vpush v14, $0xF  }
0x68: {  	v15, _, _ =	vpop (xrf0)  }
0x69: {  	(v2sf) =	vpush v15, $0xF;
	_ =	sdelay $0x1  }
0x6a: {  	v17 =	vld [tilespmem:$0x10100];
	(xrf0) =	vadd.scan.msk.s32 $0xffff, v13  }
0x6b: {  	v19 =	vsub.s32 $0x8000, v9;
	v18, _, _ =	vpop (xrf0);
	(xrf0) =	vadd.scan.msk.s32 $0xffff, v16  }
0x6c: {  	v20 =	vld [tilespmem:$0x10110];
	v19 =	vbroadcast v19, $0xF  }
0x6d: {  	v4 =	vsub.s32 v4, v9  }
0x6e: {  	v22 =	vld [tilespmem:$0x10120];
	v4 =	vadd.s32 $0x8000, v4;
	v5 =	vadd.s32 v5, v19;
	s29 =	spop (v2sf)  }
0x6f: {  	v52 =	vld [tilespmem:$0x10130];
	vm0 =	vgt.s32 v4, $0x3FF;
	v6 =	vsub.s32 v6, v11;
	v5 =	vsub.s32 v5, v10;
	(xrf0) =	vadd.scan.msk.s32 $0xffff, v17;
	s19 =	spop (v2sf)  }
0x70: {  	v10 =	vmpcnt.ones.xlane vm0;
	vm13 =	vgt.s32 v5, $0x3FF;
	v21, _, _ =	vpop (xrf0);
	(v2sf) =	vpush v18, $0xF;
	s18 =	sadd.s32 s29, s19;
	s30 =	spop (v2sf)  }
0x71: {  	v51 =	vmpcnt.ones.xlane vm13;
	(xrf0) =	vadd.scan.msk.s32 $0xffff, v20;
	v23, _, _ =	vpop (xrf0);
	(v2sf) =	vpush v21, $0xF;
	v9 =	vmov s18;
	s18 =	sadd.s32 s18, s30  }
0x72: {  	v24 =	vld [tilespmem:$0x10140];
	(v2sf) =	vpush v23, $0xF;
	v9 =	vsub.s32 $0x0, v9;
	v11 =	vmov s18  }
0x73: {  	v26 =	vld [tilespmem:$0x10150];
	v7 =	vsub.s32 v7, v14;
	v10 =	vadd.s32 v10, v51;
	(xrf0) =	vadd.scan.msk.s32 $0xffff, v22;
	v9 =	vbroadcast v9, $0x0  }
0x74: {  	v8 =	vsub.s32 v8, v15;
	v15 =	vld [tilespmem:$0x10160];
	v12 =	vsub.s32 v12, v18;
	v13 =	vsub.s32 v13, v21;
	(xrf0) =	vadd.scan.msk.s32 $0xffff, v52  }
0x75: {  	v16 =	vsub.s32 v16, v23;
	v6 =	vadd.s32 v9, v6;
	v9 =	vsub.s32 $0x0, v11;
	s31 =	spop (v2sf);
	v11, _, _ =	vpop (xrf0)  }
0x76: {  	v44 =	vld [tilespmem:$0x10170];
	v6 =	vadd.s32 $0x8000, v6;
	v9 =	vbroadcast v9, $0x0;
	s18 =	sadd.s32 s18, s31;
	(v2sf) =	vpush v11, $0xF  }
0x77: {  	(xrf0) =	vadd.scan.msk.s32 $0xffff, v24;
	s20 =	spop (v2sf);
	v25, _, _ =	vpop (xrf0);
	v11 =	vsub.s32 v17, v11;
	v53 =	vmov s18;
	vm14 =	vgt.s32 v6, $0x3FF  }
0x78: {  	(xrf0) =	vadd.scan.msk.s32 $0xffff, v26;
	s18 =	sadd.s32 s18, s20;
	(v2sf) =	vpush v25, $0xF;
	v38 =	vsub.s32 v20, v25;
	v7 =	vadd.s32 v9, v7  }
0x79: {  	v27, _, _ =	vpop (xrf0);
	(xrf0) =	vadd.scan.msk.s32 $0xffff, v15;
	v9 =	vsub.s32 $0x0, v53;
	v54 =	vmpcnt.ones.xlane vm14;
	v55 =	vmov s18  }
0x7a: {  	(v2sf) =	vpush v27, $0xF;
	v58, _, _ =	vpop (xrf0);
	v7 =	vadd.s32 $0x8000, v7;
	v9 =	vbroadcast v9, $0x0  }
0x7b: {  	v42 =	vsub.s32 v22, v27;
	(xrf0) =	vadd.scan.msk.s32 $0xffff, v44;
	v14 =	vsub.s32 v52, v58;
	vm15 =	vgt.s32 v7, $0x3FF  }
0x7c: {  	v8 =	vadd.s32 v9, v8;
	v9 =	vsub.s32 $0x0, v55;
	v28 =	vmpcnt.ones.xlane vm15  }
0x7d: {  	v10 =	vadd.s32 v54, v10;
	v29, _, _ =	vpop (xrf0);
	v8 =	vadd.s32 $0x8000, v8;
	v9 =	vbroadcast v9, $0x0  }
0x7e: {  	v63, _, _ =	vpop (xrf0);
	v53 =	vsub.s32 v24, v29;
	vm4 =	vgt.s32 v8, $0x3FF;
	v10 =	vadd.s32 v28, v10  }
0x7f: {  	s21 =	spop (v2sf);
	(v2sf) =	vpush v58, $0xF;
	v35, _, _ =	vpop (xrf0);
	v21 =	vsub.s32 v26, v63;
	v56 =	vmpcnt.ones.xlane vm4  }
0x80: {  	v9 =	vadd.s32 v9, v12;
	s18 =	sadd.s32 s18, s21;
	s22 =	spop (v2sf);
	(v2sf) =	vpush v29, $0xF;
	v15 =	vsub.s32 v15, v35  }
0x81: {  	v58, _, _ =	vpop (xrf0);
	v9 =	vadd.s32 $0x8000, v9;
	v57 =	vmov s18;
	s18 =	sadd.s32 s18, s22;
	s23 =	spop (v2sf);
	(v2sf) =	vpush v63, $0xF  }
0x82: {  	v19 =	vsub.s32 v44, v58;
	v12 =	vsub.s32 $0x0, v57;
	v60 =	vmov s18  }
0x83: {  	vm5 =	vgt.s32 v9, $0x3FF;
	s18 =	sadd.s32 s18, s23;
	v12 =	vbroadcast v12, $0x0;
	v61 =	vsub.s32 $0x0, v60  }
0x84: {  	v59 =	vmpcnt.ones.xlane vm5;
	v34 =	vmov s18;
	v62 =	vbroadcast v61, $0x0  }
0x85: {  	v18 =	vsub.s32 $0x0, v34;
	v12 =	vadd.s32 v12, v13;
	s24 =	spop (v2sf);
	(v2sf) =	vpush v35, $0xF  }
0x86: {  	v10 =	vadd.s32 v56, v10;
	v18 =	vbroadcast v18, $0x0;
	v12 =	vadd.s32 $0x8000, v12  }
0x87: {  	v10 =	vadd.s32 v59, v10;
	v13 =	vadd.s32 v62, v16;
	vm6 =	vgt.s32 v12, $0x3FF  }
0x88: {  	v13 =	vadd.s32 $0x8000, v13;
	v11 =	vadd.s32 v18, v11;
	v33 =	vmpcnt.ones.xlane vm6;
	s18 =	sadd.s32 s18, s24  }
0x89: {  	vm7 =	vgt.s32 v13, $0x3FF;
	s25 =	spop (v2sf);
	v11 =	vadd.s32 $0x8000, v11;
	v30 =	vmov s18  }
0x8a: {  	v36 =	vmpcnt.ones.xlane vm7;
	s20 =	spop (v2sf);
	s18 =	sadd.s32 s18, s25;
	vm8 =	vgt.s32 v11, $0x3FF;
	v37 =	vsub.s32 $0x0, v30  }
0x8b: {  	v10 =	vadd.s32 v33, v10;
	v39 =	vmov s18;
	s18 =	sadd.s32 s18, s20;
	v16 =	vbroadcast v37, $0x0  }
0x8c: {  	v43 =	vmpcnt.ones.xlane vm8;
	v40 =	vsub.s32 $0x0, v39;
	v41 =	vmov s18  }
0x8d: {  	v17 =	vbroadcast v40, $0x0;
	v18 =	vsub.s32 $0x0, v41;
	v16 =	vadd.s32 v16, v38  }
0x8e: {  	v10 =	vadd.s32 v36, v10;
	v18 =	vbroadcast v18, $0x0;
	v16 =	vadd.s32 $0x8000, v16  }
0x8f: {  	v10 =	vadd.s32 v43, v10;
	v17 =	vadd.s32 v17, v42;
	s26 =	spop (v2sf);
	vm9 =	vgt.s32 v16, $0x3FF  }
0x90: {  	v17 =	vadd.s32 $0x8000, v17;
	v14 =	vadd.s32 v18, v14;
	s18 =	sadd.s32 s18, s26;
	v45 =	vmpcnt.ones.xlane vm9  }
0x91: {  	s28 =	spop (v2sf);
	vm10 =	vgt.s32 v17, $0x3FF;
	v14 =	vadd.s32 $0x8000, v14;
	v48 =	vmov s18  }
0x92: {  	s18 =	sadd.s32 s18, s28;
	s29 =	spop (v2sf);
	v46 =	vmpcnt.ones.xlane vm10;
	vm11 =	vgt.s32 v14, $0x3FF;
	v49 =	vsub.s32 $0x0, v48  }
0x93: {  	v50 =	vmov s18;
	s18 =	sadd.s32 s18, s29;
	v10 =	vadd.s32 v45, v10;
	v47 =	vmpcnt.ones.xlane vm11  }
0x94: {  	v51 =	vbroadcast v49, $0x0;
	v52 =	vsub.s32 $0x0, v50;
	v54 =	vmov s18;
	s30 =	spop (v2sf)  }
0x95: {  	v10 =	vadd.s32 v46, v10;
	v20 =	vbroadcast v52, $0x0;
	v55 =	vsub.s32 $0x0, v54;
	s18 =	sadd.s32 s18, s30  }
0x96: {  	v10 =	vadd.s32 v47, v10;
	v18 =	vadd.s32 v51, v53;
	v57 =	vmov s18  }
0x97: {  	v56 =	vbroadcast v55, $0x0;
	v18 =	vadd.s32 $0x8000, v18;
	v22 =	vsub.s32 $0x0, v57  }
0x98: {  	v20 =	vadd.s32 v20, v21;
	vm12 =	vgt.s32 v18, $0x3FF;
	v22 =	vbroadcast v22, $0x0  }
0x99: {  	v15 =	vadd.s32 v56, v15;
	v20 =	vadd.s32 $0x8000, v20;
	v59 =	vmpcnt.ones.xlane vm12  }
0x9a: {  	vm13 =	vgt.s32 v20, $0x3FF;
	v15 =	vadd.s32 $0x8000, v15;
	v19 =	vadd.s32 v22, v19  }
0x9b: {  	v60 =	vmpcnt.ones.xlane vm13;
	vm14 =	vgt.s32 v15, $0x3FF;
	v19 =	vadd.s32 $0x8000, v19  }
0x9c: {  	v10 =	vadd.s32 v59, v10;
	v61 =	vmpcnt.ones.xlane vm14;
	vm15 =	vgt.s32 v19, $0x3FF  }
0x9d: {  	v10 =	vadd.s32 v60, v10;
	v62 =	vmpcnt.ones.xlane vm15  }
0x9e: {  	v10 =	vadd.s32 v61, v10  }
0x9f: {  	v10 =	vadd.s32 v62, v10  }
0xa0: {  	v63 =	vxor.u32 $0x80000000, v10  }
0xa1: {  	(xrf0) =	vmax.scan.msk.u32 $0xffff, v63;
	_ =	sdelay $0x5  }
0xa2: {  	[tilespmem:$0x11080] =	vst v4;
	v4, _, _ =	vpop (xrf0)  }
0xa3: {  	[tilespmem:$0x11090] =	vst v5;
	(v2sf) =	vpush v4, $0xF  }
0xa4: {  	[tilespmem:$0x110A0] =	vst v6;
	v6 =	vimm.s32 $0x0  }
0xa5: {  	[tilespmem:$0x11180] =	vst v6  }
0xa6: {  	[tilespmem:$0x110B0] =	vst v7  }
0xa7: {  	[tilespmem:$0x110C0] =	vst v8  }
0xa8: {  	[tilespmem:$0x110D0] =	vst v9  }
0xa9: {  	[tilespmem:$0x110E0] =	vst v12  }
0xaa: {  	[tilespmem:$0x110F0] =	vst v13  }
0xab: {  	[tilespmem:$0x11100] =	vst v11  }
0xac: {  	[tilespmem:$0x11110] =	vst v16  }
0xad: {  	[tilespmem:$0x11120] =	vst v17  }
0xae: {  	[tilespmem:$0x11130] =	vst v14;
	v5 =	vadd.s32 $0xFFFFFFFF, v10  }
0xaf: {  	[tilespmem:$0x11140] =	vst v18  }
0xb0: {  	[tilespmem:$0x11150] =	vst v20  }
0xb1: {  	[tilespmem:$0x11160] =	vst v15  }
0xb2: {  	[tilespmem:$0x11170] =	vst v19;
	s31 =	spop (v2sf)  }
0xb3: {  	v5 =	vld.idx.msk [tilespmem:v5+s12+$0x0], $0xffff;
	s19 =	sadd.s32 $0x7FFFFFFF, s31  }
0xb4: {  	v7 =	vimm.s32 $0x0;
	s20 =	simm.s32 $0x0;
	s18 =	simm.s32 $0x40;
	v4 =	vld.idx.msk [tilespmem:v10+s12+$0x0], $0xffff;
	v8 =	vmov s19  }
.LBB2_15:
0xb5: {  	p0 =	sne.s32 s18, $0x1FFC0;
	v9 =	vld [tilespmem:s20+$0x0];
	_ =	sdelay $0x4  }
0xb6: {  	v10 =	vshra.s32 v9, $0x1F;
	v9 =	vand.u32 $0x7FFFFFFF, v9  }
0xb7: {  	v9 =	vxor.u32 v10, v9  }
0xb8: {  	v9 =	vsub.s32 v9, v10  }
0xb9: {  	v10 =	vshrl.u32 v9, $0x18  }
0xba: {  	v10 =	vxor.u32 v8, v10  }
0xbb: {  	vm0 =	veq.s32 v10, $0x80  }
0xbc: {  	v10 =	vsel vm0, $0x1, v1;
	v11 =	vmpcnt.ones.xlane vm0  }
0xbd: {  	(xrf0) =	vadd.scan.msk.s32 $0xffff, v10  }
0xbe: {  	v6 =	vadd.s32 v6, v11;
	_ =	sdelay $0x3  }
0xbf: {  	v10 =	vsel vm0, $0xFFFFFFFF, v1  }
0xc0: {  	v10 =	vadd.s32 v10, v7;
	v7 =	vmov v6;
	v11, _, _ =	vpop (xrf0)  }
0xc1: {  	v10 =	vadd.s32 v11, v10  }
.Ltmp8:
0xc2: {  	(pc) =	sbr.rel @p0 .LBB2_15-.Ltmp8, $2  }
0xc3: {  	_ =	sdelay $0x2  }
0xc4: {  	s20 =	sshra.s32 s18, $0x2;
	s18 =	sadd.s32 $0x40, s18;
	[tilespmem:v10+s13+$0x0] =	vst.idx.msk vm0, v9  }
0xc5: {  	v6 =	vld [tilespmem:s20+$0x0];
	_ =	sdelay $0x4  }
0xc6: {  	v9 =	vshra.s32 v6, $0x1F;
	v6 =	vand.u32 $0x7FFFFFFF, v6  }
0xc7: {  	v6 =	vxor.u32 v9, v6  }
0xc8: {  	v6 =	vsub.s32 v6, v9  }
0xc9: {  	v9 =	vshrl.u32 v6, $0x18  }
0xca: {  	v8 =	vxor.u32 v8, v9  }
0xcb: {  	vm0 =	veq.s32 v8, $0x80  }
0xcc: {  	v8 =	vsel vm0, $0x1, v1  }
0xcd: {  	(xrf0) =	vadd.scan.msk.s32 $0xffff, v8;
	_ =	sdelay $0x4  }
0xce: {  	v62 =	vsel vm0, $0xFFFFFFFF, v1  }
0xcf: {  	v7 =	vadd.s32 v62, v7;
	v63, _, _ =	vpop (xrf0)  }
0xd0: {  	v7 =	vadd.s32 v63, v7;
	_ =	sdelay $0x4  }
0xd1: {  	s18 =	simm.s32 $0x40;
	s22 =	simm.s32 $0x0;
	[tilespmem:v7+s13+$0x0] =	vst.idx.msk vm0, v6  }
.LBB2_17:
0xd2: {  	p0 =	sne.s32 s18, $0x3FC0;
	[tilespmem:s22+$0x10080] =	vst v1;
	s20 =	smov.u32 s18;
	s18 =	sadd.s32 $0x40, s18  }
.Ltmp9:
0xd3: {  	(pc) =	sbr.rel @p0 .LBB2_17-.Ltmp9, $2  }
0xd4: {  	_ =	sdelay $0x2  }
0xd5: {  	s22 =	sshra.s32 s20, $0x2  }
0xd6: {  	v4 =	vxor.u32 $0x80000000, v4  }
0xd7: {  	(xrf0) =	vmax.scan.msk.u32 $0xffff, v4;
	v4 =	vxor.u32 $0x80000000, v5  }
0xd8: {  	(xrf0) =	vmax.scan.msk.u32 $0xffff, v4;
	_ =	sdelay $0x4  }
0xd9: {  	v4, _, _ =	vpop (xrf0)  }
0xda: {  	(v2sf) =	vpush v4, $0xF;
	v4, _, _ =	vpop (xrf0)  }
0xdb: {  	(v2sf) =	vpush v4, $0xF;
	_ =	sdelay $0xd  }
0xdc: {  	s18 =	spop (v2sf)  }
0xdd: {  	s20 =	spop (v2sf)  }
0xde: {  	s18 =	sxor.u32 $0x80000000, s18;
	s20 =	sxor.u32 $0x80000000, s20  }
0xdf: {  	s21 =	ssub.s32 s20, s18  }
0xe0: {  	s20 =	sadd.s32 $0xF, s21  }
0xe1: {  	s23 =	sand.u32 $0xF, s20  }
0xe2: {  	s31 =	sshra.s32 s20, $0x1F;
	p1 =	slt.s32 s20, $0x1;
	p0 =	sne.s32 s23, $0x0  }
0xe3: {  	s23 =	sshrl.u32 s31, $0x1C;
	p0 =	por !p1, !p0  }
0xe4: {  	s20 =	sadd.s32 s23, s20;
	s23 =	simm.s32 $0x1;
	p0 =	por !p0, !p0  }
0xe5: {  	s20 =	sshra.s32 s20, $0x4;
	s23 =	simm.s32 @!p0 $0x0  }
0xe6: {  	s20 =	ssub.s32 s20, s23  }
0xe7: {  	p1 =	slt.s32 s20, $0x1  }
.Ltmp10:
0xe8: {  	_ = 	snop;
	(pc) =	sbr.rel @p1 .LBB2_25-.Ltmp10, $2  }
0xe9: {  	_ =	sdelay $0x2  }
0xea: {  	[tilespmem:s22+$0x10080] =	vst v1;
	v4 =	vmov s21;
	p0 =	sne.s32 s20, $0x1  }
.Ltmp11:
0xeb: {  	(pc) =	sbr.rel @!p0 .LBB2_20-.Ltmp11, $3  }
0xec: {  	_ =	sdelay $0x1  }
0xed: {  	s23 =	simm.s32 $0x8000  }
0xee: {  	s22 =	simm.s32 $0x0;
	p2 =	por $0x0, $0x0;
	v6 =	vld [tilespmem:s23+$0x0];
	s23 =	sadd.s32 $0xFFFFFFFF, s20  }
0xef: {  	_ =	sdelay $0x3  }
0xf0: {  	v7 =	vor.u32 s22, v0;
	v5 =	vmul.u32 $0x100, v0;
	v6 =	vshrl.u32 v6, $0x10  }
0xf1: {  	vm0 =	vlt.s32 v7, v4;
	v6 =	vand.u32 $0xFF, v6  }
0xf2: {  	v6 =	vor.u32 v5, v6  }
0xf3: {  	p3 =	sne.s32 s23, $0x1  }
.Ltmp12:
0xf4: {  	_ = 	snop;
	(pc) =	sbr.rel @!p3 .LBB2_22-.Ltmp12, $3  }
0xf5: {  	_ =	sdelay $0x1  }
0xf6: {  	s24 =	simm.s32 $0x8010;
	[tilespmem:v6+s14+$0x0] =	vst.idx.add.s32.msk vm0, v3  }
0xf7: {  	s25 =	sadd.s32 $0xFFFFFFFF, s23;
	p2 =	por $0x1, $0x1;
	s23 =	simm.s32 $0x0;
	v6 =	vld [tilespmem:s24+$0x0]  }
.LBB2_23:
0xf8: {  	p3 =	sne.s32 s25, $0x1;
	_ =	sdelay $0x2  }
0xf9: {  	s23 =	sadd.s32 $0x10, s23  }
0xfa: {  	v7 =	vor.u32 s23, v0;
	v6 =	vshrl.u32 v6, $0x10  }
0xfb: {  	vm0 =	vlt.s32 v7, v4;
	v6 =	vand.u32 $0xFF, v6  }
0xfc: {  	v6 =	vor.u32 v5, v6;
	_ =	sdelay $0x1  }
.Ltmp13:
0xfd: {  	(pc) =	sbr.rel @p3 .LBB2_23-.Ltmp13, $3  }
0xfe: {  	_ =	sdelay $0x1  }
0xff: {  	s24 =	sadd.s32 $0x10, s24;
	[tilespmem:v6+s14+$0x0] =	vst.idx.add.s32.msk vm0, v3  }
0x100: {  	s25 =	sadd.s32 $0xFFFFFFFF, s25;
	v6 =	vld [tilespmem:s24+$0x0]  }
.LBB2_24:
0x101: {  	_ =	sdelay $0x1  }
0x102: {  	s23 =	sadd.s32 @p2 $0x10, s23  }
0x103: {  	s22 =	smov.u32 @p2 s23  }
0x104: {  	v7 =	vmul.u32 $0x100, v0;
	v5 =	vor.u32 s22, v0;
	v6 =	vshrl.u32 v6, $0x10  }
0x105: {  	vm0 =	vlt.s32 v5, v4;
	v5 =	vand.u32 $0xFF, v6  }
0x106: {  	v5 =	vor.u32 v7, v5;
	_ =	sdelay $0x4  }
0x107: {  	[tilespmem:v5+s14+$0x0] =	vst.idx.add.s32.msk vm0, v3  }
.LBB2_25:
0x108: {  	s23 =	simm.s32 $0x0  }
0x109: {  	s18 =	ssub.s32 $0x400, s18;
	s19 =	sshll.u32 s19, $0x18;
	s24 =	sand.u32 $0x7F0, s23  }
0x10a: {  	s22 =	simm.s32 $0x10080;
	s25 =	simm.s32 $0x10;
	v5 =	vld [tilespmem:s24+$0x10880];
	s24 =	simm.s32 $0x10080  }
.LBB2_26:
0x10b: {  	p2 =	sne.s32 s25, $0x7F0;
	v6 =	vld [tilespmem:s24+$0x0];
	_ =	sdelay $0x2  }
.Ltmp14:
0x10c: {  	(pc) =	sbr.rel @p2 .LBB2_26-.Ltmp14, $4  }
0x10d: {  	_ = 	snop  }
0x10e: {  	v5 =	vadd.s32 v6, v5  }
0x10f: {  	s26 =	sand.u32 $0x7F0, s25;
	[tilespmem:s24+$0x0] =	vst v5  }
0x110: {  	s25 =	sadd.s32 $0x10, s25;
	s24 =	sadd.s32 $0x10, s24;
	v5 =	vld [tilespmem:s26+$0x10880]  }
0x111: {  	v6 =	vld [tilespmem:s24+$0x0];
	_ =	sdelay $0x4  }
0x112: {  	v5 =	vadd.s32 v6, v5  }
0x113: {  	s23 =	sand.u32 $0x3F0, s23;
	[tilespmem:s24+$0x0] =	vst v5  }
0x114: {  	v5 =	vld [tilespmem:s23+$0x10480];
	s23 =	simm.s32 $0x10  }
.LBB2_28:
0x115: {  	p2 =	sne.s32 s23, $0x3F0;
	v6 =	vld [tilespmem:s22+$0x0];
	_ =	sdelay $0x2  }
.Ltmp15:
0x116: {  	(pc) =	sbr.rel @p2 .LBB2_28-.Ltmp15, $4  }
0x117: {  	_ = 	snop  }
0x118: {  	v5 =	vadd.s32 v6, v5  }
0x119: {  	s24 =	sand.u32 $0x3F0, s23;
	[tilespmem:s22+$0x0] =	vst v5  }
0x11a: {  	s23 =	sadd.s32 $0x10, s23;
	s22 =	sadd.s32 $0x10, s22;
	v5 =	vld [tilespmem:s24+$0x10480]  }
0x11b: {  	v6 =	vld [tilespmem:s22+$0x0];
	_ =	sdelay $0x4  }
0x11c: {  	s23 =	simm.s32 $0x0;
	v5 =	vadd.s32 v6, v5  }
0x11d: {  	s24 =	sand.u32 $0x1F0, s23;
	[tilespmem:s22+$0x0] =	vst v5  }
0x11e: {  	s25 =	simm.s32 $0x10;
	s22 =	simm.s32 $0x10080;
	v5 =	vld [tilespmem:s24+$0x10280];
	s24 =	simm.s32 $0x10080  }
.LBB2_30:
0x11f: {  	p2 =	sne.s32 s25, $0x1F0;
	v6 =	vld [tilespmem:s24+$0x0];
	_ =	sdelay $0x2  }
.Ltmp16:
0x120: {  	(pc) =	sbr.rel @p2 .LBB2_30-.Ltmp16, $4  }
0x121: {  	_ = 	snop  }
0x122: {  	v5 =	vadd.s32 v6, v5  }
0x123: {  	s26 =	sand.u32 $0x1F0, s25;
	[tilespmem:s24+$0x0] =	vst v5  }
0x124: {  	s25 =	sadd.s32 $0x10, s25;
	s24 =	sadd.s32 $0x10, s24;
	v5 =	vld [tilespmem:s26+$0x10280]  }
0x125: {  	v6 =	vld [tilespmem:s24+$0x0];
	_ =	sdelay $0x4  }
0x126: {  	v5 =	vadd.s32 v6, v5  }
0x127: {  	s23 =	sand.u32 $0xF0, s23;
	[tilespmem:s24+$0x0] =	vst v5  }
0x128: {  	v5 =	vld [tilespmem:s23+$0x10180];
	s23 =	simm.s32 $0x10  }
.LBB2_32:
0x129: {  	p2 =	sne.s32 s23, $0xF0;
	v6 =	vld [tilespmem:s22+$0x0];
	_ =	sdelay $0x2  }
.Ltmp17:
0x12a: {  	(pc) =	sbr.rel @p2 .LBB2_32-.Ltmp17, $4  }
0x12b: {  	_ = 	snop  }
0x12c: {  	v5 =	vadd.s32 v6, v5  }
0x12d: {  	s24 =	sand.u32 $0xF0, s23;
	[tilespmem:s22+$0x0] =	vst v5  }
0x12e: {  	s23 =	sadd.s32 $0x10, s23;
	s22 =	sadd.s32 $0x10, s22;
	v5 =	vld [tilespmem:s24+$0x10180]  }
0x12f: {  	v6 =	vld [tilespmem:s22+$0x0];
	_ =	sdelay $0x4  }
0x130: {  	v5 =	vadd.s32 v6, v5  }
0x131: {  	[tilespmem:s22+$0x0] =	vst v5  }
0x132: {  	v5 =	vld [tilespmem:$0x10080];
	_ =	sdelay $0x2  }
0x133: {  	v6 =	vld [tilespmem:$0x10090];
	_ =	sdelay $0x1  }
0x134: {  	(xrf0) =	vadd.scan.msk.s32 $0xffff, v5  }
0x135: {  	v8 =	vld [tilespmem:$0x100A0];
	_ =	sdelay $0x1  }
0x136: {  	v9 =	vld [tilespmem:$0x100B0];
	(xrf0) =	vadd.scan.msk.s32 $0xffff, v6;
	_ =	sdelay $0x2  }
0x137: {  	v7, _, _ =	vpop (xrf0);
	(xrf0) =	vadd.scan.msk.s32 $0xffff, v8  }
0x138: {  	v11 =	vld [tilespmem:$0x100C0];
	(v2sf) =	vpush v7, $0xF  }
0x139: {  	(xrf0) =	vadd.scan.msk.s32 $0xffff, v9  }
0x13a: {  	v10, _, _ =	vpop (xrf0)  }
0x13b: {  	v12 =	vld [tilespmem:$0x100D0];
	(v2sf) =	vpush v10, $0xF;
	_ =	sdelay $0x1  }
0x13c: {  	v13, _, _ =	vpop (xrf0);
	(xrf0) =	vadd.scan.msk.s32 $0xffff, v11;
	_ =	sdelay $0x1  }
0x13d: {  	v14 =	vld [tilespmem:$0x100E0];
	(v2sf) =	vpush v13, $0xF;
	v15, _, _ =	vpop (xrf0)  }
0x13e: {  	v17 =	vld [tilespmem:$0x100F0];
	(xrf0) =	vadd.scan.msk.s32 $0xffff, v12;
	(v2sf) =	vpush v15, $0xF;
	_ =	sdelay $0x1  }
0x13f: {  	v24 =	vld [tilespmem:$0x10120]  }
0x140: {  	v18 =	vld [tilespmem:$0x10100];
	v16, _, _ =	vpop (xrf0)  }
0x141: {  	v21 =	vld [tilespmem:$0x10110];
	v5 =	vsub.s32 v5, v7;
	v7 =	vsub.s32 $0x0, v7;
	(xrf0) =	vadd.scan.msk.s32 $0xffff, v14;
	(v2sf) =	vpush v16, $0xF  }
0x142: {  	v27 =	vld [tilespmem:$0x10140];
	v22 =	vbroadcast v7, $0xF;
	(xrf0) =	vadd.scan.msk.s32 $0xffff, v17  }
0x143: {  	v53 =	vadd.s32 s21, v11;
	v7 =	vadd.s32 s21, v5;
	v5 =	vadd.s32 s21, v6;
	v19, _, _ =	vpop (xrf0)  }
0x144: {  	v42 =	vadd.s32 s21, v24;
	v5 =	vadd.s32 v22, v5;
	s31 =	spop (v2sf);
	(v2sf) =	vpush v19, $0xF  }
0x145: {  	v8 =	vadd.s32 s21, v8;
	vm0 =	vge.s32 v7, s18;
	v5 =	vsub.s32 v5, v10;
	(xrf0) =	vadd.scan.msk.s32 $0xffff, v18  }
0x146: {  	v9 =	vadd.s32 s21, v9;
	v45 =	vmpcnt.ones.xlane vm0;
	vm13 =	vge.s32 v5, s18;
	[tilespmem:$0x11090] =	vst v5  }
0x147: {  	v5 =	vadd.s32 s21, v27;
	v8 =	vsub.s32 v8, v13;
	v46 =	vmpcnt.ones.xlane vm13;
	v20, _, _ =	vpop (xrf0);
	(xrf0) =	vadd.scan.msk.s32 $0xffff, v21;
	s23 =	spop (v2sf)  }
0x148: {  	v12 =	vadd.s32 s21, v12;
	v9 =	vsub.s32 v9, v15;
	(v2sf) =	vpush v20, $0xF;
	s22 =	sadd.s32 s31, s23;
	v48, _, _ =	vpop (xrf0);
	(xrf0) =	vadd.scan.msk.s32 $0xffff, v24  }
0x149: {  	v26 =	vld [tilespmem:$0x10130];
	v14 =	vadd.s32 s21, v14;
	v17 =	vadd.s32 s21, v17;
	v23 =	vmov s22  }
0x14a: {  	v10 =	vsub.s32 v53, v16;
	v18 =	vadd.s32 s21, v18;
	v6 =	vsub.s32 $0x0, v23  }
0x14b: {  	v12 =	vsub.s32 v12, v19;
	v25, _, _ =	vpop (xrf0);
	v6 =	vbroadcast v6, $0x0;
	s24 =	spop (v2sf);
	(v2sf) =	vpush v48, $0xF  }
0x14c: {  	v55 =	vld [tilespmem:$0x10150];
	v21 =	vadd.s32 s21, v21;
	v14 =	vsub.s32 v14, v20;
	s25 =	spop (v2sf);
	(v2sf) =	vpush v25, $0xF  }
0x14d: {  	v17 =	vsub.s32 v17, v48;
	v54, _, _ =	vpop (xrf0);
	v18 =	vsub.s32 v18, v25;
	v6 =	vadd.s32 v6, v8;
	s22 =	sadd.s32 s22, s24  }
0x14e: {  	v11 =	vsub.s32 v21, v54;
	vm14 =	vge.s32 v6, s18;
	v47 =	vmov s22;
	v57, _, _ =	vpop (xrf0);
	(xrf0) =	vadd.scan.msk.s32 $0xffff, v26  }
0x14f: {  	v28 =	vld [tilespmem:$0x10160];
	v8 =	vadd.s32 v45, v46;
	s22 =	sadd.s32 s22, s25;
	v49 =	vmpcnt.ones.xlane vm14;
	v13 =	vsub.s32 $0x0, v47  }
0x150: {  	v50 =	vmov s22;
	(xrf0) =	vadd.scan.msk.s32 $0xffff, v27;
	v13 =	vbroadcast v13, $0x0;
	s26 =	spop (v2sf);
	(v2sf) =	vpush v54, $0xF  }
0x151: {  	v45 =	vadd.s32 s21, v26;
	v16 =	vsub.s32 v42, v57;
	v52 =	vsub.s32 $0x0, v50;
	(xrf0) =	vadd.scan.msk.s32 $0xffff, v55  }
0x152: {  	v51 =	vadd.s32 v49, v8;
	v8 =	vadd.s32 v13, v9;
	v9 =	vbroadcast v52, $0x0  }
0x153: {  	v13 =	vadd.s32 s21, v55;
	vm15 =	vge.s32 v8, s18;
	s22 =	sadd.s32 s22, s26;
	s28 =	spop (v2sf);
	(v2sf) =	vpush v57, $0xF  }
0x154: {  	v56 =	vmpcnt.ones.xlane vm15;
	v9 =	vadd.s32 v9, v10;
	v58 =	vmov s22;
	v63, _, _ =	vpop (xrf0);
	(xrf0) =	vadd.scan.msk.s32 $0xffff, v28  }
0x155: {  	v55 =	vadd.s32 s21, v28;
	vm4 =	vge.s32 v9, s18;
	v10 =	vsub.s32 $0x0, v58  }
0x156: {  	v33, _, _ =	vpop (xrf0);
	v20 =	vsub.s32 v45, v63;
	v15 =	vadd.s32 v56, v51;
	(v2sf) =	vpush v63, $0xF  }
0x157: {  	s22 =	sadd.s32 s22, s28;
	v10 =	vbroadcast v10, $0x0;
	v29 =	vmpcnt.ones.xlane vm4;
	s29 =	spop (v2sf);
	v36, _, _ =	vpop (xrf0);
	(v2sf) =	vpush v33, $0xF  }
0x158: {  	v46 =	vld [tilespmem:$0x10170];
	[tilespmem:$0x110A0] =	vst v6;
	v5 =	vsub.s32 v5, v33;
	v59 =	vmov s22;
	s22 =	sadd.s32 s22, s29;
	v6 =	vsub.s32 v13, v36  }
0x159: {  	v60 =	vsub.s32 $0x0, v59;
	v10 =	vadd.s32 v10, v12;
	v62 =	vmov s22  }
0x15a: {  	v61 =	vbroadcast v60, $0x0;
	vm5 =	vge.s32 v10, s18;
	v39, _, _ =	vpop (xrf0);
	s30 =	spop (v2sf);
	(v2sf) =	vpush v36, $0xF  }
0x15b: {  	v32 =	vsub.s32 $0x0, v62;
	v34 =	vmpcnt.ones.xlane vm5;
	s31 =	spop (v2sf);
	(v2sf) =	vpush v39, $0xF  }
0x15c: {  	v15 =	vadd.s32 v29, v15;
	v12 =	vadd.s32 v61, v14;
	v14 =	vbroadcast v32, $0x0  }
0x15d: {  	v59 =	vadd.s32 s21, v46;
	vm6 =	vge.s32 v12, s18;
	v15 =	vadd.s32 v34, v15;
	s22 =	sadd.s32 s22, s30  }
0x15e: {  	v35 =	vmpcnt.ones.xlane vm6;
	v14 =	vadd.s32 v14, v17;
	v38 =	vmov s22;
	s22 =	sadd.s32 s22, s31  }
0x15f: {  	vm7 =	vge.s32 v14, s18;
	v23 =	vsub.s32 $0x0, v38;
	v30 =	vmov s22;
	s24 =	spop (v2sf)  }
0x160: {  	v37 =	vmpcnt.ones.xlane vm7;
	v23 =	vbroadcast v23, $0x0;
	v30 =	vsub.s32 $0x0, v30;
	s22 =	sadd.s32 s22, s24  }
0x161: {  	v15 =	vadd.s32 v35, v15;
	v40 =	vbroadcast v30, $0x0;
	v41 =	vmov s22  }
0x162: {  	v15 =	vadd.s32 v37, v15;
	v18 =	vadd.s32 v23, v18;
	s25 =	spop (v2sf);
	v21 =	vsub.s32 $0x0, v41  }
0x163: {  	v11 =	vadd.s32 v40, v11;
	vm8 =	vge.s32 v18, s18;
	s22 =	sadd.s32 s22, s25;
	v21 =	vbroadcast v21, $0x0  }
0x164: {  	v44 =	vmpcnt.ones.xlane vm8;
	vm9 =	vge.s32 v11, s18;
	v43 =	vmov s22  }
0x165: {  	v47 =	vmpcnt.ones.xlane vm9;
	s26 =	spop (v2sf);
	v22 =	vsub.s32 $0x0, v43;
	v16 =	vadd.s32 v21, v16  }
0x166: {  	v15 =	vadd.s32 v44, v15;
	s22 =	sadd.s32 s22, s26;
	s28 =	spop (v2sf);
	v22 =	vbroadcast v22, $0x0;
	vm10 =	vge.s32 v16, s18  }
0x167: {  	v15 =	vadd.s32 v47, v15;
	v50 =	vmov s22;
	s22 =	sadd.s32 s22, s28;
	v48 =	vmpcnt.ones.xlane vm10  }
0x168: {  	(xrf0) =	vadd.scan.msk.s32 $0xffff, v46;
	v51 =	vsub.s32 $0x0, v50;
	v52 =	vmov s22;
	v20 =	vadd.s32 v22, v20  }
0x169: {  	[tilespmem:$0x11080] =	vst v7;
	v22 =	vsub.s32 $0x0, v52;
	s29 =	spop (v2sf);
	v7 =	vadd.s32 v48, v15;
	v15 =	vbroadcast v51, $0x0  }
0x16a: {  	[tilespmem:$0x110C0] =	vst v9;
	v9 =	vsub.s32 v55, v39;
	vm11 =	vge.s32 v20, s18;
	v22 =	vbroadcast v22, $0x0;
	s22 =	sadd.s32 s22, s29;
	s30 =	spop (v2sf)  }
0x16b: {  	v49 =	vmpcnt.ones.xlane vm11;
	v53 =	vmov s22;
	s22 =	sadd.s32 s22, s30;
	v5 =	vadd.s32 v15, v5  }
0x16c: {  	[tilespmem:$0x11180] =	vst v1;
	v6 =	vadd.s32 v22, v6;
	v54 =	vsub.s32 $0x0, v53;
	v56 =	vmov s22  }
0x16d: {  	[tilespmem:$0x110B0] =	vst v8;
	v7 =	vadd.s32 v49, v7;
	v8 =	vbroadcast v54, $0x0;
	v57 =	vsub.s32 $0x0, v56  }
0x16e: {  	[tilespmem:$0x110D0] =	vst v10;
	v58, _, _ =	vpop (xrf0);
	vm12 =	vge.s32 v5, s18;
	vm13 =	vge.s32 v6, s18;
	v10 =	vbroadcast v57, $0x0  }
0x16f: {  	[tilespmem:$0x110E0] =	vst v12;
	v60 =	vmpcnt.ones.xlane vm12;
	v8 =	vadd.s32 v8, v9;
	v9 =	vsub.s32 v59, v58  }
0x170: {  	[tilespmem:$0x110F0] =	vst v14;
	v61 =	vmpcnt.ones.xlane vm13;
	v9 =	vadd.s32 v10, v9;
	vm14 =	vge.s32 v8, s18  }
0x171: {  	[tilespmem:$0x11100] =	vst v18;
	v7 =	vadd.s32 v60, v7;
	v62 =	vmpcnt.ones.xlane vm14;
	vm15 =	vge.s32 v9, s18  }
0x172: {  	[tilespmem:$0x11110] =	vst v11;
	v7 =	vadd.s32 v61, v7;
	v63 =	vmpcnt.ones.xlane vm15  }
0x173: {  	[tilespmem:$0x11120] =	vst v16;
	v7 =	vadd.s32 v62, v7  }
0x174: {  	[tilespmem:$0x11140] =	vst v5;
	v5 =	vadd.s32 v63, v7  }
0x175: {  	[tilespmem:$0x11130] =	vst v20  }
0x176: {  	[tilespmem:$0x11150] =	vst v6;
	v6 =	vadd.s32 $0xFFFFFFFF, v5  }
0x177: {  	[tilespmem:$0x11160] =	vst v8  }
0x178: {  	[tilespmem:$0x11170] =	vst v9  }
0x179: {  	v7 =	vld.idx.msk [tilespmem:v5+s12+$0x0], $0xffff;
	_ =	sdelay $0x1  }
0x17a: {  	v6 =	vld.idx.msk [tilespmem:v6+s12+$0x0], $0xffff;
	_ =	sdelay $0x2  }
0x17b: {  	v7 =	vxor.u32 $0x80000000, v7  }
0x17c: {  	v5 =	vxor.u32 $0x80000000, v5;
	(xrf0) =	vmax.scan.msk.u32 $0xffff, v7  }
0x17d: {  	(xrf0) =	vmax.scan.msk.u32 $0xffff, v5;
	v5 =	vxor.u32 $0x80000000, v6  }
0x17e: {  	(xrf0) =	vmax.scan.msk.u32 $0xffff, v5;
	_ =	sdelay $0x3  }
0x17f: {  	v5, _, _ =	vpop (xrf0)  }
0x180: {  	v6, _, _ =	vpop (xrf0);
	(v2sf) =	vpush v5, $0xF  }
0x181: {  	(v2sf) =	vpush v6, $0xF;
	v5, _, _ =	vpop (xrf0)  }
0x182: {  	(v2sf) =	vpush v5, $0xF;
	_ =	sdelay $0xa  }
.Ltmp18:
0x183: {  	_ = 	snop;
	(pc) =	sbr.rel @p1 .LBB2_40-.Ltmp18, $4  }
0x184: {  	_ = 	snop  }
0x185: {  	s21 =	spop (v2sf)  }
0x186: {  	s31 =	spop (v2sf)  }
0x187: {  	s22 =	sadd.s32 $0x7FFFFFFF, s31;
	s23 =	spop (v2sf)  }
.Ltmp19:
0x188: {  	(pc) =	sbr.rel @!p0 .LBB2_35-.Ltmp19, $3  }
0x189: {  	_ =	sdelay $0x1  }
0x18a: {  	s25 =	simm.s32 $0x8000  }
0x18b: {  	v5 =	vmov s22;
	v7 =	vimm.s32 $0x0;
	s24 =	simm.s32 $0x0;
	s20 =	sadd.s32 $0xFFFFFFFF, s20;
	p1 =	por $0x0, $0x0;
	v6 =	vld [tilespmem:s25+$0x0]  }
0x18c: {  	_ =	sdelay $0x3  }
0x18d: {  	v8 =	vshrl.u32 v6, $0x10  }
0x18e: {  	v9 =	vor.u32 s24, v0;
	v8 =	vand.u32 $0xFF, v8  }
0x18f: {  	vm0 =	vlt.s32 v9, v4;
	vm1 =	veq.s32 v8, v5  }
0x190: {  	vm0 =	vmand vm0, vm1  }
0x191: {  	v8 =	vsel vm0, $0x1, v1  }
0x192: {  	(xrf0) =	vadd.scan.msk.s32 $0xffff, v8;
	_ =	sdelay $0x4  }
0x193: {  	v8 =	vsel vm0, $0xFFFFFFFF, v1  }
0x194: {  	v8 =	vadd.s32 v8, v7;
	v9, _, _ =	vpop (xrf0)  }
0x195: {  	v8 =	vadd.s32 v9, v8  }
0x196: {  	p0 =	sne.s32 s20, $0x1  }
.Ltmp20:
0x197: {  	_ = 	snop;
	(pc) =	sbr.rel @!p0 .LBB2_37-.Ltmp20, $3  }
0x198: {  	v9 =	vmpcnt.ones.xlane vm0;
	_ =	sdelay $0x1  }
0x199: {  	s25 =	simm.s32 $0x8010;
	v7 =	vadd.s32 v7, v9;
	[tilespmem:v8+s13+$0x0] =	vst.idx.msk vm0, v6  }
0x19a: {  	s26 =	sadd.s32 $0xFFFFFFFF, s20;
	p1 =	por $0x1, $0x1;
	s20 =	simm.s32 $0x0;
	v8 =	vmov v7;
	v6 =	vld [tilespmem:s25+$0x0]  }
.LBB2_38:
0x19b: {  	p0 =	sne.s32 s26, $0x1;
	_ =	sdelay $0x3  }
0x19c: {  	s20 =	sadd.s32 $0x10, s20;
	v9 =	vshrl.u32 v6, $0x10  }
0x19d: {  	v10 =	vor.u32 s20, v0;
	v9 =	vand.u32 $0xFF, v9  }
0x19e: {  	vm0 =	vlt.s32 v10, v4;
	vm1 =	veq.s32 v9, v5  }
0x19f: {  	vm0 =	vmand vm0, vm1  }
0x1a0: {  	v9 =	vsel vm0, $0x1, v1;
	v10 =	vmpcnt.ones.xlane vm0  }
0x1a1: {  	(xrf0) =	vadd.scan.msk.s32 $0xffff, v9  }
0x1a2: {  	v8 =	vadd.s32 v8, v10;
	_ =	sdelay $0x3  }
0x1a3: {  	v9 =	vsel vm0, $0xFFFFFFFF, v1  }
0x1a4: {  	v9 =	vadd.s32 v9, v7;
	v7 =	vmov v8;
	v10, _, _ =	vpop (xrf0)  }
0x1a5: {  	v9 =	vadd.s32 v10, v9;
	_ =	sdelay $0x1  }
.Ltmp21:
0x1a6: {  	(pc) =	sbr.rel @p0 .LBB2_38-.Ltmp21, $3  }
0x1a7: {  	_ =	sdelay $0x1  }
0x1a8: {  	s25 =	sadd.s32 $0x10, s25;
	[tilespmem:v9+s13+$0x0] =	vst.idx.msk vm0, v6  }
0x1a9: {  	s26 =	sadd.s32 $0xFFFFFFFF, s26;
	v6 =	vld [tilespmem:s25+$0x0]  }
.LBB2_39:
0x1aa: {  	_ =	sdelay $0x2  }
0x1ab: {  	s20 =	sadd.s32 @p1 $0x10, s20  }
0x1ac: {  	s24 =	smov.u32 @p1 s20;
	v8 =	vshrl.u32 v6, $0x10  }
0x1ad: {  	v9 =	vor.u32 s24, v0;
	v8 =	vand.u32 $0xFF, v8  }
0x1ae: {  	vm0 =	vlt.s32 v9, v4;
	vm1 =	veq.s32 v8, v5  }
0x1af: {  	vm0 =	vmand vm0, vm1  }
0x1b0: {  	v4 =	vsel vm0, $0x1, v1  }
0x1b1: {  	(xrf0) =	vadd.scan.msk.s32 $0xffff, v4;
	_ =	sdelay $0x4  }
0x1b2: {  	v4 =	vsel vm0, $0xFFFFFFFF, v1  }
0x1b3: {  	v4 =	vadd.s32 v4, v7;
	v5, _, _ =	vpop (xrf0)  }
0x1b4: {  	v4 =	vadd.s32 v5, v4;
	_ =	sdelay $0x4  }
0x1b5: {  	[tilespmem:v4+s13+$0x0] =	vst.idx.msk vm0, v6  }
.LBB2_40:
0x1b6: {  	s20 =	sxor.u32 $0x80000000, s21;
	s30 =	sxor.u32 $0x80000000, s23  }
0x1b7: {  	s31 =	sshll.u32 s22, $0x10;
	s22 =	simm.s32 $0x0;
	s18 =	ssub.s32 s18, s20  }
0x1b8: {  	s21 =	ssub.s32 s30, s20;
	s19 =	sor.u32 s19, s31;
	s20 =	simm.s32 $0x40  }
.LBB2_41:
0x1b9: {  	p0 =	sne.s32 s20, $0x3FC0;
	[tilespmem:s22+$0x10080] =	vst v1;
	s22 =	smov.u32 s20;
	s20 =	sadd.s32 $0x40, s20  }
.Ltmp22:
0x1ba: {  	(pc) =	sbr.rel @p0 .LBB2_41-.Ltmp22, $2  }
0x1bb: {  	_ =	sdelay $0x2  }
0x1bc: {  	s22 =	sshra.s32 s22, $0x2  }
0x1bd: {  	s20 =	sadd.s32 $0xF, s21  }
0x1be: {  	s23 =	sand.u32 $0xF, s20  }
0x1bf: {  	s31 =	sshra.s32 s20, $0x1F;
	p1 =	slt.s32 s20, $0x1;
	p0 =	sne.s32 s23, $0x0  }
0x1c0: {  	s23 =	sshrl.u32 s31, $0x1C;
	p0 =	por !p1, !p0  }
0x1c1: {  	s20 =	sadd.s32 s23, s20;
	s23 =	simm.s32 $0x1;
	p0 =	por !p0, !p0  }
0x1c2: {  	s20 =	sshra.s32 s20, $0x4;
	s23 =	simm.s32 @!p0 $0x0  }
0x1c3: {  	s20 =	ssub.s32 s20, s23  }
0x1c4: {  	p1 =	slt.s32 s20, $0x1  }
.Ltmp23:
0x1c5: {  	_ = 	snop;
	(pc) =	sbr.rel @p1 .LBB2_49-.Ltmp23, $2  }
0x1c6: {  	_ =	sdelay $0x2  }
0x1c7: {  	[tilespmem:s22+$0x10080] =	vst v1;
	v4 =	vmov s21;
	p0 =	sne.s32 s20, $0x1  }
.Ltmp24:
0x1c8: {  	(pc) =	sbr.rel @!p0 .LBB2_44-.Ltmp24, $3  }
0x1c9: {  	_ =	sdelay $0x1  }
0x1ca: {  	s23 =	simm.s32 $0x8000  }
0x1cb: {  	s22 =	simm.s32 $0x0;
	p2 =	por $0x0, $0x0;
	v6 =	vld [tilespmem:s23+$0x0];
	s23 =	sadd.s32 $0xFFFFFFFF, s20  }
0x1cc: {  	_ =	sdelay $0x3  }
0x1cd: {  	v7 =	vor.u32 s22, v0;
	v5 =	vmul.u32 $0x100, v0;
	v6 =	vshrl.u32 v6, $0x8  }
0x1ce: {  	vm0 =	vlt.s32 v7, v4;
	v6 =	vand.u32 $0xFF, v6  }
0x1cf: {  	v6 =	vor.u32 v5, v6  }
0x1d0: {  	p3 =	sne.s32 s23, $0x1  }
.Ltmp25:
0x1d1: {  	_ = 	snop;
	(pc) =	sbr.rel @!p3 .LBB2_46-.Ltmp25, $3  }
0x1d2: {  	_ =	sdelay $0x1  }
0x1d3: {  	s24 =	simm.s32 $0x8010;
	[tilespmem:v6+s14+$0x0] =	vst.idx.add.s32.msk vm0, v3  }
0x1d4: {  	s25 =	sadd.s32 $0xFFFFFFFF, s23;
	p2 =	por $0x1, $0x1;
	s23 =	simm.s32 $0x0;
	v6 =	vld [tilespmem:s24+$0x0]  }
.LBB2_47:
0x1d5: {  	p3 =	sne.s32 s25, $0x1;
	_ =	sdelay $0x2  }
0x1d6: {  	s23 =	sadd.s32 $0x10, s23  }
0x1d7: {  	v7 =	vor.u32 s23, v0;
	v6 =	vshrl.u32 v6, $0x8  }
0x1d8: {  	vm0 =	vlt.s32 v7, v4;
	v6 =	vand.u32 $0xFF, v6  }
0x1d9: {  	v6 =	vor.u32 v5, v6;
	_ =	sdelay $0x1  }
.Ltmp26:
0x1da: {  	(pc) =	sbr.rel @p3 .LBB2_47-.Ltmp26, $3  }
0x1db: {  	_ =	sdelay $0x1  }
0x1dc: {  	s24 =	sadd.s32 $0x10, s24;
	[tilespmem:v6+s14+$0x0] =	vst.idx.add.s32.msk vm0, v3  }
0x1dd: {  	s25 =	sadd.s32 $0xFFFFFFFF, s25;
	v6 =	vld [tilespmem:s24+$0x0]  }
.LBB2_48:
0x1de: {  	_ =	sdelay $0x1  }
0x1df: {  	s23 =	sadd.s32 @p2 $0x10, s23  }
0x1e0: {  	s22 =	smov.u32 @p2 s23  }
0x1e1: {  	v7 =	vmul.u32 $0x100, v0;
	v5 =	vor.u32 s22, v0;
	v6 =	vshrl.u32 v6, $0x8  }
0x1e2: {  	vm0 =	vlt.s32 v5, v4;
	v5 =	vand.u32 $0xFF, v6  }
0x1e3: {  	v5 =	vor.u32 v7, v5;
	_ =	sdelay $0x4  }
0x1e4: {  	[tilespmem:v5+s14+$0x0] =	vst.idx.add.s32.msk vm0, v3  }
.LBB2_49:
0x1e5: {  	s23 =	simm.s32 $0x0  }
0x1e6: {  	s24 =	sand.u32 $0x7F0, s23  }
0x1e7: {  	s22 =	simm.s32 $0x10080;
	s25 =	simm.s32 $0x10;
	v5 =	vld [tilespmem:s24+$0x10880];
	s24 =	simm.s32 $0x10080  }
.LBB2_50:
0x1e8: {  	p2 =	sne.s32 s25, $0x7F0;
	v6 =	vld [tilespmem:s24+$0x0];
	_ =	sdelay $0x2  }
.Ltmp27:
0x1e9: {  	(pc) =	sbr.rel @p2 .LBB2_50-.Ltmp27, $4  }
0x1ea: {  	_ = 	snop  }
0x1eb: {  	v5 =	vadd.s32 v6, v5  }
0x1ec: {  	s26 =	sand.u32 $0x7F0, s25;
	[tilespmem:s24+$0x0] =	vst v5  }
0x1ed: {  	s25 =	sadd.s32 $0x10, s25;
	s24 =	sadd.s32 $0x10, s24;
	v5 =	vld [tilespmem:s26+$0x10880]  }
0x1ee: {  	v6 =	vld [tilespmem:s24+$0x0];
	_ =	sdelay $0x4  }
0x1ef: {  	v5 =	vadd.s32 v6, v5  }
0x1f0: {  	s23 =	sand.u32 $0x3F0, s23;
	[tilespmem:s24+$0x0] =	vst v5  }
0x1f1: {  	v5 =	vld [tilespmem:s23+$0x10480];
	s23 =	simm.s32 $0x10  }
.LBB2_52:
0x1f2: {  	p2 =	sne.s32 s23, $0x3F0;
	v6 =	vld [tilespmem:s22+$0x0];
	_ =	sdelay $0x2  }
.Ltmp28:
0x1f3: {  	(pc) =	sbr.rel @p2 .LBB2_52-.Ltmp28, $4  }
0x1f4: {  	_ = 	snop  }
0x1f5: {  	v5 =	vadd.s32 v6, v5  }
0x1f6: {  	s24 =	sand.u32 $0x3F0, s23;
	[tilespmem:s22+$0x0] =	vst v5  }
0x1f7: {  	s23 =	sadd.s32 $0x10, s23;
	s22 =	sadd.s32 $0x10, s22;
	v5 =	vld [tilespmem:s24+$0x10480]  }
0x1f8: {  	v6 =	vld [tilespmem:s22+$0x0];
	_ =	sdelay $0x4  }
0x1f9: {  	s23 =	simm.s32 $0x0;
	v5 =	vadd.s32 v6, v5  }
0x1fa: {  	s24 =	sand.u32 $0x1F0, s23;
	[tilespmem:s22+$0x0] =	vst v5  }
0x1fb: {  	s25 =	simm.s32 $0x10;
	s22 =	simm.s32 $0x10080;
	v5 =	vld [tilespmem:s24+$0x10280];
	s24 =	simm.s32 $0x10080  }
.LBB2_54:
0x1fc: {  	p2 =	sne.s32 s25, $0x1F0;
	v6 =	vld [tilespmem:s24+$0x0];
	_ =	sdelay $0x2  }
.Ltmp29:
0x1fd: {  	(pc) =	sbr.rel @p2 .LBB2_54-.Ltmp29, $4  }
0x1fe: {  	_ = 	snop  }
0x1ff: {  	v5 =	vadd.s32 v6, v5  }
0x200: {  	s26 =	sand.u32 $0x1F0, s25;
	[tilespmem:s24+$0x0] =	vst v5  }
0x201: {  	s25 =	sadd.s32 $0x10, s25;
	s24 =	sadd.s32 $0x10, s24;
	v5 =	vld [tilespmem:s26+$0x10280]  }
0x202: {  	v6 =	vld [tilespmem:s24+$0x0];
	_ =	sdelay $0x4  }
0x203: {  	v5 =	vadd.s32 v6, v5  }
0x204: {  	s23 =	sand.u32 $0xF0, s23;
	[tilespmem:s24+$0x0] =	vst v5  }
0x205: {  	v5 =	vld [tilespmem:s23+$0x10180];
	s23 =	simm.s32 $0x10  }
.LBB2_56:
0x206: {  	p2 =	sne.s32 s23, $0xF0;
	v6 =	vld [tilespmem:s22+$0x0];
	_ =	sdelay $0x2  }
.Ltmp30:
0x207: {  	(pc) =	sbr.rel @p2 .LBB2_56-.Ltmp30, $4  }
0x208: {  	_ = 	snop  }
0x209: {  	v5 =	vadd.s32 v6, v5  }
0x20a: {  	s24 =	sand.u32 $0xF0, s23;
	[tilespmem:s22+$0x0] =	vst v5  }
0x20b: {  	s23 =	sadd.s32 $0x10, s23;
	s22 =	sadd.s32 $0x10, s22;
	v5 =	vld [tilespmem:s24+$0x10180]  }
0x20c: {  	v6 =	vld [tilespmem:s22+$0x0];
	_ =	sdelay $0x4  }
0x20d: {  	v5 =	vadd.s32 v6, v5  }
0x20e: {  	[tilespmem:s22+$0x0] =	vst v5  }
0x20f: {  	v5 =	vld [tilespmem:$0x10080];
	_ =	sdelay $0x2  }
0x210: {  	v6 =	vld [tilespmem:$0x10090];
	_ =	sdelay $0x1  }
0x211: {  	(xrf0) =	vadd.scan.msk.s32 $0xffff, v5  }
0x212: {  	v8 =	vld [tilespmem:$0x100A0];
	_ =	sdelay $0x1  }
0x213: {  	v9 =	vld [tilespmem:$0x100B0];
	(xrf0) =	vadd.scan.msk.s32 $0xffff, v6;
	_ =	sdelay $0x2  }
0x214: {  	v7, _, _ =	vpop (xrf0);
	(xrf0) =	vadd.scan.msk.s32 $0xffff, v8  }
0x215: {  	v11 =	vld [tilespmem:$0x100C0];
	(v2sf) =	vpush v7, $0xF  }
0x216: {  	(xrf0) =	vadd.scan.msk.s32 $0xffff, v9  }
0x217: {  	v10, _, _ =	vpop (xrf0)  }
0x218: {  	v12 =	vld [tilespmem:$0x100D0];
	(v2sf) =	vpush v10, $0xF;
	_ =	sdelay $0x1  }
0x219: {  	v13, _, _ =	vpop (xrf0);
	(xrf0) =	vadd.scan.msk.s32 $0xffff, v11;
	_ =	sdelay $0x1  }
0x21a: {  	v14 =	vld [tilespmem:$0x100E0];
	(v2sf) =	vpush v13, $0xF;
	v15, _, _ =	vpop (xrf0)  }
0x21b: {  	v17 =	vld [tilespmem:$0x100F0];
	(xrf0) =	vadd.scan.msk.s32 $0xffff, v12;
	(v2sf) =	vpush v15, $0xF;
	_ =	sdelay $0x1  }
0x21c: {  	v24 =	vld [tilespmem:$0x10120]  }
0x21d: {  	v18 =	vld [tilespmem:$0x10100];
	v16, _, _ =	vpop (xrf0)  }
0x21e: {  	v21 =	vld [tilespmem:$0x10110];
	v5 =	vsub.s32 v5, v7;
	v7 =	vsub.s32 $0x0, v7;
	(xrf0) =	vadd.scan.msk.s32 $0xffff, v14;
	(v2sf) =	vpush v16, $0xF  }
0x21f: {  	v27 =	vld [tilespmem:$0x10140];
	v22 =	vbroadcast v7, $0xF;
	(xrf0) =	vadd.scan.msk.s32 $0xffff, v17  }
0x220: {  	v53 =	vadd.s32 s21, v11;
	v7 =	vadd.s32 s21, v5;
	v5 =	vadd.s32 s21, v6;
	v19, _, _ =	vpop (xrf0)  }
0x221: {  	v42 =	vadd.s32 s21, v24;
	v5 =	vadd.s32 v22, v5;
	s31 =	spop (v2sf);
	(v2sf) =	vpush v19, $0xF  }
0x222: {  	v8 =	vadd.s32 s21, v8;
	vm0 =	vge.s32 v7, s18;
	v5 =	vsub.s32 v5, v10;
	(xrf0) =	vadd.scan.msk.s32 $0xffff, v18  }
0x223: {  	v9 =	vadd.s32 s21, v9;
	v45 =	vmpcnt.ones.xlane vm0;
	vm13 =	vge.s32 v5, s18;
	[tilespmem:$0x11090] =	vst v5  }
0x224: {  	v5 =	vadd.s32 s21, v27;
	v8 =	vsub.s32 v8, v13;
	v46 =	vmpcnt.ones.xlane vm13;
	v20, _, _ =	vpop (xrf0);
	(xrf0) =	vadd.scan.msk.s32 $0xffff, v21;
	s23 =	spop (v2sf)  }
0x225: {  	v12 =	vadd.s32 s21, v12;
	v9 =	vsub.s32 v9, v15;
	(v2sf) =	vpush v20, $0xF;
	s22 =	sadd.s32 s31, s23;
	v48, _, _ =	vpop (xrf0);
	(xrf0) =	vadd.scan.msk.s32 $0xffff, v24  }
0x226: {  	v26 =	vld [tilespmem:$0x10130];
	v14 =	vadd.s32 s21, v14;
	v17 =	vadd.s32 s21, v17;
	v23 =	vmov s22  }
0x227: {  	v10 =	vsub.s32 v53, v16;
	v18 =	vadd.s32 s21, v18;
	v6 =	vsub.s32 $0x0, v23  }
0x228: {  	v12 =	vsub.s32 v12, v19;
	v25, _, _ =	vpop (xrf0);
	v6 =	vbroadcast v6, $0x0;
	s24 =	spop (v2sf);
	(v2sf) =	vpush v48, $0xF  }
0x229: {  	v55 =	vld [tilespmem:$0x10150];
	v21 =	vadd.s32 s21, v21;
	v14 =	vsub.s32 v14, v20;
	s25 =	spop (v2sf);
	(v2sf) =	vpush v25, $0xF  }
0x22a: {  	v17 =	vsub.s32 v17, v48;
	v54, _, _ =	vpop (xrf0);
	v18 =	vsub.s32 v18, v25;
	v6 =	vadd.s32 v6, v8;
	s22 =	sadd.s32 s22, s24  }
0x22b: {  	v11 =	vsub.s32 v21, v54;
	vm14 =	vge.s32 v6, s18;
	v47 =	vmov s22;
	v57, _, _ =	vpop (xrf0);
	(xrf0) =	vadd.scan.msk.s32 $0xffff, v26  }
0x22c: {  	v28 =	vld [tilespmem:$0x10160];
	v8 =	vadd.s32 v45, v46;
	s22 =	sadd.s32 s22, s25;
	v49 =	vmpcnt.ones.xlane vm14;
	v13 =	vsub.s32 $0x0, v47  }
0x22d: {  	v50 =	vmov s22;
	(xrf0) =	vadd.scan.msk.s32 $0xffff, v27;
	v13 =	vbroadcast v13, $0x0;
	s26 =	spop (v2sf);
	(v2sf) =	vpush v54, $0xF  }
0x22e: {  	v45 =	vadd.s32 s21, v26;
	v16 =	vsub.s32 v42, v57;
	v52 =	vsub.s32 $0x0, v50;
	(xrf0) =	vadd.scan.msk.s32 $0xffff, v55  }
0x22f: {  	v51 =	vadd.s32 v49, v8;
	v8 =	vadd.s32 v13, v9;
	v9 =	vbroadcast v52, $0x0  }
0x230: {  	v13 =	vadd.s32 s21, v55;
	vm15 =	vge.s32 v8, s18;
	s22 =	sadd.s32 s22, s26;
	s28 =	spop (v2sf);
	(v2sf) =	vpush v57, $0xF  }
0x231: {  	v56 =	vmpcnt.ones.xlane vm15;
	v9 =	vadd.s32 v9, v10;
	v58 =	vmov s22;
	v63, _, _ =	vpop (xrf0);
	(xrf0) =	vadd.scan.msk.s32 $0xffff, v28  }
0x232: {  	v55 =	vadd.s32 s21, v28;
	vm4 =	vge.s32 v9, s18;
	v10 =	vsub.s32 $0x0, v58  }
0x233: {  	v33, _, _ =	vpop (xrf0);
	v20 =	vsub.s32 v45, v63;
	v15 =	vadd.s32 v56, v51;
	(v2sf) =	vpush v63, $0xF  }
0x234: {  	s22 =	sadd.s32 s22, s28;
	v10 =	vbroadcast v10, $0x0;
	v29 =	vmpcnt.ones.xlane vm4;
	s29 =	spop (v2sf);
	v36, _, _ =	vpop (xrf0);
	(v2sf) =	vpush v33, $0xF  }
0x235: {  	v46 =	vld [tilespmem:$0x10170];
	[tilespmem:$0x110A0] =	vst v6;
	v5 =	vsub.s32 v5, v33;
	v59 =	vmov s22;
	s22 =	sadd.s32 s22, s29;
	v6 =	vsub.s32 v13, v36  }
0x236: {  	v60 =	vsub.s32 $0x0, v59;
	v10 =	vadd.s32 v10, v12;
	v62 =	vmov s22  }
0x237: {  	v61 =	vbroadcast v60, $0x0;
	vm5 =	vge.s32 v10, s18;
	v39, _, _ =	vpop (xrf0);
	s30 =	spop (v2sf);
	(v2sf) =	vpush v36, $0xF  }
0x238: {  	v32 =	vsub.s32 $0x0, v62;
	v34 =	vmpcnt.ones.xlane vm5;
	s31 =	spop (v2sf);
	(v2sf) =	vpush v39, $0xF  }
0x239: {  	v15 =	vadd.s32 v29, v15;
	v12 =	vadd.s32 v61, v14;
	v14 =	vbroadcast v32, $0x0  }
0x23a: {  	v59 =	vadd.s32 s21, v46;
	vm6 =	vge.s32 v12, s18;
	v15 =	vadd.s32 v34, v15;
	s22 =	sadd.s32 s22, s30  }
0x23b: {  	v35 =	vmpcnt.ones.xlane vm6;
	v14 =	vadd.s32 v14, v17;
	v38 =	vmov s22;
	s22 =	sadd.s32 s22, s31  }
0x23c: {  	vm7 =	vge.s32 v14, s18;
	v23 =	vsub.s32 $0x0, v38;
	v30 =	vmov s22;
	s24 =	spop (v2sf)  }
0x23d: {  	v37 =	vmpcnt.ones.xlane vm7;
	v23 =	vbroadcast v23, $0x0;
	v30 =	vsub.s32 $0x0, v30;
	s22 =	sadd.s32 s22, s24  }
0x23e: {  	v15 =	vadd.s32 v35, v15;
	v40 =	vbroadcast v30, $0x0;
	v41 =	vmov s22  }
0x23f: {  	v15 =	vadd.s32 v37, v15;
	v18 =	vadd.s32 v23, v18;
	s25 =	spop (v2sf);
	v21 =	vsub.s32 $0x0, v41  }
0x240: {  	v11 =	vadd.s32 v40, v11;
	vm8 =	vge.s32 v18, s18;
	s22 =	sadd.s32 s22, s25;
	v21 =	vbroadcast v21, $0x0  }
0x241: {  	v44 =	vmpcnt.ones.xlane vm8;
	vm9 =	vge.s32 v11, s18;
	v43 =	vmov s22  }
0x242: {  	v47 =	vmpcnt.ones.xlane vm9;
	s26 =	spop (v2sf);
	v22 =	vsub.s32 $0x0, v43;
	v16 =	vadd.s32 v21, v16  }
0x243: {  	v15 =	vadd.s32 v44, v15;
	s22 =	sadd.s32 s22, s26;
	s28 =	spop (v2sf);
	v22 =	vbroadcast v22, $0x0;
	vm10 =	vge.s32 v16, s18  }
0x244: {  	v15 =	vadd.s32 v47, v15;
	v50 =	vmov s22;
	s22 =	sadd.s32 s22, s28;
	v48 =	vmpcnt.ones.xlane vm10  }
0x245: {  	(xrf0) =	vadd.scan.msk.s32 $0xffff, v46;
	v51 =	vsub.s32 $0x0, v50;
	v52 =	vmov s22;
	v20 =	vadd.s32 v22, v20  }
0x246: {  	[tilespmem:$0x11080] =	vst v7;
	v22 =	vsub.s32 $0x0, v52;
	s29 =	spop (v2sf);
	v7 =	vadd.s32 v48, v15;
	v15 =	vbroadcast v51, $0x0  }
0x247: {  	[tilespmem:$0x110C0] =	vst v9;
	v9 =	vsub.s32 v55, v39;
	vm11 =	vge.s32 v20, s18;
	v22 =	vbroadcast v22, $0x0;
	s22 =	sadd.s32 s22, s29;
	s30 =	spop (v2sf)  }
0x248: {  	v49 =	vmpcnt.ones.xlane vm11;
	v53 =	vmov s22;
	s22 =	sadd.s32 s22, s30;
	v5 =	vadd.s32 v15, v5  }
0x249: {  	[tilespmem:$0x11180] =	vst v1;
	v6 =	vadd.s32 v22, v6;
	v54 =	vsub.s32 $0x0, v53;
	v56 =	vmov s22  }
0x24a: {  	[tilespmem:$0x110B0] =	vst v8;
	v7 =	vadd.s32 v49, v7;
	v8 =	vbroadcast v54, $0x0;
	v57 =	vsub.s32 $0x0, v56  }
0x24b: {  	[tilespmem:$0x110D0] =	vst v10;
	v58, _, _ =	vpop (xrf0);
	vm12 =	vge.s32 v5, s18;
	vm13 =	vge.s32 v6, s18;
	v10 =	vbroadcast v57, $0x0  }
0x24c: {  	[tilespmem:$0x110E0] =	vst v12;
	v60 =	vmpcnt.ones.xlane vm12;
	v8 =	vadd.s32 v8, v9;
	v9 =	vsub.s32 v59, v58  }
0x24d: {  	[tilespmem:$0x110F0] =	vst v14;
	v61 =	vmpcnt.ones.xlane vm13;
	v9 =	vadd.s32 v10, v9;
	vm14 =	vge.s32 v8, s18  }
0x24e: {  	[tilespmem:$0x11100] =	vst v18;
	v7 =	vadd.s32 v60, v7;
	v62 =	vmpcnt.ones.xlane vm14;
	vm15 =	vge.s32 v9, s18  }
0x24f: {  	[tilespmem:$0x11110] =	vst v11;
	v7 =	vadd.s32 v61, v7;
	v63 =	vmpcnt.ones.xlane vm15  }
0x250: {  	[tilespmem:$0x11120] =	vst v16;
	v7 =	vadd.s32 v62, v7  }
0x251: {  	[tilespmem:$0x11140] =	vst v5;
	v5 =	vadd.s32 v63, v7  }
0x252: {  	[tilespmem:$0x11130] =	vst v20  }
0x253: {  	[tilespmem:$0x11150] =	vst v6;
	v6 =	vadd.s32 $0xFFFFFFFF, v5  }
0x254: {  	[tilespmem:$0x11160] =	vst v8  }
0x255: {  	[tilespmem:$0x11170] =	vst v9  }
0x256: {  	v7 =	vld.idx.msk [tilespmem:v5+s12+$0x0], $0xffff;
	_ =	sdelay $0x1  }
0x257: {  	v6 =	vld.idx.msk [tilespmem:v6+s12+$0x0], $0xffff;
	_ =	sdelay $0x2  }
0x258: {  	v7 =	vxor.u32 $0x80000000, v7  }
0x259: {  	v5 =	vxor.u32 $0x80000000, v5;
	(xrf0) =	vmax.scan.msk.u32 $0xffff, v7  }
0x25a: {  	(xrf0) =	vmax.scan.msk.u32 $0xffff, v5;
	v5 =	vxor.u32 $0x80000000, v6  }
0x25b: {  	(xrf0) =	vmax.scan.msk.u32 $0xffff, v5;
	_ =	sdelay $0x3  }
0x25c: {  	v5, _, _ =	vpop (xrf0)  }
0x25d: {  	v6, _, _ =	vpop (xrf0);
	(v2sf) =	vpush v5, $0xF  }
0x25e: {  	(v2sf) =	vpush v6, $0xF;
	v5, _, _ =	vpop (xrf0)  }
0x25f: {  	(v2sf) =	vpush v5, $0xF;
	_ =	sdelay $0xa  }
.Ltmp31:
0x260: {  	_ = 	snop;
	(pc) =	sbr.rel @p1 .LBB2_64-.Ltmp31, $4  }
0x261: {  	_ = 	snop  }
0x262: {  	s22 =	spop (v2sf)  }
0x263: {  	s31 =	spop (v2sf)  }
0x264: {  	s21 =	sadd.s32 $0x7FFFFFFF, s31;
	s23 =	spop (v2sf)  }
.Ltmp32:
0x265: {  	(pc) =	sbr.rel @!p0 .LBB2_59-.Ltmp32, $3  }
0x266: {  	_ =	sdelay $0x1  }
0x267: {  	s25 =	simm.s32 $0x8000  }
0x268: {  	v5 =	vmov s21;
	v7 =	vimm.s32 $0x0;
	s24 =	simm.s32 $0x0;
	s20 =	sadd.s32 $0xFFFFFFFF, s20;
	p1 =	por $0x0, $0x0;
	v6 =	vld [tilespmem:s25+$0x0]  }
0x269: {  	_ =	sdelay $0x3  }
0x26a: {  	v8 =	vshrl.u32 v6, $0x8  }
0x26b: {  	v9 =	vor.u32 s24, v0;
	v8 =	vand.u32 $0xFF, v8  }
0x26c: {  	vm0 =	vlt.s32 v9, v4;
	vm1 =	veq.s32 v8, v5  }
0x26d: {  	vm0 =	vmand vm0, vm1  }
0x26e: {  	v8 =	vsel vm0, $0x1, v1  }
0x26f: {  	(xrf0) =	vadd.scan.msk.s32 $0xffff, v8;
	_ =	sdelay $0x4  }
0x270: {  	v8 =	vsel vm0, $0xFFFFFFFF, v1  }
0x271: {  	v8 =	vadd.s32 v8, v7;
	v9, _, _ =	vpop (xrf0)  }
0x272: {  	v8 =	vadd.s32 v9, v8  }
0x273: {  	p0 =	sne.s32 s20, $0x1  }
.Ltmp33:
0x274: {  	_ = 	snop;
	(pc) =	sbr.rel @!p0 .LBB2_61-.Ltmp33, $3  }
0x275: {  	v9 =	vmpcnt.ones.xlane vm0;
	_ =	sdelay $0x1  }
0x276: {  	s25 =	simm.s32 $0x8010;
	v7 =	vadd.s32 v7, v9;
	[tilespmem:v8+s13+$0x0] =	vst.idx.msk vm0, v6  }
0x277: {  	s26 =	sadd.s32 $0xFFFFFFFF, s20;
	p1 =	por $0x1, $0x1;
	s20 =	simm.s32 $0x0;
	v8 =	vmov v7;
	v6 =	vld [tilespmem:s25+$0x0]  }
.LBB2_62:
0x278: {  	p0 =	sne.s32 s26, $0x1;
	_ =	sdelay $0x3  }
0x279: {  	s20 =	sadd.s32 $0x10, s20;
	v9 =	vshrl.u32 v6, $0x8  }
0x27a: {  	v10 =	vor.u32 s20, v0;
	v9 =	vand.u32 $0xFF, v9  }
0x27b: {  	vm0 =	vlt.s32 v10, v4;
	vm1 =	veq.s32 v9, v5  }
0x27c: {  	vm0 =	vmand vm0, vm1  }
0x27d: {  	v9 =	vsel vm0, $0x1, v1;
	v10 =	vmpcnt.ones.xlane vm0  }
0x27e: {  	(xrf0) =	vadd.scan.msk.s32 $0xffff, v9  }
0x27f: {  	v8 =	vadd.s32 v8, v10;
	_ =	sdelay $0x3  }
0x280: {  	v9 =	vsel vm0, $0xFFFFFFFF, v1  }
0x281: {  	v9 =	vadd.s32 v9, v7;
	v7 =	vmov v8;
	v10, _, _ =	vpop (xrf0)  }
0x282: {  	v9 =	vadd.s32 v10, v9;
	_ =	sdelay $0x1  }
.Ltmp34:
0x283: {  	(pc) =	sbr.rel @p0 .LBB2_62-.Ltmp34, $3  }
0x284: {  	_ =	sdelay $0x1  }
0x285: {  	s25 =	sadd.s32 $0x10, s25;
	[tilespmem:v9+s13+$0x0] =	vst.idx.msk vm0, v6  }
0x286: {  	s26 =	sadd.s32 $0xFFFFFFFF, s26;
	v6 =	vld [tilespmem:s25+$0x0]  }
.LBB2_63:
0x287: {  	_ =	sdelay $0x2  }
0x288: {  	s20 =	sadd.s32 @p1 $0x10, s20  }
0x289: {  	s24 =	smov.u32 @p1 s20;
	v8 =	vshrl.u32 v6, $0x8  }
0x28a: {  	v9 =	vor.u32 s24, v0;
	v8 =	vand.u32 $0xFF, v8  }
0x28b: {  	vm0 =	vlt.s32 v9, v4;
	vm1 =	veq.s32 v8, v5  }
0x28c: {  	vm0 =	vmand vm0, vm1  }
0x28d: {  	v4 =	vsel vm0, $0x1, v1  }
0x28e: {  	(xrf0) =	vadd.scan.msk.s32 $0xffff, v4;
	_ =	sdelay $0x4  }
0x28f: {  	v4 =	vsel vm0, $0xFFFFFFFF, v1  }
0x290: {  	v4 =	vadd.s32 v4, v7;
	v5, _, _ =	vpop (xrf0)  }
0x291: {  	v4 =	vadd.s32 v5, v4;
	_ =	sdelay $0x4  }
0x292: {  	[tilespmem:v4+s13+$0x0] =	vst.idx.msk vm0, v6  }
.LBB2_64:
0x293: {  	s20 =	sxor.u32 $0x80000000, s22;
	s31 =	sxor.u32 $0x80000000, s23  }
0x294: {  	s21 =	sshll.u32 s21, $0x8;
	s22 =	simm.s32 $0x40;
	s18 =	ssub.s32 s18, s20  }
0x295: {  	s20 =	ssub.s32 s31, s20;
	s19 =	sor.u32 s21, s19;
	s21 =	simm.s32 $0x0  }
.LBB2_65:
0x296: {  	p0 =	sne.s32 s22, $0x3FC0;
	[tilespmem:s21+$0x10080] =	vst v1;
	s21 =	smov.u32 s22;
	s22 =	sadd.s32 $0x40, s22  }
.Ltmp35:
0x297: {  	(pc) =	sbr.rel @p0 .LBB2_65-.Ltmp35, $2  }
0x298: {  	_ =	sdelay $0x2  }
0x299: {  	s21 =	sshra.s32 s21, $0x2  }
0x29a: {  	s22 =	sadd.s32 $0xF, s20  }
0x29b: {  	s23 =	sand.u32 $0xF, s22  }
0x29c: {  	s24 =	sshra.s32 s22, $0x1F;
	p0 =	slt.s32 s22, $0x1;
	p1 =	sne.s32 s23, $0x0  }
0x29d: {  	s31 =	sshrl.u32 s24, $0x1C;
	p0 =	por !p0, !p1  }
0x29e: {  	s23 =	simm.s32 $0x1;
	s22 =	sadd.s32 s31, s22;
	p0 =	por !p0, !p0  }
0x29f: {  	s22 =	sshra.s32 s22, $0x4;
	s23 =	simm.s32 @!p0 $0x0  }
0x2a0: {  	s22 =	ssub.s32 s22, s23  }
0x2a1: {  	p0 =	slt.s32 s22, $0x1  }
.Ltmp36:
0x2a2: {  	_ = 	snop;
	(pc) =	sbr.rel @p0 .LBB2_73-.Ltmp36, $2  }
0x2a3: {  	_ =	sdelay $0x2  }
0x2a4: {  	[tilespmem:s21+$0x10080] =	vst v1  }
0x2a5: {  	p1 =	sne.s32 s22, $0x1  }
.Ltmp37:
0x2a6: {  	_ = 	snop;
	(pc) =	sbr.rel @!p1 .LBB2_68-.Ltmp37, $3  }
0x2a7: {  	_ =	sdelay $0x1  }
0x2a8: {  	s23 =	simm.s32 $0x8000  }
0x2a9: {  	v4 =	vmov s20;
	s21 =	simm.s32 $0x0;
	s22 =	sadd.s32 $0xFFFFFFFF, s22;
	p0 =	por $0x0, $0x0;
	v5 =	vmul.u32 $0x100, v0;
	v6 =	vld [tilespmem:s23+$0x0]  }
0x2aa: {  	_ =	sdelay $0x2  }
0x2ab: {  	v7 =	vor.u32 s21, v0  }
0x2ac: {  	vm0 =	vlt.s32 v7, v4;
	v6 =	vand.u32 $0xFF, v6  }
0x2ad: {  	v6 =	vor.u32 v5, v6  }
0x2ae: {  	p1 =	sne.s32 s22, $0x1  }
.Ltmp38:
0x2af: {  	_ = 	snop;
	(pc) =	sbr.rel @!p1 .LBB2_70-.Ltmp38, $3  }
0x2b0: {  	_ =	sdelay $0x1  }
0x2b1: {  	s23 =	simm.s32 $0x8010;
	[tilespmem:v6+s14+$0x0] =	vst.idx.add.s32.msk vm0, v3  }
0x2b2: {  	s24 =	sadd.s32 $0xFFFFFFFF, s22;
	p0 =	por $0x1, $0x1;
	s22 =	simm.s32 $0x0;
	v6 =	vld [tilespmem:s23+$0x0]  }
.LBB2_71:
0x2b3: {  	p1 =	sne.s32 s24, $0x1;
	_ =	sdelay $0x1  }
0x2b4: {  	s22 =	sadd.s32 $0x10, s22  }
0x2b5: {  	v7 =	vor.u32 s22, v0  }
0x2b6: {  	vm0 =	vlt.s32 v7, v4;
	v6 =	vand.u32 $0xFF, v6  }
0x2b7: {  	v6 =	vor.u32 v5, v6;
	_ =	sdelay $0x1  }
.Ltmp39:
0x2b8: {  	(pc) =	sbr.rel @p1 .LBB2_71-.Ltmp39, $3  }
0x2b9: {  	_ =	sdelay $0x1  }
0x2ba: {  	s23 =	sadd.s32 $0x10, s23;
	[tilespmem:v6+s14+$0x0] =	vst.idx.add.s32.msk vm0, v3  }
0x2bb: {  	s24 =	sadd.s32 $0xFFFFFFFF, s24;
	v6 =	vld [tilespmem:s23+$0x0]  }
.LBB2_72:
0x2bc: {  	_ = 	snop  }
0x2bd: {  	s22 =	sadd.s32 @p0 $0x10, s22  }
0x2be: {  	s21 =	smov.u32 @p0 s22  }
0x2bf: {  	v7 =	vor.u32 s21, v0  }
0x2c0: {  	vm0 =	vlt.s32 v7, v4;
	v4 =	vand.u32 $0xFF, v6  }
0x2c1: {  	v4 =	vor.u32 v5, v4;
	_ =	sdelay $0x4  }
0x2c2: {  	[tilespmem:v4+s14+$0x0] =	vst.idx.add.s32.msk vm0, v3  }
.LBB2_73:
0x2c3: {  	s22 =	simm.s32 $0x0  }
0x2c4: {  	s23 =	sand.u32 $0x7F0, s22  }
0x2c5: {  	s21 =	simm.s32 $0x10080;
	s24 =	simm.s32 $0x10;
	v4 =	vld [tilespmem:s23+$0x10880];
	s23 =	simm.s32 $0x10080  }
.LBB2_74:
0x2c6: {  	p0 =	sne.s32 s24, $0x7F0;
	v5 =	vld [tilespmem:s23+$0x0];
	_ =	sdelay $0x2  }
.Ltmp40:
0x2c7: {  	(pc) =	sbr.rel @p0 .LBB2_74-.Ltmp40, $4  }
0x2c8: {  	_ = 	snop  }
0x2c9: {  	v4 =	vadd.s32 v5, v4  }
0x2ca: {  	s25 =	sand.u32 $0x7F0, s24;
	[tilespmem:s23+$0x0] =	vst v4  }
0x2cb: {  	s24 =	sadd.s32 $0x10, s24;
	s23 =	sadd.s32 $0x10, s23;
	v4 =	vld [tilespmem:s25+$0x10880]  }
0x2cc: {  	v5 =	vld [tilespmem:s23+$0x0];
	_ =	sdelay $0x4  }
0x2cd: {  	v4 =	vadd.s32 v5, v4  }
0x2ce: {  	s22 =	sand.u32 $0x3F0, s22;
	[tilespmem:s23+$0x0] =	vst v4  }
0x2cf: {  	v4 =	vld [tilespmem:s22+$0x10480];
	s22 =	simm.s32 $0x10  }
.LBB2_76:
0x2d0: {  	p0 =	sne.s32 s22, $0x3F0;
	v5 =	vld [tilespmem:s21+$0x0];
	_ =	sdelay $0x2  }
.Ltmp41:
0x2d1: {  	(pc) =	sbr.rel @p0 .LBB2_76-.Ltmp41, $4  }
0x2d2: {  	_ = 	snop  }
0x2d3: {  	v4 =	vadd.s32 v5, v4  }
0x2d4: {  	s23 =	sand.u32 $0x3F0, s22;
	[tilespmem:s21+$0x0] =	vst v4  }
0x2d5: {  	s22 =	sadd.s32 $0x10, s22;
	s21 =	sadd.s32 $0x10, s21;
	v4 =	vld [tilespmem:s23+$0x10480]  }
0x2d6: {  	v5 =	vld [tilespmem:s21+$0x0];
	_ =	sdelay $0x4  }
0x2d7: {  	s22 =	simm.s32 $0x0;
	v4 =	vadd.s32 v5, v4  }
0x2d8: {  	s23 =	sand.u32 $0x1F0, s22;
	[tilespmem:s21+$0x0] =	vst v4  }
0x2d9: {  	s24 =	simm.s32 $0x10;
	s21 =	simm.s32 $0x10080;
	v4 =	vld [tilespmem:s23+$0x10280];
	s23 =	simm.s32 $0x10080  }
.LBB2_78:
0x2da: {  	p0 =	sne.s32 s24, $0x1F0;
	v5 =	vld [tilespmem:s23+$0x0];
	_ =	sdelay $0x2  }
.Ltmp42:
0x2db: {  	(pc) =	sbr.rel @p0 .LBB2_78-.Ltmp42, $4  }
0x2dc: {  	_ = 	snop  }
0x2dd: {  	v4 =	vadd.s32 v5, v4  }
0x2de: {  	s25 =	sand.u32 $0x1F0, s24;
	[tilespmem:s23+$0x0] =	vst v4  }
0x2df: {  	s24 =	sadd.s32 $0x10, s24;
	s23 =	sadd.s32 $0x10, s23;
	v4 =	vld [tilespmem:s25+$0x10280]  }
0x2e0: {  	v5 =	vld [tilespmem:s23+$0x0];
	_ =	sdelay $0x4  }
0x2e1: {  	v4 =	vadd.s32 v5, v4  }
0x2e2: {  	s22 =	sand.u32 $0xF0, s22;
	[tilespmem:s23+$0x0] =	vst v4  }
0x2e3: {  	v4 =	vld [tilespmem:s22+$0x10180];
	s22 =	simm.s32 $0x10  }
.LBB2_80:
0x2e4: {  	p0 =	sne.s32 s22, $0xF0;
	v5 =	vld [tilespmem:s21+$0x0];
	_ =	sdelay $0x2  }
.Ltmp43:
0x2e5: {  	(pc) =	sbr.rel @p0 .LBB2_80-.Ltmp43, $4  }
0x2e6: {  	_ = 	snop  }
0x2e7: {  	v4 =	vadd.s32 v5, v4  }
0x2e8: {  	s23 =	sand.u32 $0xF0, s22;
	[tilespmem:s21+$0x0] =	vst v4  }
0x2e9: {  	s22 =	sadd.s32 $0x10, s22;
	s21 =	sadd.s32 $0x10, s21;
	v4 =	vld [tilespmem:s23+$0x10180]  }
0x2ea: {  	v5 =	vld [tilespmem:s21+$0x0];
	_ =	sdelay $0x4  }
0x2eb: {  	v4 =	vadd.s32 v5, v4  }
0x2ec: {  	[tilespmem:s21+$0x0] =	vst v4  }
0x2ed: {  	v4 =	vld [tilespmem:$0x10080]  }
0x2ee: {  	v5 =	vld [tilespmem:$0x10090];
	_ =	sdelay $0x3  }
0x2ef: {  	(xrf0) =	vadd.scan.msk.s32 $0xffff, v4  }
0x2f0: {  	v7 =	vld [tilespmem:$0x100A0];
	(xrf0) =	vadd.scan.msk.s32 $0xffff, v5;
	_ =	sdelay $0x2  }
0x2f1: {  	v8 =	vld [tilespmem:$0x100B0];
	_ =	sdelay $0x1  }
0x2f2: {  	v6, _, _ =	vpop (xrf0);
	(xrf0) =	vadd.scan.msk.s32 $0xffff, v7  }
0x2f3: {  	(v2sf) =	vpush v6, $0xF;
	v9, _, _ =	vpop (xrf0)  }
0x2f4: {  	(v2sf) =	vpush v9, $0xF  }
0x2f5: {  	v10 =	vld [tilespmem:$0x100C0];
	(xrf0) =	vadd.scan.msk.s32 $0xffff, v8;
	_ =	sdelay $0x2  }
0x2f6: {  	v12, _, _ =	vpop (xrf0)  }
0x2f7: {  	(v2sf) =	vpush v12, $0xF  }
0x2f8: {  	v11 =	vld [tilespmem:$0x100D0];
	(xrf0) =	vadd.scan.msk.s32 $0xffff, v10  }
0x2f9: {  	v14, _, _ =	vpop (xrf0)  }
0x2fa: {  	v13 =	vld [tilespmem:$0x100E0];
	(v2sf) =	vpush v14, $0xF  }
0x2fb: {  	v16 =	vld [tilespmem:$0x100F0];
	_ =	sdelay $0x1  }
0x2fc: {  	(xrf0) =	vadd.scan.msk.s32 $0xffff, v11  }
0x2fd: {  	v15, _, _ =	vpop (xrf0)  }
0x2fe: {  	v17 =	vld [tilespmem:$0x10100];
	(xrf0) =	vadd.scan.msk.s32 $0xffff, v13;
	(v2sf) =	vpush v15, $0xF  }
0x2ff: {  	(xrf0) =	vadd.scan.msk.s32 $0xffff, v16;
	s31 =	spop (v2sf)  }
0x300: {  	v20 =	vld [tilespmem:$0x10110];
	v4 =	vsub.s32 v4, v6;
	v6 =	vsub.s32 $0x0, v6;
	s22 =	spop (v2sf)  }
0x301: {  	v23 =	vld [tilespmem:$0x10120];
	v7 =	vadd.s32 s20, v7;
	v21 =	vbroadcast v6, $0xF;
	s21 =	sadd.s32 s31, s22  }
0x302: {  	v6 =	vadd.s32 s20, v4;
	v4 =	vadd.s32 s20, v5;
	v18, _, _ =	vpop (xrf0);
	v22 =	vmov s21  }
0x303: {  	v4 =	vadd.s32 v21, v4;
	(xrf0) =	vadd.scan.msk.s32 $0xffff, v17;
	(v2sf) =	vpush v18, $0xF;
	v5 =	vsub.s32 $0x0, v22  }
0x304: {  	vm0 =	vge.s32 v6, s18;
	v4 =	vsub.s32 v4, v9;
	v19, _, _ =	vpop (xrf0);
	v5 =	vbroadcast v5, $0x0  }
0x305: {  	v9 =	vmpcnt.ones.xlane vm0;
	v7 =	vsub.s32 v7, v12;
	(xrf0) =	vadd.scan.msk.s32 $0xffff, v20;
	(v2sf) =	vpush v19, $0xF;
	v63, _, _ =	vpop (xrf0);
	s23 =	spop (v2sf)  }
0x306: {  	vm13 =	vge.s32 v4, s18;
	(xrf0) =	vadd.scan.msk.s32 $0xffff, v23;
	(v2sf) =	vpush v63, $0xF;
	v5 =	vadd.s32 v5, v7;
	s21 =	sadd.s32 s21, s23  }
0x307: {  	v25 =	vld [tilespmem:$0x10130];
	v7 =	vmpcnt.ones.xlane vm13;
	vm14 =	vge.s32 v5, s18;
	v62 =	vmov s21  }
0x308: {  	v26 =	vld [tilespmem:$0x10140];
	v8 =	vadd.s32 s20, v8;
	s24 =	spop (v2sf);
	v31 =	vmpcnt.ones.xlane vm14;
	v12 =	vsub.s32 $0x0, v62  }
0x309: {  	v8 =	vsub.s32 v8, v14;
	v24, _, _ =	vpop (xrf0);
	s21 =	sadd.s32 s21, s24;
	v7 =	vadd.s32 v9, v7;
	v12 =	vbroadcast v12, $0x0  }
0x30a: {  	v33 =	vld [tilespmem:$0x10150];
	(v2sf) =	vpush v24, $0xF;
	v9 =	vmov s21;
	v32 =	vadd.s32 v31, v7  }
0x30b: {  	v7 =	vadd.s32 v12, v8;
	v8 =	vsub.s32 $0x0, v9;
	v9 =	vadd.s32 s20, v10;
	v10, _, _ =	vpop (xrf0)  }
0x30c: {  	v50 =	vadd.s32 s20, v23;
	v53 =	vadd.s32 s20, v25;
	v35, _, _ =	vpop (xrf0);
	(xrf0) =	vadd.scan.msk.s32 $0xffff, v25  }
0x30d: {  	[tilespmem:$0x11090] =	vst v4;
	v4 =	vadd.s32 s20, v26;
	v11 =	vadd.s32 s20, v11;
	s25 =	spop (v2sf);
	(v2sf) =	vpush v10, $0xF  }
0x30e: {  	v27 =	vld [tilespmem:$0x10160];
	v13 =	vadd.s32 s20, v13;
	v16 =	vadd.s32 s20, v16;
	v17 =	vadd.s32 s20, v17;
	(xrf0) =	vadd.scan.msk.s32 $0xffff, v26  }
0x30f: {  	v11 =	vsub.s32 v11, v18;
	v20 =	vadd.s32 s20, v20;
	v13 =	vsub.s32 v13, v19;
	(xrf0) =	vadd.scan.msk.s32 $0xffff, v33  }
0x310: {  	v16 =	vsub.s32 v16, v63;
	v17 =	vsub.s32 v17, v24;
	v12 =	vadd.s32 s20, v33  }
0x311: {  	vm15 =	vge.s32 v7, s18;
	v8 =	vbroadcast v8, $0x0;
	v9 =	vsub.s32 v9, v15  }
0x312: {  	s21 =	sadd.s32 s21, s25;
	v10 =	vsub.s32 v20, v10;
	v34 =	vmpcnt.ones.xlane vm15;
	s26 =	spop (v2sf);
	(v2sf) =	vpush v35, $0xF;
	v39, _, _ =	vpop (xrf0)  }
0x313: {  	v8 =	vadd.s32 v8, v9;
	v9 =	vmov s21;
	(xrf0) =	vadd.scan.msk.s32 $0xffff, v27;
	(v2sf) =	vpush v39, $0xF  }
0x314: {  	v15 =	vsub.s32 v50, v35;
	vm4 =	vge.s32 v8, s18;
	v9 =	vsub.s32 $0x0, v9;
	s21 =	sadd.s32 s21, s26;
	v40, _, _ =	vpop (xrf0)  }
0x315: {  	s28 =	spop (v2sf);
	v9 =	vbroadcast v9, $0x0;
	v36 =	vmov s21;
	(v2sf) =	vpush v40, $0xF;
	v44, _, _ =	vpop (xrf0)  }
0x316: {  	v28 =	vmpcnt.ones.xlane vm4;
	s21 =	sadd.s32 s21, s28;
	v37 =	vsub.s32 $0x0, v36;
	s29 =	spop (v2sf);
	(v2sf) =	vpush v44, $0xF  }
0x317: {  	v38 =	vmov s21;
	v9 =	vadd.s32 v9, v11;
	v11 =	vbroadcast v37, $0x0  }
0x318: {  	v14 =	vadd.s32 v34, v32;
	[tilespmem:$0x110C0] =	vst v8;
	v8 =	vadd.s32 s20, v27;
	v41 =	vsub.s32 $0x0, v38  }
0x319: {  	v14 =	vadd.s32 v28, v14;
	vm5 =	vge.s32 v9, s18;
	v11 =	vadd.s32 v11, v13;
	v47, _, _ =	vpop (xrf0)  }
0x31a: {  	v13 =	vbroadcast v41, $0x0;
	vm6 =	vge.s32 v11, s18;
	s21 =	sadd.s32 s21, s29;
	s30 =	spop (v2sf);
	(v2sf) =	vpush v47, $0xF  }
0x31b: {  	v42 =	vmpcnt.ones.xlane vm5;
	v43 =	vmpcnt.ones.xlane vm6;
	v46 =	vmov s21;
	s21 =	sadd.s32 s21, s30  }
0x31c: {  	v13 =	vadd.s32 v13, v16;
	v21 =	vsub.s32 $0x0, v46;
	v29 =	vmov s21;
	s31 =	spop (v2sf)  }
0x31d: {  	v14 =	vadd.s32 v42, v14;
	v21 =	vbroadcast v21, $0x0;
	v29 =	vsub.s32 $0x0, v29;
	s21 =	sadd.s32 s21, s31  }
0x31e: {  	vm7 =	vge.s32 v13, s18;
	v48 =	vbroadcast v29, $0x0;
	v49 =	vmov s21  }
0x31f: {  	v45 =	vmpcnt.ones.xlane vm7;
	v17 =	vadd.s32 v21, v17;
	v18 =	vsub.s32 $0x0, v49  }
0x320: {  	v10 =	vadd.s32 v48, v10;
	vm8 =	vge.s32 v17, s18;
	v18 =	vbroadcast v18, $0x0  }
0x321: {  	v14 =	vadd.s32 v43, v14;
	v52 =	vmpcnt.ones.xlane vm8;
	vm9 =	vge.s32 v10, s18;
	s23 =	spop (v2sf)  }
0x322: {  	v55 =	vld [tilespmem:$0x10170];
	v14 =	vadd.s32 v45, v14;
	v56 =	vmpcnt.ones.xlane vm9;
	s21 =	sadd.s32 s21, s23;
	v15 =	vadd.s32 v18, v15;
	s24 =	spop (v2sf)  }
0x323: {  	v14 =	vadd.s32 v52, v14;
	v51 =	vmov s21;
	vm10 =	vge.s32 v15, s18;
	s21 =	sadd.s32 s21, s24  }
0x324: {  	v20 =	vsub.s32 $0x0, v51;
	s25 =	spop (v2sf);
	v57 =	vmpcnt.ones.xlane vm10;
	v59 =	vmov s21  }
0x325: {  	v14 =	vadd.s32 v56, v14;
	v20 =	vbroadcast v20, $0x0;
	s21 =	sadd.s32 s21, s25;
	s26 =	spop (v2sf);
	v60 =	vsub.s32 $0x0, v59  }
0x326: {  	[tilespmem:$0x11080] =	vst v6;
	v6 =	vadd.s32 v57, v14;
	v61 =	vmov s21;
	s21 =	sadd.s32 s21, s26;
	v14 =	vbroadcast v60, $0x0  }
0x327: {  	v54 =	vsub.s32 v53, v39;
	(xrf0) =	vadd.scan.msk.s32 $0xffff, v55;
	v4 =	vsub.s32 v4, v40;
	v62 =	vmov s21  }
0x328: {  	[tilespmem:$0x110B0] =	vst v7;
	v18 =	vadd.s32 v20, v54;
	v7 =	vadd.s32 v14, v4;
	v4 =	vsub.s32 $0x0, v62  }
0x329: {  	vm11 =	vge.s32 v18, s18;
	v20 =	vsub.s32 $0x0, v61;
	s28 =	spop (v2sf);
	v4 =	vbroadcast v4, $0x0  }
0x32a: {  	[tilespmem:$0x110A0] =	vst v5;
	v5 =	vsub.s32 v12, v44;
	v58 =	vmpcnt.ones.xlane vm11;
	v20 =	vbroadcast v20, $0x0;
	s21 =	sadd.s32 s21, s28  }
0x32b: {  	[tilespmem:$0x110E0] =	vst v11;
	v11 =	vadd.s32 s20, v55;
	v8 =	vsub.s32 v8, v47;
	v63 =	vmov s21  }
0x32c: {  	[tilespmem:$0x110D0] =	vst v9;
	v6 =	vadd.s32 v58, v6;
	v5 =	vadd.s32 v20, v5;
	v9 =	vsub.s32 $0x0, v63  }
0x32d: {  	vm12 =	vge.s32 v7, s18;
	v8 =	vadd.s32 v4, v8;
	v9 =	vbroadcast v9, $0x0;
	v4, _, _ =	vpop (xrf0)  }
0x32e: {  	[tilespmem:$0x110F0] =	vst v13;
	vm13 =	vge.s32 v5, s18;
	v4 =	vsub.s32 v11, v4;
	v11 =	vmpcnt.ones.xlane vm12  }
0x32f: {  	[tilespmem:$0x11100] =	vst v17;
	vm14 =	vge.s32 v8, s18;
	v9 =	vadd.s32 v9, v4;
	v4 =	vmpcnt.ones.xlane vm13  }
0x330: {  	[tilespmem:$0x11110] =	vst v10;
	v10 =	vmpcnt.ones.xlane vm14;
	v6 =	vadd.s32 v11, v6;
	vm15 =	vge.s32 v9, s18  }
0x331: {  	[tilespmem:$0x11120] =	vst v15;
	v4 =	vadd.s32 v4, v6;
	v6 =	vmpcnt.ones.xlane vm15  }
0x332: {  	[tilespmem:$0x11130] =	vst v18;
	v10 =	vadd.s32 v10, v4  }
0x333: {  	[tilespmem:$0x11140] =	vst v7;
	v6 =	vadd.s32 v6, v10  }
0x334: {  	[tilespmem:$0x11150] =	vst v5  }
0x335: {  	[tilespmem:$0x11160] =	vst v8  }
0x336: {  	[tilespmem:$0x11170] =	vst v9;
	v4 =	vimm.s32 $0x0  }
0x337: {  	[tilespmem:$0x11180] =	vst v4  }
0x338: {  	v5 =	vld.idx.msk [tilespmem:v6+s12+$0x0], $0xffff;
	_ =	sdelay $0x4  }
0x339: {  	v5 =	vxor.u32 $0x80000000, v5  }
0x33a: {  	(xrf0) =	vmax.scan.msk.u32 $0xffff, v5;
	v5 =	vxor.u32 $0x80000000, v6  }
0x33b: {  	(xrf0) =	vmax.scan.msk.u32 $0xffff, v5;
	_ =	sdelay $0x4  }
0x33c: {  	v5, _, _ =	vpop (xrf0)  }
0x33d: {  	(v2sf) =	vpush v5, $0xF;
	v5, _, _ =	vpop (xrf0)  }
0x33e: {  	(v2sf) =	vpush v5, $0xF;
	_ =	sdelay $0xd  }
0x33f: {  	s29 =	spop (v2sf)  }
0x340: {  	s30 =	spop (v2sf)  }
0x341: {  	s21 =	sadd.s32 $0x7FFFFFFF, s30  }
0x342: {  	s20 =	sxor.u32 $0x80000000, s29;
	s19 =	sor.u32 s21, s19  }
0x343: {  	v8 =	vimm.s32 $0x0;
	v9 =	vimm.s32 $0x0;
	s31 =	ssub.s32 s18, s20;
	s19 =	sxor.u32 $0x80000000, s19  }
0x344: {  	v6 =	vimm.s32 $0x0;
	s18 =	simm.s32 $0x40;
	v7 =	vmov s31;
	v5 =	vmov s19;
	s19 =	simm.s32 $0x0  }
.LBB2_82:
0x345: {  	p0 =	sne.s32 s18, $0x1FFC0;
	v10 =	vld [tilespmem:s19+$0x0];
	_ =	sdelay $0x4  }
0x346: {  	v11 =	vshra.s32 v10, $0x1F;
	v12 =	vand.u32 $0x7FFFFFFF, v10  }
0x347: {  	v12 =	vxor.u32 v12, v11  }
0x348: {  	v11 =	vsub.s32 v12, v11  }
0x349: {  	vm0 =	veq.s32 v11, v5  }
0x34a: {  	v12 =	vsel vm0, $0x1, v1;
	v13 =	vmpcnt.ones.xlane vm0  }
0x34b: {  	(xrf0) =	vadd.scan.msk.s32 $0xffff, v12  }
0x34c: {  	v4 =	vadd.s32 v4, v13;
	_ =	sdelay $0x4  }
0x34d: {  	v12, _, _ =	vpop (xrf0)  }
0x34e: {  	v12 =	vadd.s32 v8, v12;
	v8 =	vmov v4  }
0x34f: {  	vm1 =	vle.s32 v12, v7  }
0x350: {  	vm2 =	vgt.s32 v11, v5;
	vm0 =	vmand vm0, vm1  }
0x351: {  	vm0 =	vmor vm2, vm0  }
0x352: {  	v11 =	vsel vm0, $0x1, v1;
	v12 =	vmpcnt.ones.xlane vm0  }
0x353: {  	(xrf0) =	vadd.scan.msk.s32 $0xffff, v11  }
0x354: {  	v9 =	vadd.s32 v9, v12;
	_ =	sdelay $0x3  }
0x355: {  	v11 =	vsel vm0, $0xFFFFFFFF, v1  }
0x356: {  	v11 =	vadd.s32 v11, v6;
	v6 =	vmov v9;
	v12, _, _ =	vpop (xrf0)  }
0x357: {  	v11 =	vadd.s32 v12, v11  }
.Ltmp44:
0x358: {  	(pc) =	sbr.rel @p0 .LBB2_82-.Ltmp44, $2  }
0x359: {  	_ =	sdelay $0x2  }
0x35a: {  	s19 =	sshra.s32 s18, $0x2;
	s18 =	sadd.s32 $0x40, s18;
	[tilespmem:v11+s15+$0x0] =	vst.idx.msk vm0, v10  }
0x35b: {  	v4 =	vld [tilespmem:s19+$0x0];
	_ =	sdelay $0x4  }
0x35c: {  	v9 =	vshra.s32 v4, $0x1F;
	v10 =	vand.u32 $0x7FFFFFFF, v4  }
0x35d: {  	v10 =	vxor.u32 v10, v9  }
0x35e: {  	v9 =	vsub.s32 v10, v9  }
0x35f: {  	vm0 =	veq.s32 v9, v5  }
0x360: {  	v62 =	vsel vm0, $0x1, v1  }
0x361: {  	(xrf0) =	vadd.scan.msk.s32 $0xffff, v62;
	_ =	sdelay $0x5  }
0x362: {  	v10, _, _ =	vpop (xrf0)  }
0x363: {  	v8 =	vadd.s32 v8, v10  }
0x364: {  	vm1 =	vle.s32 v8, v7  }
0x365: {  	vm2 =	vgt.s32 v9, v5;
	vm0 =	vmand vm0, vm1  }
0x366: {  	vm0 =	vmor vm2, vm0  }
0x367: {  	v5 =	vsel vm0, $0x1, v1  }
0x368: {  	(xrf0) =	vadd.scan.msk.s32 $0xffff, v5;
	_ =	sdelay $0x4  }
0x369: {  	v5 =	vsel vm0, $0xFFFFFFFF, v1  }
0x36a: {  	v5 =	vadd.s32 v5, v6;
	v63, _, _ =	vpop (xrf0)  }
0x36b: {  	v5 =	vadd.s32 v63, v5;
	_ =	sdelay $0x2  }
0x36c: {  	s17 =	sadd.s32 s7, s17  }
0x36d: {  	s16 =	sadd.s32 $0x1, s16;
	s17 =	sshrl.u32 s17, $0x3  }
0x36e: {  	p0 =	sne.s32 s16, $0x4;
	s17 =	sadd.s32 s2, s17;
	[tilespmem:v5+s15+$0x0] =	vst.idx.msk vm0, v4  }
0x36f: {  	[hbm4b:s17+s9] =	stream.strided.scatter [tilespmem:s15], [sflag:$0x1], $0x400, s10, s9, $0x38;
	[tilespmem:$0x11680] =	vst v63  }
.Ltmp45:
0x370: {  	_ = 	snop;
	(pc) =	sbr.rel @p0 .LBB2_2-.Ltmp45, $4  }
.Ltmp46:
0x371: {  	_ = 	snop;
	(pc) =	sbr.rel @!p0 .LBB2_84-.Ltmp46, $4  }
0x372: {  	_ =	swait.ge [sflag:s11], $0x400  }
0x373: {  	[sflag:s11] =	ssyncset.done $0x0  }
0x374: {  	[sflag:s11] =	ssyncadd.s32 $0xFFFFFC00  }
0x375: {  	_ = 	snop  }
.LBB2_20:
.Ltmp47:
0x376: {  	(pc) =	sbr.rel .LBB2_24-.Ltmp47, $2  }
0x377: {  	_ =	sdelay $0x2  }
0x378: {  	s23 =	simm.s32 $0x0  }
.LBB2_35:
.Ltmp48:
0x379: {  	(pc) =	sbr.rel .LBB2_39-.Ltmp48, $2  }
0x37a: {  	_ =	sdelay $0x2  }
0x37b: {  	s20 =	simm.s32 $0x0  }
.LBB2_44:
.Ltmp49:
0x37c: {  	(pc) =	sbr.rel .LBB2_48-.Ltmp49, $2  }
0x37d: {  	_ =	sdelay $0x2  }
0x37e: {  	s23 =	simm.s32 $0x0  }
.LBB2_59:
.Ltmp50:
0x37f: {  	(pc) =	sbr.rel .LBB2_63-.Ltmp50, $2  }
0x380: {  	_ =	sdelay $0x2  }
0x381: {  	s20 =	simm.s32 $0x0  }
.LBB2_68:
.Ltmp51:
0x382: {  	(pc) =	sbr.rel .LBB2_72-.Ltmp51, $2  }
0x383: {  	_ =	sdelay $0x2  }
0x384: {  	s22 =	simm.s32 $0x0  }
.LBB2_22:
.Ltmp52:
0x385: {  	(pc) =	sbr.rel .LBB2_24-.Ltmp52, $2  }
0x386: {  	_ =	sdelay $0x2  }
0x387: {  	s23 =	simm.s32 $0x0  }
.LBB2_37:
.Ltmp53:
0x388: {  	(pc) =	sbr.rel .LBB2_39-.Ltmp53, $2  }
0x389: {  	_ =	sdelay $0x2  }
0x38a: {  	s20 =	simm.s32 $0x0  }
.LBB2_46:
.Ltmp54:
0x38b: {  	(pc) =	sbr.rel .LBB2_48-.Ltmp54, $2  }
0x38c: {  	_ =	sdelay $0x2  }
0x38d: {  	s23 =	simm.s32 $0x0  }
.LBB2_61:
.Ltmp55:
0x38e: {  	(pc) =	sbr.rel .LBB2_63-.Ltmp55, $2  }
0x38f: {  	_ =	sdelay $0x2  }
0x390: {  	s20 =	simm.s32 $0x0  }
.LBB2_70:
.Ltmp56:
0x391: {  	(pc) =	sbr.rel .LBB2_72-.Ltmp56, $2  }
0x392: {  	_ =	sdelay $0x2  }
0x393: {  	s22 =	simm.s32 $0x0  }
.LBB2_85:
0x394: {  	_ =	sfence.sel $0x180000  }
0x395: {  	[bflag:$0x0] =	sbarrier.arrive $0xFFFF  }
0x396: {  	p0 =	sne.s32 s4, $0x0;
	_ =	strace $0x90000047  }
0x397: {  	s0 =	sadd.s32 @!p0 $0x100000, s0;
	[bflag:$0x2] =	sbarrier.arrive $0xFFFF  }
0x398: {  	[sflag:s0] =	ssyncadd.tile.s32 @!p0 $0x1;
	_ =	shalt  }
.Lfunc_end2:
_tile_overlayer_lowered:
.L_overlay_start_2:
0x399: {  	(tag) =	ssettag $0x2  }
0x39a: {  	s0 =	rddreg [dreg:$0x0];
	s2 =	stileid.u32  }
0x39b: {  	s1 =	rddreg [dreg:$0x1];
	p0 =	sne.s32 s2, $0x0  }
0x39c: {  	s3 =	rddreg [dreg:$0x2];
	[bflag:$0x3] =	sbarrier.arrive $0xFFFF;
	s2 =	simm.s32 @!p0 $0x1C01  }
0x39d: {  	[timem:s3], [sflag:s2] =	dma.local @!p0 [hbm:s0], s1  }
0x39e: {  	s0 =	simm.s32 @!p0 $0x1  }
0x39f: {  	_ =	swait.ge @!p0 [sflag:s0], s1  }
0x3a0: {  	s1 =	ssub.s32 @!p0 $0x0, s1;
	[sflag:s0] =	ssyncset.done @!p0 $0x0  }
0x3a1: {  	[sflag:s0] =	ssyncadd.s32 @!p0 s1  }
0x3a2: {  	[bflag:$0x3] =	sbarrier.arrive $0xFFFF  }
0x3a3: {  	_ =	shalt  }

</sc_bundles>
